<compile_context>
chip_gen: v7x
topology: tpu7x:2x2x1
jax: 0.10.2.dev20260603
libtpu: 0.0.44.dev20260713+nightly
codegen_flags: <defaults>
</compile_context>

<pallas_src>
import functools

import jax
import jax.numpy as jnp
from jax import lax
from jax.experimental import pallas as pl
from jax.experimental.pallas import tpu as pltpu
from jax.experimental.pallas import tpu_sc as plsc

NC = 2
NS = 16
LN = 16
CK = 64
BN = 256


def _mesh():
  return plsc.VectorSubcoreMesh(
      core_axis_name="c", subcore_axis_name="s", num_cores=NC,
      num_subcores=NS)




def _deg_call(dst2d, npad):
  er = dst2d.shape[0]
  rpt = er // (NC * NS)
  npt = npad // NS

  @functools.partial(
      pl.kernel,
      out_type=jax.ShapeDtypeStruct((NC, npad), jnp.float32),
      mesh=_mesh(),
      scratch_types=[
          pltpu.VMEM((rpt, CK), jnp.int32),
          pltpu.VMEM((CK,), jnp.float32),
          pltpu.VMEM((npt,), jnp.float32),
          pltpu.VMEM_SHARED((npad,), jnp.float32),
          pltpu.SemaphoreType.DMA,
      ])
  def k(dst_hbm, out_hbm, idx_v, ones_v, zero_v, acc, sem):
    c = lax.axis_index("c")
    s = lax.axis_index("s")
    tid = c * NS + s

    def fill_zero(r, carry):
      zero_v[pl.ds(r * LN, LN)] = jnp.zeros((LN,), jnp.float32)
      return carry

    lax.fori_loop(0, npt // LN, fill_zero, 0)
    for j in range(CK // LN):
      ones_v[pl.ds(j * LN, LN)] = jnp.ones((LN,), jnp.float32)

    pltpu.sync_copy(zero_v, acc.at[pl.ds(s * npt, npt)])
    pltpu.sync_copy(dst_hbm.at[pl.ds(tid * rpt, rpt)], idx_v)
    plsc.subcore_barrier()

    def deg_body(j, carry):
      pltpu.async_copy(ones_v, acc.at[idx_v.at[j]], sem, add=True)
      return carry

    lax.fori_loop(0, rpt, deg_body, 0)

    def deg_drain(j, carry):
      pltpu.make_async_copy(ones_v, acc.at[idx_v.at[j]], sem).wait()
      return carry

    lax.fori_loop(0, rpt, deg_drain, 0)
    plsc.subcore_barrier()
    pltpu.sync_copy(acc.at[pl.ds(s * npt, npt)],
                    out_hbm.at[c, pl.ds(s * npt, npt)])

  return k(dst2d)


WIN = 40


NBUF = 4


def _edge_pipe(h_hbm, src_hbm, dst_hbm, base, nwin,
               src_v, dst_v, rows, gsems, ssems, acc):

  def win_body(w, carry):
    pltpu.sync_copy(src_hbm.at[pl.ds(base + w * WIN, WIN)], src_v)
    pltpu.sync_copy(dst_hbm.at[pl.ds(base + w * WIN, WIN)], dst_v)
    pltpu.async_copy(h_hbm.at[src_v.at[0]], rows[0], gsems[0])
    pltpu.async_copy(h_hbm.at[src_v.at[1]], rows[1], gsems[1])

    def body(j4, c4):
      j = j4 * NBUF
      for b in range(NBUF):
        jj = j + b
        bn = (b + 2) % NBUF
        pltpu.make_async_copy(h_hbm.at[src_v.at[jj]], rows[b],
                              gsems[b]).wait()

        @pl.when(jj >= 2)
        def _():
          pltpu.make_async_copy(rows[bn], acc.at[dst_v.at[jj]],
                                ssems[bn]).wait()

        @pl.when(jj + 2 < WIN)
        def _():
          pltpu.async_copy(h_hbm.at[src_v.at[jj + 2]], rows[bn], gsems[bn])

        pltpu.async_copy(rows[b], acc.at[dst_v.at[jj]], ssems[b], add=True)
      return c4

    lax.fori_loop(0, WIN // NBUF, body, 0)
    for jj in (WIN - 2, WIN - 1):
      b = jj % NBUF
      pltpu.make_async_copy(rows[b], acc.at[dst_v.at[jj]], ssems[b]).wait()
    return carry

  lax.fori_loop(0, nwin, win_body, 0)


def _agg1_call(h1p, src2d, dst2d, npad):
  er = src2d.shape[0]
  rpt = er // (NC * NS)
  npt = npad // NS
  h = h1p.shape[1]

  @functools.partial(
      pl.kernel,
      out_type=jax.ShapeDtypeStruct((NC, npad, h), jnp.float32),
      mesh=_mesh(),
      scratch_types=[
          pltpu.VMEM((WIN, CK), jnp.int32),
          pltpu.VMEM((WIN, CK), jnp.int32),
      ] + [pltpu.VMEM((CK, h), jnp.float32)] * NBUF
        + [pltpu.VMEM_SHARED((npad, h), jnp.float32)]
        + [pltpu.SemaphoreType.DMA] * (2 * NBUF))
  def k(h_hbm, src_hbm, dst_hbm, out_hbm, src_v, dst_v, r0, r1, r2, r3,
        acc, g0, g1, g2, g3, s0, s1, s2, s3):
    rows = (r0, r1, r2, r3)
    gsems = (g0, g1, g2, g3)
    ssems = (s0, s1, s2, s3)
    c = lax.axis_index("c")
    s = lax.axis_index("s")
    tid = c * NS + s
    pltpu.sync_copy(h_hbm.at[pl.ds(s * npt, npt)],
                    acc.at[pl.ds(s * npt, npt)])
    plsc.subcore_barrier()
    _edge_pipe(h_hbm, src_hbm, dst_hbm, tid * rpt, rpt // WIN,
               src_v, dst_v, rows, gsems, ssems, acc)
    plsc.subcore_barrier()
    pltpu.sync_copy(acc.at[pl.ds(s * npt, npt)],
                    out_hbm.at[c, pl.ds(s * npt, npt)])

  return k(h1p, src2d, dst2d)


def _agg2_call(h2a, h2b, src2d, dst2d, npad):
  er = src2d.shape[0]
  rpt = er // NS
  npt = npad // NS
  h = h2a.shape[1]

  @functools.partial(
      pl.kernel,
      out_type=(jax.ShapeDtypeStruct((npad, h), jnp.float32),
                jax.ShapeDtypeStruct((npad, h), jnp.float32)),
      mesh=_mesh(),
      scratch_types=[
          pltpu.VMEM((WIN, CK), jnp.int32),
          pltpu.VMEM((WIN, CK), jnp.int32),
      ] + [pltpu.VMEM((CK, h), jnp.float32)] * NBUF
        + [pltpu.VMEM_SHARED((npad, h), jnp.float32)]
        + [pltpu.SemaphoreType.DMA] * (2 * NBUF))
  def k(ha_hbm, hb_hbm, src_hbm, dst_hbm, outa_hbm, outb_hbm,
        src_v, dst_v, r0, r1, r2, r3,
        acc, g0, g1, g2, g3, s0, s1, s2, s3):
    rows = (r0, r1, r2, r3)
    gsems = (g0, g1, g2, g3)
    ssems = (s0, s1, s2, s3)
    c = lax.axis_index("c")
    s = lax.axis_index("s")
    for ci, h_hbm, out_hbm in ((0, ha_hbm, outa_hbm), (1, hb_hbm, outb_hbm)):

      @pl.when(c == ci)
      def _():
        pltpu.sync_copy(h_hbm.at[pl.ds(s * npt, npt)],
                        acc.at[pl.ds(s * npt, npt)])
        plsc.subcore_barrier()
        _edge_pipe(h_hbm, src_hbm, dst_hbm, s * rpt, rpt // WIN,
                   src_v, dst_v, rows, gsems, ssems, acc)
        plsc.subcore_barrier()
        pltpu.sync_copy(acc.at[pl.ds(s * npt, npt)],
                        out_hbm.at[pl.ds(s * npt, npt)])

  return k(h2a, h2b, src2d, dst2d)




def _tc1_call(xp, w1, d0, d1):
  npad, din = xp.shape
  dh = w1.shape[1]
  grid = (npad // BN,)

  def body(x_ref, w_ref, d0_ref, d1_ref, o_ref):
    dinv = lax.rsqrt(1.0 + d0_ref[...] + d1_ref[...])
    o_ref[...] = jnp.dot(x_ref[...], w_ref[...],
                         preferred_element_type=jnp.float32) * dinv[:, None]

  return pl.pallas_call(
      body,
      grid=grid,
      in_specs=[
          pl.BlockSpec((BN, din), lambda i: (i, 0)),
          pl.BlockSpec((din, dh), lambda i: (0, 0)),
          pl.BlockSpec((BN,), lambda i: (i,)),
          pl.BlockSpec((BN,), lambda i: (i,)),
      ],
      out_specs=pl.BlockSpec((BN, dh), lambda i: (i, 0)),
      out_shape=jax.ShapeDtypeStruct((npad, dh), jnp.float32),
  )(xp, w1, d0, d1)


def _tc2_call(a1a, a1b, h1p, d0, d1, b1, w2):
  npad, dh = h1p.shape
  dout = w2.shape[1]
  hh = dout // 2
  grid = (npad // BN,)

  def body(aa_ref, ab_ref, hp_ref, d0_ref, d1_ref, b1_ref, w_ref,
           oa_ref, ob_ref):
    dinv = lax.rsqrt(1.0 + d0_ref[...] + d1_ref[...])
    agg = aa_ref[...] + ab_ref[...] - hp_ref[...]
    t = jnp.maximum(agg * dinv[:, None] + b1_ref[...][None, :], 0.0)
    h2p = jnp.dot(t, w_ref[...],
                  preferred_element_type=jnp.float32) * dinv[:, None]
    oa_ref[...] = h2p[:, :hh]
    ob_ref[...] = h2p[:, hh:]

  return pl.pallas_call(
      body,
      grid=grid,
      in_specs=[
          pl.BlockSpec((BN, dh), lambda i: (i, 0)),
          pl.BlockSpec((BN, dh), lambda i: (i, 0)),
          pl.BlockSpec((BN, dh), lambda i: (i, 0)),
          pl.BlockSpec((BN,), lambda i: (i,)),
          pl.BlockSpec((BN,), lambda i: (i,)),
          pl.BlockSpec((dh,), lambda i: (0,)),
          pl.BlockSpec((dh, dout), lambda i: (0, 0)),
      ],
      out_specs=[
          pl.BlockSpec((BN, hh), lambda i: (i, 0)),
          pl.BlockSpec((BN, hh), lambda i: (i, 0)),
      ],
      out_shape=(jax.ShapeDtypeStruct((npad, hh), jnp.float32),
                 jax.ShapeDtypeStruct((npad, hh), jnp.float32)),
  )(a1a, a1b, h1p, d0, d1, b1, w2)


def _tc3_call(a2a, a2b, d0, d1, b2, batchp, ngraphs):
  npad, hh = a2a.shape
  dout = 2 * hh
  grid = (npad // BN,)
  nsteps = npad // BN

  def body(aa_ref, ab_ref, d0_ref, d1_ref, b2_ref, bt_ref, o_ref,
           accp, cnt):
    i = pl.program_id(0)

    @pl.when(i == 0)
    def _():
      accp[...] = jnp.zeros_like(accp)
      cnt[...] = jnp.zeros_like(cnt)

    dinv = lax.rsqrt(1.0 + d0_ref[...] + d1_ref[...])
    h2 = (jnp.concatenate([aa_ref[...], ab_ref[...]], axis=1)
          * dinv[:, None] + b2_ref[...][None, :])
    gids = lax.broadcasted_iota(jnp.int32, (1, ngraphs), 1)
    oh = (bt_ref[...][:, None] == gids).astype(jnp.float32)
    accp[...] += lax.dot_general(oh, h2, (((0,), (0,)), ((), ())),
                                 preferred_element_type=jnp.float32)
    cnt[...] += jnp.sum(oh, axis=0)

    @pl.when(i == nsteps - 1)
    def _():
      pooled = accp[...] / jnp.maximum(cnt[...], 1.0)[:, None]
      m = jnp.max(pooled, axis=1, keepdims=True)
      lse = jnp.log(jnp.sum(jnp.exp(pooled - m), axis=1, keepdims=True))
      o_ref[...] = pooled - m - lse

  return pl.pallas_call(
      body,
      grid=grid,
      in_specs=[
          pl.BlockSpec((BN, hh), lambda i: (i, 0)),
          pl.BlockSpec((BN, hh), lambda i: (i, 0)),
          pl.BlockSpec((BN,), lambda i: (i,)),
          pl.BlockSpec((BN,), lambda i: (i,)),
          pl.BlockSpec((dout,), lambda i: (0,)),
          pl.BlockSpec((BN,), lambda i: (i,)),
      ],
      out_specs=pl.BlockSpec((ngraphs, dout), lambda i: (0, 0)),
      out_shape=jax.ShapeDtypeStruct((ngraphs, dout), jnp.float32),
      scratch_shapes=[
          pltpu.VMEM((ngraphs, dout), jnp.float32),
          pltpu.VMEM((ngraphs,), jnp.float32),
      ],
  )(a2a, a2b, d0, d1, b2, batchp)




def kernel(x, edge_index, batch, W1, b1, W2, b2):
  n = x.shape[0]
  e = edge_index.shape[1]
  ngraphs = 64

  npad = ((n + 64 + 255) // 256) * 256
  ecell = NC * NS * CK * WIN
  epad = ((e + ecell - 1) // ecell) * ecell
  spread = 64
  pad_idx = n + (jnp.arange(epad - e, dtype=jnp.int32) % spread)
  src2d = jnp.concatenate([edge_index[0], pad_idx]).reshape(epad // CK, CK)
  dst2d = jnp.concatenate([edge_index[1], pad_idx]).reshape(epad // CK, CK)
  xp = jnp.pad(x, ((0, npad - n), (0, 0)))
  batchp = jnp.pad(batch, (0, npad - n), constant_values=ngraphs)

  degp = _deg_call(dst2d, npad)
  d0, d1 = degp[0], degp[1]
  h1p = _tc1_call(xp, W1, d0, d1)
  a1 = _agg1_call(h1p, src2d, dst2d, npad)
  h2a, h2b = _tc2_call(a1[0], a1[1], h1p, d0, d1, b1, W2)
  a2a, a2b = _agg2_call(h2a, h2b, src2d, dst2d, npad)
  return _tc3_call(a2a, a2b, d0, d1, b2, batchp, ngraphs)

# --- scband reference (transcript-rebuilt; emitter-appended) ---
"""Pipeline reference for scband-gcn-73426760892929 (READ-ONLY COPY).

The authoritative reference and input builder live on the scoring server;
editing this copy changes nothing except your own understanding.
"""

import jax, jax.numpy as jnp
import numpy as np

N = 10000
E = 160000
D_IN = 256
D_H = 128
D_OUT = 256
G = 64


def _gcn_conv(x, edge_index, W, b):
    # x: [N, d_in], edge_index: [2, E] (src, dst)
    n = x.shape[0]
    loop = jnp.arange(n, dtype=edge_index.dtype)
    src = jnp.concatenate([edge_index[0], loop])
    dst = jnp.concatenate([edge_index[1], loop])
    # linear transform first (standard GCNConv)
    h = x @ W
    # symmetric normalization D^{-1/2} (A+I) D^{-1/2}
    ones = jnp.ones_like(dst, dtype=h.dtype)
    deg = jax.ops.segment_sum(ones, dst, num_segments=n)
    deg_inv_sqrt = jnp.where(deg > 0, jax.lax.rsqrt(deg), 0.0)
    norm = deg_inv_sqrt[src] * deg_inv_sqrt[dst]
    msgs = h[src] * norm[:, None]
    out = jax.ops.segment_sum(msgs, dst, num_segments=n)
    return out + b


def _global_mean_pool(x, batch, num_graphs):
    sums = jax.ops.segment_sum(x, batch, num_segments=num_graphs)
    counts = jax.ops.segment_sum(jnp.ones((x.shape[0],), dtype=x.dtype), batch, num_segments=num_graphs)
    counts = jnp.maximum(counts, 1.0)
    return sums / counts[:, None]


def setup_inputs(seed: int = 0) -> dict:
    key = jax.random.key(seed)
    k1, k2, k3, k4, k5 = jax.random.split(key, 5)
    x = jax.random.normal(k1, (N, D_IN), dtype=jnp.float32)
    edge_index = jax.random.randint(k2, (2, E), 0, N, dtype=jnp.int32)
    batch = jnp.sort(jax.random.randint(k3, (N,), 0, G, dtype=jnp.int32))
    W1 = jax.random.normal(k4, (D_IN, D_H), dtype=jnp.float32) * (1.0 / np.sqrt(D_IN))
    b1 = jnp.zeros((D_H,), dtype=jnp.float32)
    W2 = jax.random.normal(k5, (D_H, D_OUT), dtype=jnp.float32) * (1.0 / np.sqrt(D_H))
    b2 = jnp.zeros((D_OUT,), dtype=jnp.float32)
    return {"x": x, "edge_index": edge_index, "batch": batch, "W1": W1, "b1": b1, "W2": W2, "b2": b2}


def reference(x, edge_index, batch, W1, b1, W2, b2):
    h = _gcn_conv(x, edge_index, W1, b1)
    h = jax.nn.relu(h)
    # dropout p=0.2 is identity in eval mode
    h = _gcn_conv(h, edge_index, W2, b2)
    pooled = _global_mean_pool(h, batch, G)
    return jax.nn.log_softmax(pooled, axis=1)

if __name__ == "__main__":
    import jax
    _d = setup_inputs()
    print(jax.jit(kernel)(*tuple(_d.values())))

</pallas_src>

<mosaic_0001>
#map = affine_map<(d0, d1) -> (0, 0)>
module attributes {stable_mosaic.version = 14 : i64} {
  func.func @k(%arg0: i32, %arg1: i32, %arg2: memref<10240x128xf32, #tpu.memory_space<hbm>>, %arg3: memref<10240x128xf32, #tpu.memory_space<hbm>>, %arg4: memref<2560x64xi32, #tpu.memory_space<hbm>>, %arg5: memref<2560x64xi32, #tpu.memory_space<hbm>>, %arg6: memref<10240x128xf32, #tpu.memory_space<hbm>>, %arg7: memref<10240x128xf32, #tpu.memory_space<hbm>>, %arg8: memref<40x64xi32, #tpu.memory_space<vmem>>, %arg9: memref<40x64xi32, #tpu.memory_space<vmem>>, %arg10: memref<64x128xf32, #tpu.memory_space<vmem>>, %arg11: memref<64x128xf32, #tpu.memory_space<vmem>>, %arg12: memref<64x128xf32, #tpu.memory_space<vmem>>, %arg13: memref<64x128xf32, #tpu.memory_space<vmem>>, %arg14: memref<10240x128xf32, #tpu.memory_space<vmem_shared>>, %arg15: memref<!tpu.dma_semaphore, #tpu.memory_space<semaphore_mem>>, %arg16: memref<!tpu.dma_semaphore, #tpu.memory_space<semaphore_mem>>, %arg17: memref<!tpu.dma_semaphore, #tpu.memory_space<semaphore_mem>>, %arg18: memref<!tpu.dma_semaphore, #tpu.memory_space<semaphore_mem>>, %arg19: memref<!tpu.dma_semaphore, #tpu.memory_space<semaphore_mem>>, %arg20: memref<!tpu.dma_semaphore, #tpu.memory_space<semaphore_mem>>, %arg21: memref<!tpu.dma_semaphore, #tpu.memory_space<semaphore_mem>>, %arg22: memref<!tpu.dma_semaphore, #tpu.memory_space<semaphore_mem>>) attributes {dimension_semantics = [#tpu.dimension_semantics<core_parallel>, #tpu.dimension_semantics<subcore_parallel>], iteration_bounds = array<i64: 2, 16>, scalar_prefetch = 0 : i64, scratch_operands = 15 : i64, tpu.core_type = #tpu.core_type<sc_vector_subcore>, window_params = [{transform_indices = #map}, {transform_indices = #map}, {transform_indices = #map}, {transform_indices = #map}, {transform_indices = #map}, {transform_indices = #map}]} {
    %eq3A = arith.constant 0 : i32
    %eq3A_0 = arith.cmpi eq, %arg0, %eq3A : i32
    %convert_element_type3A = arith.extui %eq3A_0 : i1 to i32
    %cond3A = arith.constant 0 : i32
    %cond3A_1 = arith.cmpi ne, %convert_element_type3A, %cond3A : i32
    scf.if %cond3A_1 {
      %mul3A = arith.constant 640 : i32
      %mul3A_7 = arith.muli %arg1, %mul3A : i32
      %mul3A_8 = arith.constant 640 : i32
      %mul3A_9 = arith.muli %arg1, %mul3A_8 : i32
      "tpu.region"() ({
        %run_scoped3A = tpu.sem_alloc : memref<!tpu.dma_semaphore, #tpu.memory_space<semaphore_mem>>
        %dma_start3A = arith.constant 0 : i32
        %dma_start3A_22 = tpu.memref_slice %arg14[%mul3A_9, %dma_start3A] : memref<10240x128xf32, #tpu.memory_space<vmem_shared>> -> memref<640x128xf32, #tpu.memory_space<vmem_shared>>
        %dma_start3A_23 = arith.constant 0 : i32
        %dma_start3A_24 = tpu.memref_slice %arg2[%mul3A_7, %dma_start3A_23] : memref<10240x128xf32, #tpu.memory_space<hbm>> -> memref<640x128xf32, #tpu.memory_space<hbm>>
        tpu.enqueue_dma source(%dma_start3A_24 : memref<640x128xf32, #tpu.memory_space<hbm>>) target(%dma_start3A_22 : memref<640x128xf32, #tpu.memory_space<vmem_shared>>) target_semaphore(%run_scoped3A : memref<!tpu.dma_semaphore, #tpu.memory_space<semaphore_mem>>)
        %dma_wait3A = arith.constant 0 : i32
        %dma_wait3A_25 = tpu.memref_slice %arg14[%mul3A_9, %dma_wait3A] : memref<10240x128xf32, #tpu.memory_space<vmem_shared>> -> memref<640x128xf32, #tpu.memory_space<vmem_shared>>
        %dma_wait3A_26 = arith.constant 0 : i32
        %dma_wait3A_27 = tpu.memref_slice %arg2[%mul3A_7, %dma_wait3A_26] : memref<10240x128xf32, #tpu.memory_space<hbm>> -> memref<640x128xf32, #tpu.memory_space<hbm>>
        tpu.wait_dma2 semaphore(%run_scoped3A : memref<!tpu.dma_semaphore, #tpu.memory_space<semaphore_mem>>) src(%dma_wait3A_27 : memref<640x128xf32, #tpu.memory_space<hbm>>) dst(%dma_wait3A_25 : memref<640x128xf32, #tpu.memory_space<vmem_shared>>)
        tpu.yield
      }) : () -> ()
      %barrier3A = arith.constant 0 : index
      tpu.barrier barrier_id(%barrier3A)
      %mul3A_10 = arith.constant 160 : i32
      %mul3A_11 = arith.muli %arg1, %mul3A_10 : i32
      %scan3A = arith.constant 0 : i32
      %scan3A_12 = arith.constant 0 : i32
      %scan3A_13 = arith.constant 4 : i32
      %scan3A_14 = arith.addi %scan3A_12, %scan3A_13 : i32
      %scan3A_15 = arith.constant 1 : i32
      scf.for %scan3A_22 = %scan3A_12 to %scan3A_14 step %scan3A_15  : i32 {
        %mul3A_23 = arith.constant 40 : i32
        %mul3A_24 = arith.muli %scan3A_22, %mul3A_23 : i32
        %add3A = arith.addi %mul3A_11, %mul3A_24 : i32
        "tpu.region"() ({
          %run_scoped3A = tpu.sem_alloc : memref<!tpu.dma_semaphore, #tpu.memory_space<semaphore_mem>>
          %dma_start3A_60 = arith.constant 0 : i32
          %dma_start3A_61 = tpu.memref_slice %arg4[%add3A, %dma_start3A_60] : memref<2560x64xi32, #tpu.memory_space<hbm>> -> memref<40x64xi32, #tpu.memory_space<hbm>>
          %dma_start3A_62 = arith.constant 0 : i32
          %dma_start3A_63 = tpu.memref_slice %arg4[%add3A, %dma_start3A_62] : memref<2560x64xi32, #tpu.memory_space<hbm>> -> memref<40x64xi32, #tpu.memory_space<hbm>>
          tpu.enqueue_dma source(%dma_start3A_63 : memref<40x64xi32, #tpu.memory_space<hbm>>) target(%arg8 : memref<40x64xi32, #tpu.memory_space<vmem>>) target_semaphore(%run_scoped3A : memref<!tpu.dma_semaphore, #tpu.memory_space<semaphore_mem>>)
          %dma_wait3A_64 = arith.constant 0 : i32
          %dma_wait3A_65 = tpu.memref_slice %arg4[%add3A, %dma_wait3A_64] : memref<2560x64xi32, #tpu.memory_space<hbm>> -> memref<40x64xi32, #tpu.memory_space<hbm>>
          %dma_wait3A_66 = arith.constant 0 : i32
          %dma_wait3A_67 = tpu.memref_slice %arg4[%add3A, %dma_wait3A_66] : memref<2560x64xi32, #tpu.memory_space<hbm>> -> memref<40x64xi32, #tpu.memory_space<hbm>>
          tpu.wait_dma2 semaphore(%run_scoped3A : memref<!tpu.dma_semaphore, #tpu.memory_space<semaphore_mem>>) src(%dma_wait3A_67 : memref<40x64xi32, #tpu.memory_space<hbm>>) dst(%arg8 : memref<40x64xi32, #tpu.memory_space<vmem>>)
          tpu.yield
        }) : () -> ()
        %mul3A_25 = arith.constant 40 : i32
        %mul3A_26 = arith.muli %scan3A_22, %mul3A_25 : i32
        %add3A_27 = arith.addi %mul3A_11, %mul3A_26 : i32
        "tpu.region"() ({
          %run_scoped3A = tpu.sem_alloc : memref<!tpu.dma_semaphore, #tpu.memory_space<semaphore_mem>>
          %dma_start3A_60 = arith.constant 0 : i32
          %dma_start3A_61 = tpu.memref_slice %arg5[%add3A_27, %dma_start3A_60] : memref<2560x64xi32, #tpu.memory_space<hbm>> -> memref<40x64xi32, #tpu.memory_space<hbm>>
          %dma_start3A_62 = arith.constant 0 : i32
          %dma_start3A_63 = tpu.memref_slice %arg5[%add3A_27, %dma_start3A_62] : memref<2560x64xi32, #tpu.memory_space<hbm>> -> memref<40x64xi32, #tpu.memory_space<hbm>>
          tpu.enqueue_dma source(%dma_start3A_63 : memref<40x64xi32, #tpu.memory_space<hbm>>) target(%arg9 : memref<40x64xi32, #tpu.memory_space<vmem>>) target_semaphore(%run_scoped3A : memref<!tpu.dma_semaphore, #tpu.memory_space<semaphore_mem>>)
          %dma_wait3A_64 = arith.constant 0 : i32
          %dma_wait3A_65 = tpu.memref_slice %arg5[%add3A_27, %dma_wait3A_64] : memref<2560x64xi32, #tpu.memory_space<hbm>> -> memref<40x64xi32, #tpu.memory_space<hbm>>
          %dma_wait3A_66 = arith.constant 0 : i32
          %dma_wait3A_67 = tpu.memref_slice %arg5[%add3A_27, %dma_wait3A_66] : memref<2560x64xi32, #tpu.memory_space<hbm>> -> memref<40x64xi32, #tpu.memory_space<hbm>>
          tpu.wait_dma2 semaphore(%run_scoped3A : memref<!tpu.dma_semaphore, #tpu.memory_space<semaphore_mem>>) src(%dma_wait3A_67 : memref<40x64xi32, #tpu.memory_space<hbm>>) dst(%arg9 : memref<40x64xi32, #tpu.memory_space<vmem>>)
          tpu.yield
        }) : () -> ()
        %dma_start3A = arith.constant 0 : i32
        %dma_start3A_28 = arith.constant 0 : i32
        %dma_start3A_29 = tpu.memref_slice %arg8[%dma_start3A, %dma_start3A_28] : memref<40x64xi32, #tpu.memory_space<vmem>> -> memref<1x64xi32, #tpu.memory_space<vmem>>
        %dma_start3A_30 = tpu.memref_squeeze %dma_start3A_29 : memref<1x64xi32, #tpu.memory_space<vmem>> -> memref<64xi32, #tpu.memory_space<vmem>>
        %dma_start3A_31 = arith.constant 0 : i32
        %dma_start3A_32 = arith.constant 0 : i32
        %dma_start3A_33 = tpu.memref_slice %arg2[%dma_start3A_31, %dma_start3A_32] : memref<10240x128xf32, #tpu.memory_space<hbm>> -> memref<10240x128xf32, #tpu.memory_space<hbm>>
        tpu.enqueue_indirect_dma source(%dma_start3A_33 : memref<10240x128xf32, #tpu.memory_space<hbm>>) target(%arg10 : memref<64x128xf32, #tpu.memory_space<vmem>>) offsets(%dma_start3A_30 : memref<64xi32, #tpu.memory_space<vmem>>) semaphore(%arg15 : memref<!tpu.dma_semaphore, #tpu.memory_space<semaphore_mem>>)
        %dma_start3A_34 = arith.constant 1 : i32
        %dma_start3A_35 = arith.constant 0 : i32
        %dma_start3A_36 = tpu.memref_slice %arg8[%dma_start3A_34, %dma_start3A_35] : memref<40x64xi32, #tpu.memory_space<vmem>> -> memref<1x64xi32, #tpu.memory_space<vmem>>
        %dma_start3A_37 = tpu.memref_squeeze %dma_start3A_36 : memref<1x64xi32, #tpu.memory_space<vmem>> -> memref<64xi32, #tpu.memory_space<vmem>>
        %dma_start3A_38 = arith.constant 0 : i32
        %dma_start3A_39 = arith.constant 0 : i32
        %dma_start3A_40 = tpu.memref_slice %arg2[%dma_start3A_38, %dma_start3A_39] : memref<10240x128xf32, #tpu.memory_space<hbm>> -> memref<10240x128xf32, #tpu.memory_space<hbm>>
        tpu.enqueue_indirect_dma source(%dma_start3A_40 : memref<10240x128xf32, #tpu.memory_space<hbm>>) target(%arg11 : memref<64x128xf32, #tpu.memory_space<vmem>>) offsets(%dma_start3A_37 : memref<64xi32, #tpu.memory_space<vmem>>) semaphore(%arg16 : memref<!tpu.dma_semaphore, #tpu.memory_space<semaphore_mem>>)
        %scan3A_41 = arith.constant 0 : i32
        %scan3A_42 = arith.constant 0 : i32
        %scan3A_43 = arith.constant 10 : i32
        %scan3A_44 = arith.addi %scan3A_42, %scan3A_43 : i32
        %scan3A_45 = arith.constant 1 : i32
        scf.for %scan3A_60 = %scan3A_42 to %scan3A_44 step %scan3A_45  : i32 {
          %mul3A_61 = arith.constant 4 : i32
          %mul3A_62 = arith.muli %scan3A_60, %mul3A_61 : i32
          %add3A_63 = arith.constant 0 : i32
          %add3A_64 = arith.addi %mul3A_62, %add3A_63 : i32
          %dma_wait3A_65 = arith.constant 0 : i32
          %dma_wait3A_66 = tpu.memref_slice %arg8[%add3A_64, %dma_wait3A_65] : memref<40x64xi32, #tpu.memory_space<vmem>> -> memref<1x64xi32, #tpu.memory_space<vmem>>
          %dma_wait3A_67 = tpu.memref_squeeze %dma_wait3A_66 : memref<1x64xi32, #tpu.memory_space<vmem>> -> memref<64xi32, #tpu.memory_space<vmem>>
          %dma_wait3A_68 = arith.constant 0 : i32
          %dma_wait3A_69 = arith.constant 0 : i32
          %dma_wait3A_70 = tpu.memref_slice %arg2[%dma_wait3A_68, %dma_wait3A_69] : memref<10240x128xf32, #tpu.memory_space<hbm>> -> memref<10240x128xf32, #tpu.memory_space<hbm>>
          tpu.wait_indirect_dma semaphore(%arg15 : memref<!tpu.dma_semaphore, #tpu.memory_space<semaphore_mem>>) src(%dma_wait3A_70 : memref<10240x128xf32, #tpu.memory_space<hbm>>) dst(%arg10 : memref<64x128xf32, #tpu.memory_space<vmem>>)
          %ge3A = arith.constant 2 : i32
          %ge3A_71 = arith.cmpi sge, %add3A_64, %ge3A : i32
          %convert_element_type3A_72 = arith.extui %ge3A_71 : i1 to i32
          %cond3A_73 = arith.constant 0 : i32
          %cond3A_74 = arith.cmpi ne, %convert_element_type3A_72, %cond3A_73 : i32
          scf.if %cond3A_74 {
            %dma_wait3A_165 = arith.constant 0 : i32
            %dma_wait3A_166 = tpu.memref_slice %arg9[%add3A_64, %dma_wait3A_165] : memref<40x64xi32, #tpu.memory_space<vmem>> -> memref<1x64xi32, #tpu.memory_space<vmem>>
            %dma_wait3A_167 = tpu.memref_squeeze %dma_wait3A_166 : memref<1x64xi32, #tpu.memory_space<vmem>> -> memref<64xi32, #tpu.memory_space<vmem>>
            %dma_wait3A_168 = arith.constant 0 : i32
            %dma_wait3A_169 = arith.constant 0 : i32
            %dma_wait3A_170 = tpu.memref_slice %arg14[%dma_wait3A_168, %dma_wait3A_169] : memref<10240x128xf32, #tpu.memory_space<vmem_shared>> -> memref<10240x128xf32, #tpu.memory_space<vmem_shared>>
            tpu.wait_indirect_dma semaphore(%arg21 : memref<!tpu.dma_semaphore, #tpu.memory_space<semaphore_mem>>) src(%arg12 : memref<64x128xf32, #tpu.memory_space<vmem>>) dst(%dma_wait3A_170 : memref<10240x128xf32, #tpu.memory_space<vmem_shared>>)
          } else {
          }
          %add3A_75 = arith.constant 2 : i32
          %add3A_76 = arith.addi %add3A_64, %add3A_75 : i32
          %lt3A = arith.constant 40 : i32
          %lt3A_77 = arith.cmpi slt, %add3A_76, %lt3A : i32
          %convert_element_type3A_78 = arith.extui %lt3A_77 : i1 to i32
          %cond3A_79 = arith.constant 0 : i32
          %cond3A_80 = arith.cmpi ne, %convert_element_type3A_78, %cond3A_79 : i32
          scf.if %cond3A_80 {
            %add3A_165 = arith.constant 2 : i32
            %add3A_166 = arith.addi %add3A_64, %add3A_165 : i32
            %dma_start3A_167 = arith.constant 0 : i32
            %dma_start3A_168 = tpu.memref_slice %arg8[%add3A_166, %dma_start3A_167] : memref<40x64xi32, #tpu.memory_space<vmem>> -> memref<1x64xi32, #tpu.memory_space<vmem>>
            %dma_start3A_169 = tpu.memref_squeeze %dma_start3A_168 : memref<1x64xi32, #tpu.memory_space<vmem>> -> memref<64xi32, #tpu.memory_space<vmem>>
            %dma_start3A_170 = arith.constant 0 : i32
            %dma_start3A_171 = arith.constant 0 : i32
            %dma_start3A_172 = tpu.memref_slice %arg2[%dma_start3A_170, %dma_start3A_171] : memref<10240x128xf32, #tpu.memory_space<hbm>> -> memref<10240x128xf32, #tpu.memory_space<hbm>>
            tpu.enqueue_indirect_dma source(%dma_start3A_172 : memref<10240x128xf32, #tpu.memory_space<hbm>>) target(%arg12 : memref<64x128xf32, #tpu.memory_space<vmem>>) offsets(%dma_start3A_169 : memref<64xi32, #tpu.memory_space<vmem>>) semaphore(%arg17 : memref<!tpu.dma_semaphore, #tpu.memory_space<semaphore_mem>>)
          } else {
          }
          %dma_start3A_81 = arith.constant 0 : i32
          %dma_start3A_82 = tpu.memref_slice %arg9[%add3A_64, %dma_start3A_81] : memref<40x64xi32, #tpu.memory_space<vmem>> -> memref<1x64xi32, #tpu.memory_space<vmem>>
          %dma_start3A_83 = tpu.memref_squeeze %dma_start3A_82 : memref<1x64xi32, #tpu.memory_space<vmem>> -> memref<64xi32, #tpu.memory_space<vmem>>
          %dma_start3A_84 = arith.constant 0 : i32
          %dma_start3A_85 = arith.constant 0 : i32
          %dma_start3A_86 = tpu.memref_slice %arg14[%dma_start3A_84, %dma_start3A_85] : memref<10240x128xf32, #tpu.memory_space<vmem_shared>> -> memref<10240x128xf32, #tpu.memory_space<vmem_shared>>
          tpu.enqueue_indirect_dma source(%arg10 : memref<64x128xf32, #tpu.memory_space<vmem>>) target(%dma_start3A_86 : memref<10240x128xf32, #tpu.memory_space<vmem_shared>>) offsets(%dma_start3A_83 : memref<64xi32, #tpu.memory_space<vmem>>) semaphore(%arg19 : memref<!tpu.dma_semaphore, #tpu.memory_space<semaphore_mem>>) {add = true}
          %add3A_87 = arith.constant 1 : i32
          %add3A_88 = arith.addi %mul3A_62, %add3A_87 : i32
          %dma_wait3A_89 = arith.constant 0 : i32
          %dma_wait3A_90 = tpu.memref_slice %arg8[%add3A_88, %dma_wait3A_89] : memref<40x64xi32, #tpu.memory_space<vmem>> -> memref<1x64xi32, #tpu.memory_space<vmem>>
          %dma_wait3A_91 = tpu.memref_squeeze %dma_wait3A_90 : memref<1x64xi32, #tpu.memory_space<vmem>> -> memref<64xi32, #tpu.memory_space<vmem>>
          %dma_wait3A_92 = arith.constant 0 : i32
          %dma_wait3A_93 = arith.constant 0 : i32
          %dma_wait3A_94 = tpu.memref_slice %arg2[%dma_wait3A_92, %dma_wait3A_93] : memref<10240x128xf32, #tpu.memory_space<hbm>> -> memref<10240x128xf32, #tpu.memory_space<hbm>>
          tpu.wait_indirect_dma semaphore(%arg16 : memref<!tpu.dma_semaphore, #tpu.memory_space<semaphore_mem>>) src(%dma_wait3A_94 : memref<10240x128xf32, #tpu.memory_space<hbm>>) dst(%arg11 : memref<64x128xf32, #tpu.memory_space<vmem>>)
          %ge3A_95 = arith.constant 2 : i32
          %ge3A_96 = arith.cmpi sge, %add3A_88, %ge3A_95 : i32
          %convert_element_type3A_97 = arith.extui %ge3A_96 : i1 to i32
          %cond3A_98 = arith.constant 0 : i32
          %cond3A_99 = arith.cmpi ne, %convert_element_type3A_97, %cond3A_98 : i32
          scf.if %cond3A_99 {
            %dma_wait3A_165 = arith.constant 0 : i32
            %dma_wait3A_166 = tpu.memref_slice %arg9[%add3A_88, %dma_wait3A_165] : memref<40x64xi32, #tpu.memory_space<vmem>> -> memref<1x64xi32, #tpu.memory_space<vmem>>
            %dma_wait3A_167 = tpu.memref_squeeze %dma_wait3A_166 : memref<1x64xi32, #tpu.memory_space<vmem>> -> memref<64xi32, #tpu.memory_space<vmem>>
            %dma_wait3A_168 = arith.constant 0 : i32
            %dma_wait3A_169 = arith.constant 0 : i32
            %dma_wait3A_170 = tpu.memref_slice %arg14[%dma_wait3A_168, %dma_wait3A_169] : memref<10240x128xf32, #tpu.memory_space<vmem_shared>> -> memref<10240x128xf32, #tpu.memory_space<vmem_shared>>
            tpu.wait_indirect_dma semaphore(%arg22 : memref<!tpu.dma_semaphore, #tpu.memory_space<semaphore_mem>>) src(%arg13 : memref<64x128xf32, #tpu.memory_space<vmem>>) dst(%dma_wait3A_170 : memref<10240x128xf32, #tpu.memory_space<vmem_shared>>)
          } else {
          }
          %add3A_100 = arith.constant 2 : i32
          %add3A_101 = arith.addi %add3A_88, %add3A_100 : i32
          %lt3A_102 = arith.constant 40 : i32
          %lt3A_103 = arith.cmpi slt, %add3A_101, %lt3A_102 : i32
          %convert_element_type3A_104 = arith.extui %lt3A_103 : i1 to i32
          %cond3A_105 = arith.constant 0 : i32
          %cond3A_106 = arith.cmpi ne, %convert_element_type3A_104, %cond3A_105 : i32
          scf.if %cond3A_106 {
            %add3A_165 = arith.constant 2 : i32
            %add3A_166 = arith.addi %add3A_88, %add3A_165 : i32
            %dma_start3A_167 = arith.constant 0 : i32
            %dma_start3A_168 = tpu.memref_slice %arg8[%add3A_166, %dma_start3A_167] : memref<40x64xi32, #tpu.memory_space<vmem>> -> memref<1x64xi32, #tpu.memory_space<vmem>>
            %dma_start3A_169 = tpu.memref_squeeze %dma_start3A_168 : memref<1x64xi32, #tpu.memory_space<vmem>> -> memref<64xi32, #tpu.memory_space<vmem>>
            %dma_start3A_170 = arith.constant 0 : i32
            %dma_start3A_171 = arith.constant 0 : i32
            %dma_start3A_172 = tpu.memref_slice %arg2[%dma_start3A_170, %dma_start3A_171] : memref<10240x128xf32, #tpu.memory_space<hbm>> -> memref<10240x128xf32, #tpu.memory_space<hbm>>
            tpu.enqueue_indirect_dma source(%dma_start3A_172 : memref<10240x128xf32, #tpu.memory_space<hbm>>) target(%arg13 : memref<64x128xf32, #tpu.memory_space<vmem>>) offsets(%dma_start3A_169 : memref<64xi32, #tpu.memory_space<vmem>>) semaphore(%arg18 : memref<!tpu.dma_semaphore, #tpu.memory_space<semaphore_mem>>)
          } else {
          }
          %dma_start3A_107 = arith.constant 0 : i32
          %dma_start3A_108 = tpu.memref_slice %arg9[%add3A_88, %dma_start3A_107] : memref<40x64xi32, #tpu.memory_space<vmem>> -> memref<1x64xi32, #tpu.memory_space<vmem>>
          %dma_start3A_109 = tpu.memref_squeeze %dma_start3A_108 : memref<1x64xi32, #tpu.memory_space<vmem>> -> memref<64xi32, #tpu.memory_space<vmem>>
          %dma_start3A_110 = arith.constant 0 : i32
          %dma_start3A_111 = arith.constant 0 : i32
          %dma_start3A_112 = tpu.memref_slice %arg14[%dma_start3A_110, %dma_start3A_111] : memref<10240x128xf32, #tpu.memory_space<vmem_shared>> -> memref<10240x128xf32, #tpu.memory_space<vmem_shared>>
          tpu.enqueue_indirect_dma source(%arg11 : memref<64x128xf32, #tpu.memory_space<vmem>>) target(%dma_start3A_112 : memref<10240x128xf32, #tpu.memory_space<vmem_shared>>) offsets(%dma_start3A_109 : memref<64xi32, #tpu.memory_space<vmem>>) semaphore(%arg20 : memref<!tpu.dma_semaphore, #tpu.memory_space<semaphore_mem>>) {add = true}
          %add3A_113 = arith.constant 2 : i32
          %add3A_114 = arith.addi %mul3A_62, %add3A_113 : i32
          %dma_wait3A_115 = arith.constant 0 : i32
          %dma_wait3A_116 = tpu.memref_slice %arg8[%add3A_114, %dma_wait3A_115] : memref<40x64xi32, #tpu.memory_space<vmem>> -> memref<1x64xi32, #tpu.memory_space<vmem>>
          %dma_wait3A_117 = tpu.memref_squeeze %dma_wait3A_116 : memref<1x64xi32, #tpu.memory_space<vmem>> -> memref<64xi32, #tpu.memory_space<vmem>>
          %dma_wait3A_118 = arith.constant 0 : i32
          %dma_wait3A_119 = arith.constant 0 : i32
          %dma_wait3A_120 = tpu.memref_slice %arg2[%dma_wait3A_118, %dma_wait3A_119] : memref<10240x128xf32, #tpu.memory_space<hbm>> -> memref<10240x128xf32, #tpu.memory_space<hbm>>
          tpu.wait_indirect_dma semaphore(%arg17 : memref<!tpu.dma_semaphore, #tpu.memory_space<semaphore_mem>>) src(%dma_wait3A_120 : memref<10240x128xf32, #tpu.memory_space<hbm>>) dst(%arg12 : memref<64x128xf32, #tpu.memory_space<vmem>>)
          %ge3A_121 = arith.constant 2 : i32
          %ge3A_122 = arith.cmpi sge, %add3A_114, %ge3A_121 : i32
          %convert_element_type3A_123 = arith.extui %ge3A_122 : i1 to i32
          %cond3A_124 = arith.constant 0 : i32
          %cond3A_125 = arith.cmpi ne, %convert_element_type3A_123, %cond3A_124 : i32
          scf.if %cond3A_125 {
            %dma_wait3A_165 = arith.constant 0 : i32
            %dma_wait3A_166 = tpu.memref_slice %arg9[%add3A_114, %dma_wait3A_165] : memref<40x64xi32, #tpu.memory_space<vmem>> -> memref<1x64xi32, #tpu.memory_space<vmem>>
            %dma_wait3A_167 = tpu.memref_squeeze %dma_wait3A_166 : memref<1x64xi32, #tpu.memory_space<vmem>> -> memref<64xi32, #tpu.memory_space<vmem>>
            %dma_wait3A_168 = arith.constant 0 : i32
            %dma_wait3A_169 = arith.constant 0 : i32
            %dma_wait3A_170 = tpu.memref_slice %arg14[%dma_wait3A_168, %dma_wait3A_169] : memref<10240x128xf32, #tpu.memory_space<vmem_shared>> -> memref<10240x128xf32, #tpu.memory_space<vmem_shared>>
            tpu.wait_indirect_dma semaphore(%arg19 : memref<!tpu.dma_semaphore, #tpu.memory_space<semaphore_mem>>) src(%arg10 : memref<64x128xf32, #tpu.memory_space<vmem>>) dst(%dma_wait3A_170 : memref<10240x128xf32, #tpu.memory_space<vmem_shared>>)
          } else {
          }
          %add3A_126 = arith.constant 2 : i32
          %add3A_127 = arith.addi %add3A_114, %add3A_126 : i32
          %lt3A_128 = arith.constant 40 : i32
          %lt3A_129 = arith.cmpi slt, %add3A_127, %lt3A_128 : i32
          %convert_element_type3A_130 = arith.extui %lt3A_129 : i1 to i32
          %cond3A_131 = arith.constant 0 : i32
          %cond3A_132 = arith.cmpi ne, %convert_element_type3A_130, %cond3A_131 : i32
          scf.if %cond3A_132 {
            %add3A_165 = arith.constant 2 : i32
            %add3A_166 = arith.addi %add3A_114, %add3A_165 : i32
            %dma_start3A_167 = arith.constant 0 : i32
            %dma_start3A_168 = tpu.memref_slice %arg8[%add3A_166, %dma_start3A_167] : memref<40x64xi32, #tpu.memory_space<vmem>> -> memref<1x64xi32, #tpu.memory_space<vmem>>
            %dma_start3A_169 = tpu.memref_squeeze %dma_start3A_168 : memref<1x64xi32, #tpu.memory_space<vmem>> -> memref<64xi32, #tpu.memory_space<vmem>>
            %dma_start3A_170 = arith.constant 0 : i32
            %dma_start3A_171 = arith.constant 0 : i32
            %dma_start3A_172 = tpu.memref_slice %arg2[%dma_start3A_170, %dma_start3A_171] : memref<10240x128xf32, #tpu.memory_space<hbm>> -> memref<10240x128xf32, #tpu.memory_space<hbm>>
            tpu.enqueue_indirect_dma source(%dma_start3A_172 : memref<10240x128xf32, #tpu.memory_space<hbm>>) target(%arg10 : memref<64x128xf32, #tpu.memory_space<vmem>>) offsets(%dma_start3A_169 : memref<64xi32, #tpu.memory_space<vmem>>) semaphore(%arg15 : memref<!tpu.dma_semaphore, #tpu.memory_space<semaphore_mem>>)
          } else {
          }
          %dma_start3A_133 = arith.constant 0 : i32
          %dma_start3A_134 = tpu.memref_slice %arg9[%add3A_114, %dma_start3A_133] : memref<40x64xi32, #tpu.memory_space<vmem>> -> memref<1x64xi32, #tpu.memory_space<vmem>>
          %dma_start3A_135 = tpu.memref_squeeze %dma_start3A_134 : memref<1x64xi32, #tpu.memory_space<vmem>> -> memref<64xi32, #tpu.memory_space<vmem>>
          %dma_start3A_136 = arith.constant 0 : i32
          %dma_start3A_137 = arith.constant 0 : i32
          %dma_start3A_138 = tpu.memref_slice %arg14[%dma_start3A_136, %dma_start3A_137] : memref<10240x128xf32, #tpu.memory_space<vmem_shared>> -> memref<10240x128xf32, #tpu.memory_space<vmem_shared>>
          tpu.enqueue_indirect_dma source(%arg12 : memref<64x128xf32, #tpu.memory_space<vmem>>) target(%dma_start3A_138 : memref<10240x128xf32, #tpu.memory_space<vmem_shared>>) offsets(%dma_start3A_135 : memref<64xi32, #tpu.memory_space<vmem>>) semaphore(%arg21 : memref<!tpu.dma_semaphore, #tpu.memory_space<semaphore_mem>>) {add = true}
          %add3A_139 = arith.constant 3 : i32
          %add3A_140 = arith.addi %mul3A_62, %add3A_139 : i32
          %dma_wait3A_141 = arith.constant 0 : i32
          %dma_wait3A_142 = tpu.memref_slice %arg8[%add3A_140, %dma_wait3A_141] : memref<40x64xi32, #tpu.memory_space<vmem>> -> memref<1x64xi32, #tpu.memory_space<vmem>>
          %dma_wait3A_143 = tpu.memref_squeeze %dma_wait3A_142 : memref<1x64xi32, #tpu.memory_space<vmem>> -> memref<64xi32, #tpu.memory_space<vmem>>
          %dma_wait3A_144 = arith.constant 0 : i32
          %dma_wait3A_145 = arith.constant 0 : i32
          %dma_wait3A_146 = tpu.memref_slice %arg2[%dma_wait3A_144, %dma_wait3A_145] : memref<10240x128xf32, #tpu.memory_space<hbm>> -> memref<10240x128xf32, #tpu.memory_space<hbm>>
          tpu.wait_indirect_dma semaphore(%arg18 : memref<!tpu.dma_semaphore, #tpu.memory_space<semaphore_mem>>) src(%dma_wait3A_146 : memref<10240x128xf32, #tpu.memory_space<hbm>>) dst(%arg13 : memref<64x128xf32, #tpu.memory_space<vmem>>)
          %ge3A_147 = arith.constant 2 : i32
          %ge3A_148 = arith.cmpi sge, %add3A_140, %ge3A_147 : i32
          %convert_element_type3A_149 = arith.extui %ge3A_148 : i1 to i32
          %cond3A_150 = arith.constant 0 : i32
          %cond3A_151 = arith.cmpi ne, %convert_element_type3A_149, %cond3A_150 : i32
          scf.if %cond3A_151 {
            %dma_wait3A_165 = arith.constant 0 : i32
            %dma_wait3A_166 = tpu.memref_slice %arg9[%add3A_140, %dma_wait3A_165] : memref<40x64xi32, #tpu.memory_space<vmem>> -> memref<1x64xi32, #tpu.memory_space<vmem>>
            %dma_wait3A_167 = tpu.memref_squeeze %dma_wait3A_166 : memref<1x64xi32, #tpu.memory_space<vmem>> -> memref<64xi32, #tpu.memory_space<vmem>>
            %dma_wait3A_168 = arith.constant 0 : i32
            %dma_wait3A_169 = arith.constant 0 : i32
            %dma_wait3A_170 = tpu.memref_slice %arg14[%dma_wait3A_168, %dma_wait3A_169] : memref<10240x128xf32, #tpu.memory_space<vmem_shared>> -> memref<10240x128xf32, #tpu.memory_space<vmem_shared>>
            tpu.wait_indirect_dma semaphore(%arg20 : memref<!tpu.dma_semaphore, #tpu.memory_space<semaphore_mem>>) src(%arg11 : memref<64x128xf32, #tpu.memory_space<vmem>>) dst(%dma_wait3A_170 : memref<10240x128xf32, #tpu.memory_space<vmem_shared>>)
          } else {
          }
          %add3A_152 = arith.constant 2 : i32
          %add3A_153 = arith.addi %add3A_140, %add3A_152 : i32
          %lt3A_154 = arith.constant 40 : i32
          %lt3A_155 = arith.cmpi slt, %add3A_153, %lt3A_154 : i32
          %convert_element_type3A_156 = arith.extui %lt3A_155 : i1 to i32
          %cond3A_157 = arith.constant 0 : i32
          %cond3A_158 = arith.cmpi ne, %convert_element_type3A_156, %cond3A_157 : i32
          scf.if %cond3A_158 {
            %add3A_165 = arith.constant 2 : i32
            %add3A_166 = arith.addi %add3A_140, %add3A_165 : i32
            %dma_start3A_167 = arith.constant 0 : i32
            %dma_start3A_168 = tpu.memref_slice %arg8[%add3A_166, %dma_start3A_167] : memref<40x64xi32, #tpu.memory_space<vmem>> -> memref<1x64xi32, #tpu.memory_space<vmem>>
            %dma_start3A_169 = tpu.memref_squeeze %dma_start3A_168 : memref<1x64xi32, #tpu.memory_space<vmem>> -> memref<64xi32, #tpu.memory_space<vmem>>
            %dma_start3A_170 = arith.constant 0 : i32
            %dma_start3A_171 = arith.constant 0 : i32
            %dma_start3A_172 = tpu.memref_slice %arg2[%dma_start3A_170, %dma_start3A_171] : memref<10240x128xf32, #tpu.memory_space<hbm>> -> memref<10240x128xf32, #tpu.memory_space<hbm>>
            tpu.enqueue_indirect_dma source(%dma_start3A_172 : memref<10240x128xf32, #tpu.memory_space<hbm>>) target(%arg11 : memref<64x128xf32, #tpu.memory_space<vmem>>) offsets(%dma_start3A_169 : memref<64xi32, #tpu.memory_space<vmem>>) semaphore(%arg16 : memref<!tpu.dma_semaphore, #tpu.memory_space<semaphore_mem>>)
          } else {
          }
          %dma_start3A_159 = arith.constant 0 : i32
          %dma_start3A_160 = tpu.memref_slice %arg9[%add3A_140, %dma_start3A_159] : memref<40x64xi32, #tpu.memory_space<vmem>> -> memref<1x64xi32, #tpu.memory_space<vmem>>
          %dma_start3A_161 = tpu.memref_squeeze %dma_start3A_160 : memref<1x64xi32, #tpu.memory_space<vmem>> -> memref<64xi32, #tpu.memory_space<vmem>>
          %dma_start3A_162 = arith.constant 0 : i32
          %dma_start3A_163 = arith.constant 0 : i32
          %dma_start3A_164 = tpu.memref_slice %arg14[%dma_start3A_162, %dma_start3A_163] : memref<10240x128xf32, #tpu.memory_space<vmem_shared>> -> memref<10240x128xf32, #tpu.memory_space<vmem_shared>>
          tpu.enqueue_indirect_dma source(%arg13 : memref<64x128xf32, #tpu.memory_space<vmem>>) target(%dma_start3A_164 : memref<10240x128xf32, #tpu.memory_space<vmem_shared>>) offsets(%dma_start3A_161 : memref<64xi32, #tpu.memory_space<vmem>>) semaphore(%arg22 : memref<!tpu.dma_semaphore, #tpu.memory_space<semaphore_mem>>) {add = true}
        }
        %scan3A_46 = arith.constant 10 : i32
        %dma_wait3A = arith.constant 38 : i32
        %dma_wait3A_47 = arith.constant 0 : i32
        %dma_wait3A_48 = tpu.memref_slice %arg9[%dma_wait3A, %dma_wait3A_47] : memref<40x64xi32, #tpu.memory_space<vmem>> -> memref<1x64xi32, #tpu.memory_space<vmem>>
        %dma_wait3A_49 = tpu.memref_squeeze %dma_wait3A_48 : memref<1x64xi32, #tpu.memory_space<vmem>> -> memref<64xi32, #tpu.memory_space<vmem>>
        %dma_wait3A_50 = arith.constant 0 : i32
        %dma_wait3A_51 = arith.constant 0 : i32
        %dma_wait3A_52 = tpu.memref_slice %arg14[%dma_wait3A_50, %dma_wait3A_51] : memref<10240x128xf32, #tpu.memory_space<vmem_shared>> -> memref<10240x128xf32, #tpu.memory_space<vmem_shared>>
        tpu.wait_indirect_dma semaphore(%arg21 : memref<!tpu.dma_semaphore, #tpu.memory_space<semaphore_mem>>) src(%arg12 : memref<64x128xf32, #tpu.memory_space<vmem>>) dst(%dma_wait3A_52 : memref<10240x128xf32, #tpu.memory_space<vmem_shared>>)
        %dma_wait3A_53 = arith.constant 39 : i32
        %dma_wait3A_54 = arith.constant 0 : i32
        %dma_wait3A_55 = tpu.memref_slice %arg9[%dma_wait3A_53, %dma_wait3A_54] : memref<40x64xi32, #tpu.memory_space<vmem>> -> memref<1x64xi32, #tpu.memory_space<vmem>>
        %dma_wait3A_56 = tpu.memref_squeeze %dma_wait3A_55 : memref<1x64xi32, #tpu.memory_space<vmem>> -> memref<64xi32, #tpu.memory_space<vmem>>
        %dma_wait3A_57 = arith.constant 0 : i32
        %dma_wait3A_58 = arith.constant 0 : i32
        %dma_wait3A_59 = tpu.memref_slice %arg14[%dma_wait3A_57, %dma_wait3A_58] : memref<10240x128xf32, #tpu.memory_space<vmem_shared>> -> memref<10240x128xf32, #tpu.memory_space<vmem_shared>>
        tpu.wait_indirect_dma semaphore(%arg22 : memref<!tpu.dma_semaphore, #tpu.memory_space<semaphore_mem>>) src(%arg13 : memref<64x128xf32, #tpu.memory_space<vmem>>) dst(%dma_wait3A_59 : memref<10240x128xf32, #tpu.memory_space<vmem_shared>>)
      }
      %scan3A_16 = arith.constant 4 : i32
      %barrier3A_17 = arith.constant 0 : index
      tpu.barrier barrier_id(%barrier3A_17)
      %mul3A_18 = arith.constant 640 : i32
      %mul3A_19 = arith.muli %arg1, %mul3A_18 : i32
      %mul3A_20 = arith.constant 640 : i32
      %mul3A_21 = arith.muli %arg1, %mul3A_20 : i32
      "tpu.region"() ({
        %run_scoped3A = tpu.sem_alloc : memref<!tpu.dma_semaphore, #tpu.memory_space<semaphore_mem>>
        %dma_start3A = arith.constant 0 : i32
        %dma_start3A_22 = tpu.memref_slice %arg6[%mul3A_21, %dma_start3A] : memref<10240x128xf32, #tpu.memory_space<hbm>> -> memref<640x128xf32, #tpu.memory_space<hbm>>
        %dma_start3A_23 = arith.constant 0 : i32
        %dma_start3A_24 = tpu.memref_slice %arg14[%mul3A_19, %dma_start3A_23] : memref<10240x128xf32, #tpu.memory_space<vmem_shared>> -> memref<640x128xf32, #tpu.memory_space<vmem_shared>>
        tpu.enqueue_dma source(%dma_start3A_24 : memref<640x128xf32, #tpu.memory_space<vmem_shared>>) target(%dma_start3A_22 : memref<640x128xf32, #tpu.memory_space<hbm>>) target_semaphore(%run_scoped3A : memref<!tpu.dma_semaphore, #tpu.memory_space<semaphore_mem>>)
        %dma_wait3A = arith.constant 0 : i32
        %dma_wait3A_25 = tpu.memref_slice %arg6[%mul3A_21, %dma_wait3A] : memref<10240x128xf32, #tpu.memory_space<hbm>> -> memref<640x128xf32, #tpu.memory_space<hbm>>
        %dma_wait3A_26 = arith.constant 0 : i32
        %dma_wait3A_27 = tpu.memref_slice %arg14[%mul3A_19, %dma_wait3A_26] : memref<10240x128xf32, #tpu.memory_space<vmem_shared>> -> memref<640x128xf32, #tpu.memory_space<vmem_shared>>
        tpu.wait_dma2 semaphore(%run_scoped3A : memref<!tpu.dma_semaphore, #tpu.memory_space<semaphore_mem>>) src(%dma_wait3A_27 : memref<640x128xf32, #tpu.memory_space<vmem_shared>>) dst(%dma_wait3A_25 : memref<640x128xf32, #tpu.memory_space<hbm>>)
        tpu.yield
      }) : () -> ()
    } else {
    }
    %eq3A_2 = arith.constant 1 : i32
    %eq3A_3 = arith.cmpi eq, %arg0, %eq3A_2 : i32
    %convert_element_type3A_4 = arith.extui %eq3A_3 : i1 to i32
    %cond3A_5 = arith.constant 0 : i32
    %cond3A_6 = arith.cmpi ne, %convert_element_type3A_4, %cond3A_5 : i32
    scf.if %cond3A_6 {
      %mul3A = arith.constant 640 : i32
      %mul3A_7 = arith.muli %arg1, %mul3A : i32
      %mul3A_8 = arith.constant 640 : i32
      %mul3A_9 = arith.muli %arg1, %mul3A_8 : i32
      "tpu.region"() ({
        %run_scoped3A = tpu.sem_alloc : memref<!tpu.dma_semaphore, #tpu.memory_space<semaphore_mem>>
        %dma_start3A = arith.constant 0 : i32
        %dma_start3A_22 = tpu.memref_slice %arg14[%mul3A_9, %dma_start3A] : memref<10240x128xf32, #tpu.memory_space<vmem_shared>> -> memref<640x128xf32, #tpu.memory_space<vmem_shared>>
        %dma_start3A_23 = arith.constant 0 : i32
        %dma_start3A_24 = tpu.memref_slice %arg3[%mul3A_7, %dma_start3A_23] : memref<10240x128xf32, #tpu.memory_space<hbm>> -> memref<640x128xf32, #tpu.memory_space<hbm>>
        tpu.enqueue_dma source(%dma_start3A_24 : memref<640x128xf32, #tpu.memory_space<hbm>>) target(%dma_start3A_22 : memref<640x128xf32, #tpu.memory_space<vmem_shared>>) target_semaphore(%run_scoped3A : memref<!tpu.dma_semaphore, #tpu.memory_space<semaphore_mem>>)
        %dma_wait3A = arith.constant 0 : i32
        %dma_wait3A_25 = tpu.memref_slice %arg14[%mul3A_9, %dma_wait3A] : memref<10240x128xf32, #tpu.memory_space<vmem_shared>> -> memref<640x128xf32, #tpu.memory_space<vmem_shared>>
        %dma_wait3A_26 = arith.constant 0 : i32
        %dma_wait3A_27 = tpu.memref_slice %arg3[%mul3A_7, %dma_wait3A_26] : memref<10240x128xf32, #tpu.memory_space<hbm>> -> memref<640x128xf32, #tpu.memory_space<hbm>>
        tpu.wait_dma2 semaphore(%run_scoped3A : memref<!tpu.dma_semaphore, #tpu.memory_space<semaphore_mem>>) src(%dma_wait3A_27 : memref<640x128xf32, #tpu.memory_space<hbm>>) dst(%dma_wait3A_25 : memref<640x128xf32, #tpu.memory_space<vmem_shared>>)
        tpu.yield
      }) : () -> ()
      %barrier3A = arith.constant 0 : index
      tpu.barrier barrier_id(%barrier3A)
      %mul3A_10 = arith.constant 160 : i32
      %mul3A_11 = arith.muli %arg1, %mul3A_10 : i32
      %scan3A = arith.constant 0 : i32
      %scan3A_12 = arith.constant 0 : i32
      %scan3A_13 = arith.constant 4 : i32
      %scan3A_14 = arith.addi %scan3A_12, %scan3A_13 : i32
      %scan3A_15 = arith.constant 1 : i32
      scf.for %scan3A_22 = %scan3A_12 to %scan3A_14 step %scan3A_15  : i32 {
        %mul3A_23 = arith.constant 40 : i32
        %mul3A_24 = arith.muli %scan3A_22, %mul3A_23 : i32
        %add3A = arith.addi %mul3A_11, %mul3A_24 : i32
        "tpu.region"() ({
          %run_scoped3A = tpu.sem_alloc : memref<!tpu.dma_semaphore, #tpu.memory_space<semaphore_mem>>
          %dma_start3A_60 = arith.constant 0 : i32
          %dma_start3A_61 = tpu.memref_slice %arg4[%add3A, %dma_start3A_60] : memref<2560x64xi32, #tpu.memory_space<hbm>> -> memref<40x64xi32, #tpu.memory_space<hbm>>
          %dma_start3A_62 = arith.constant 0 : i32
          %dma_start3A_63 = tpu.memref_slice %arg4[%add3A, %dma_start3A_62] : memref<2560x64xi32, #tpu.memory_space<hbm>> -> memref<40x64xi32, #tpu.memory_space<hbm>>
          tpu.enqueue_dma source(%dma_start3A_63 : memref<40x64xi32, #tpu.memory_space<hbm>>) target(%arg8 : memref<40x64xi32, #tpu.memory_space<vmem>>) target_semaphore(%run_scoped3A : memref<!tpu.dma_semaphore, #tpu.memory_space<semaphore_mem>>)
          %dma_wait3A_64 = arith.constant 0 : i32
          %dma_wait3A_65 = tpu.memref_slice %arg4[%add3A, %dma_wait3A_64] : memref<2560x64xi32, #tpu.memory_space<hbm>> -> memref<40x64xi32, #tpu.memory_space<hbm>>
          %dma_wait3A_66 = arith.constant 0 : i32
          %dma_wait3A_67 = tpu.memref_slice %arg4[%add3A, %dma_wait3A_66] : memref<2560x64xi32, #tpu.memory_space<hbm>> -> memref<40x64xi32, #tpu.memory_space<hbm>>
          tpu.wait_dma2 semaphore(%run_scoped3A : memref<!tpu.dma_semaphore, #tpu.memory_space<semaphore_mem>>) src(%dma_wait3A_67 : memref<40x64xi32, #tpu.memory_space<hbm>>) dst(%arg8 : memref<40x64xi32, #tpu.memory_space<vmem>>)
          tpu.yield
        }) : () -> ()
        %mul3A_25 = arith.constant 40 : i32
        %mul3A_26 = arith.muli %scan3A_22, %mul3A_25 : i32
        %add3A_27 = arith.addi %mul3A_11, %mul3A_26 : i32
        "tpu.region"() ({
          %run_scoped3A = tpu.sem_alloc : memref<!tpu.dma_semaphore, #tpu.memory_space<semaphore_mem>>
          %dma_start3A_60 = arith.constant 0 : i32
          %dma_start3A_61 = tpu.memref_slice %arg5[%add3A_27, %dma_start3A_60] : memref<2560x64xi32, #tpu.memory_space<hbm>> -> memref<40x64xi32, #tpu.memory_space<hbm>>
          %dma_start3A_62 = arith.constant 0 : i32
          %dma_start3A_63 = tpu.memref_slice %arg5[%add3A_27, %dma_start3A_62] : memref<2560x64xi32, #tpu.memory_space<hbm>> -> memref<40x64xi32, #tpu.memory_space<hbm>>
          tpu.enqueue_dma source(%dma_start3A_63 : memref<40x64xi32, #tpu.memory_space<hbm>>) target(%arg9 : memref<40x64xi32, #tpu.memory_space<vmem>>) target_semaphore(%run_scoped3A : memref<!tpu.dma_semaphore, #tpu.memory_space<semaphore_mem>>)
          %dma_wait3A_64 = arith.constant 0 : i32
          %dma_wait3A_65 = tpu.memref_slice %arg5[%add3A_27, %dma_wait3A_64] : memref<2560x64xi32, #tpu.memory_space<hbm>> -> memref<40x64xi32, #tpu.memory_space<hbm>>
          %dma_wait3A_66 = arith.constant 0 : i32
          %dma_wait3A_67 = tpu.memref_slice %arg5[%add3A_27, %dma_wait3A_66] : memref<2560x64xi32, #tpu.memory_space<hbm>> -> memref<40x64xi32, #tpu.memory_space<hbm>>
          tpu.wait_dma2 semaphore(%run_scoped3A : memref<!tpu.dma_semaphore, #tpu.memory_space<semaphore_mem>>) src(%dma_wait3A_67 : memref<40x64xi32, #tpu.memory_space<hbm>>) dst(%arg9 : memref<40x64xi32, #tpu.memory_space<vmem>>)
          tpu.yield
        }) : () -> ()
        %dma_start3A = arith.constant 0 : i32
        %dma_start3A_28 = arith.constant 0 : i32
        %dma_start3A_29 = tpu.memref_slice %arg8[%dma_start3A, %dma_start3A_28] : memref<40x64xi32, #tpu.memory_space<vmem>> -> memref<1x64xi32, #tpu.memory_space<vmem>>
        %dma_start3A_30 = tpu.memref_squeeze %dma_start3A_29 : memref<1x64xi32, #tpu.memory_space<vmem>> -> memref<64xi32, #tpu.memory_space<vmem>>
        %dma_start3A_31 = arith.constant 0 : i32
        %dma_start3A_32 = arith.constant 0 : i32
        %dma_start3A_33 = tpu.memref_slice %arg3[%dma_start3A_31, %dma_start3A_32] : memref<10240x128xf32, #tpu.memory_space<hbm>> -> memref<10240x128xf32, #tpu.memory_space<hbm>>
        tpu.enqueue_indirect_dma source(%dma_start3A_33 : memref<10240x128xf32, #tpu.memory_space<hbm>>) target(%arg10 : memref<64x128xf32, #tpu.memory_space<vmem>>) offsets(%dma_start3A_30 : memref<64xi32, #tpu.memory_space<vmem>>) semaphore(%arg15 : memref<!tpu.dma_semaphore, #tpu.memory_space<semaphore_mem>>)
        %dma_start3A_34 = arith.constant 1 : i32
        %dma_start3A_35 = arith.constant 0 : i32
        %dma_start3A_36 = tpu.memref_slice %arg8[%dma_start3A_34, %dma_start3A_35] : memref<40x64xi32, #tpu.memory_space<vmem>> -> memref<1x64xi32, #tpu.memory_space<vmem>>
        %dma_start3A_37 = tpu.memref_squeeze %dma_start3A_36 : memref<1x64xi32, #tpu.memory_space<vmem>> -> memref<64xi32, #tpu.memory_space<vmem>>
        %dma_start3A_38 = arith.constant 0 : i32
        %dma_start3A_39 = arith.constant 0 : i32
        %dma_start3A_40 = tpu.memref_slice %arg3[%dma_start3A_38, %dma_start3A_39] : memref<10240x128xf32, #tpu.memory_space<hbm>> -> memref<10240x128xf32, #tpu.memory_space<hbm>>
        tpu.enqueue_indirect_dma source(%dma_start3A_40 : memref<10240x128xf32, #tpu.memory_space<hbm>>) target(%arg11 : memref<64x128xf32, #tpu.memory_space<vmem>>) offsets(%dma_start3A_37 : memref<64xi32, #tpu.memory_space<vmem>>) semaphore(%arg16 : memref<!tpu.dma_semaphore, #tpu.memory_space<semaphore_mem>>)
        %scan3A_41 = arith.constant 0 : i32
        %scan3A_42 = arith.constant 0 : i32
        %scan3A_43 = arith.constant 10 : i32
        %scan3A_44 = arith.addi %scan3A_42, %scan3A_43 : i32
        %scan3A_45 = arith.constant 1 : i32
        scf.for %scan3A_60 = %scan3A_42 to %scan3A_44 step %scan3A_45  : i32 {
          %mul3A_61 = arith.constant 4 : i32
          %mul3A_62 = arith.muli %scan3A_60, %mul3A_61 : i32
          %add3A_63 = arith.constant 0 : i32
          %add3A_64 = arith.addi %mul3A_62, %add3A_63 : i32
          %dma_wait3A_65 = arith.constant 0 : i32
          %dma_wait3A_66 = tpu.memref_slice %arg8[%add3A_64, %dma_wait3A_65] : memref<40x64xi32, #tpu.memory_space<vmem>> -> memref<1x64xi32, #tpu.memory_space<vmem>>
          %dma_wait3A_67 = tpu.memref_squeeze %dma_wait3A_66 : memref<1x64xi32, #tpu.memory_space<vmem>> -> memref<64xi32, #tpu.memory_space<vmem>>
          %dma_wait3A_68 = arith.constant 0 : i32
          %dma_wait3A_69 = arith.constant 0 : i32
          %dma_wait3A_70 = tpu.memref_slice %arg3[%dma_wait3A_68, %dma_wait3A_69] : memref<10240x128xf32, #tpu.memory_space<hbm>> -> memref<10240x128xf32, #tpu.memory_space<hbm>>
          tpu.wait_indirect_dma semaphore(%arg15 : memref<!tpu.dma_semaphore, #tpu.memory_space<semaphore_mem>>) src(%dma_wait3A_70 : memref<10240x128xf32, #tpu.memory_space<hbm>>) dst(%arg10 : memref<64x128xf32, #tpu.memory_space<vmem>>)
          %ge3A = arith.constant 2 : i32
          %ge3A_71 = arith.cmpi sge, %add3A_64, %ge3A : i32
          %convert_element_type3A_72 = arith.extui %ge3A_71 : i1 to i32
          %cond3A_73 = arith.constant 0 : i32
          %cond3A_74 = arith.cmpi ne, %convert_element_type3A_72, %cond3A_73 : i32
          scf.if %cond3A_74 {
            %dma_wait3A_165 = arith.constant 0 : i32
            %dma_wait3A_166 = tpu.memref_slice %arg9[%add3A_64, %dma_wait3A_165] : memref<40x64xi32, #tpu.memory_space<vmem>> -> memref<1x64xi32, #tpu.memory_space<vmem>>
            %dma_wait3A_167 = tpu.memref_squeeze %dma_wait3A_166 : memref<1x64xi32, #tpu.memory_space<vmem>> -> memref<64xi32, #tpu.memory_space<vmem>>
            %dma_wait3A_168 = arith.constant 0 : i32
            %dma_wait3A_169 = arith.constant 0 : i32
            %dma_wait3A_170 = tpu.memref_slice %arg14[%dma_wait3A_168, %dma_wait3A_169] : memref<10240x128xf32, #tpu.memory_space<vmem_shared>> -> memref<10240x128xf32, #tpu.memory_space<vmem_shared>>
            tpu.wait_indirect_dma semaphore(%arg21 : memref<!tpu.dma_semaphore, #tpu.memory_space<semaphore_mem>>) src(%arg12 : memref<64x128xf32, #tpu.memory_space<vmem>>) dst(%dma_wait3A_170 : memref<10240x128xf32, #tpu.memory_space<vmem_shared>>)
          } else {
          }
          %add3A_75 = arith.constant 2 : i32
          %add3A_76 = arith.addi %add3A_64, %add3A_75 : i32
          %lt3A = arith.constant 40 : i32
          %lt3A_77 = arith.cmpi slt, %add3A_76, %lt3A : i32
          %convert_element_type3A_78 = arith.extui %lt3A_77 : i1 to i32
          %cond3A_79 = arith.constant 0 : i32
          %cond3A_80 = arith.cmpi ne, %convert_element_type3A_78, %cond3A_79 : i32
          scf.if %cond3A_80 {
            %add3A_165 = arith.constant 2 : i32
            %add3A_166 = arith.addi %add3A_64, %add3A_165 : i32
            %dma_start3A_167 = arith.constant 0 : i32
            %dma_start3A_168 = tpu.memref_slice %arg8[%add3A_166, %dma_start3A_167] : memref<40x64xi32, #tpu.memory_space<vmem>> -> memref<1x64xi32, #tpu.memory_space<vmem>>
            %dma_start3A_169 = tpu.memref_squeeze %dma_start3A_168 : memref<1x64xi32, #tpu.memory_space<vmem>> -> memref<64xi32, #tpu.memory_space<vmem>>
            %dma_start3A_170 = arith.constant 0 : i32
            %dma_start3A_171 = arith.constant 0 : i32
            %dma_start3A_172 = tpu.memref_slice %arg3[%dma_start3A_170, %dma_start3A_171] : memref<10240x128xf32, #tpu.memory_space<hbm>> -> memref<10240x128xf32, #tpu.memory_space<hbm>>
            tpu.enqueue_indirect_dma source(%dma_start3A_172 : memref<10240x128xf32, #tpu.memory_space<hbm>>) target(%arg12 : memref<64x128xf32, #tpu.memory_space<vmem>>) offsets(%dma_start3A_169 : memref<64xi32, #tpu.memory_space<vmem>>) semaphore(%arg17 : memref<!tpu.dma_semaphore, #tpu.memory_space<semaphore_mem>>)
          } else {
          }
          %dma_start3A_81 = arith.constant 0 : i32
          %dma_start3A_82 = tpu.memref_slice %arg9[%add3A_64, %dma_start3A_81] : memref<40x64xi32, #tpu.memory_space<vmem>> -> memref<1x64xi32, #tpu.memory_space<vmem>>
          %dma_start3A_83 = tpu.memref_squeeze %dma_start3A_82 : memref<1x64xi32, #tpu.memory_space<vmem>> -> memref<64xi32, #tpu.memory_space<vmem>>
          %dma_start3A_84 = arith.constant 0 : i32
          %dma_start3A_85 = arith.constant 0 : i32
          %dma_start3A_86 = tpu.memref_slice %arg14[%dma_start3A_84, %dma_start3A_85] : memref<10240x128xf32, #tpu.memory_space<vmem_shared>> -> memref<10240x128xf32, #tpu.memory_space<vmem_shared>>
          tpu.enqueue_indirect_dma source(%arg10 : memref<64x128xf32, #tpu.memory_space<vmem>>) target(%dma_start3A_86 : memref<10240x128xf32, #tpu.memory_space<vmem_shared>>) offsets(%dma_start3A_83 : memref<64xi32, #tpu.memory_space<vmem>>) semaphore(%arg19 : memref<!tpu.dma_semaphore, #tpu.memory_space<semaphore_mem>>) {add = true}
          %add3A_87 = arith.constant 1 : i32
          %add3A_88 = arith.addi %mul3A_62, %add3A_87 : i32
          %dma_wait3A_89 = arith.constant 0 : i32
          %dma_wait3A_90 = tpu.memref_slice %arg8[%add3A_88, %dma_wait3A_89] : memref<40x64xi32, #tpu.memory_space<vmem>> -> memref<1x64xi32, #tpu.memory_space<vmem>>
          %dma_wait3A_91 = tpu.memref_squeeze %dma_wait3A_90 : memref<1x64xi32, #tpu.memory_space<vmem>> -> memref<64xi32, #tpu.memory_space<vmem>>
          %dma_wait3A_92 = arith.constant 0 : i32
          %dma_wait3A_93 = arith.constant 0 : i32
          %dma_wait3A_94 = tpu.memref_slice %arg3[%dma_wait3A_92, %dma_wait3A_93] : memref<10240x128xf32, #tpu.memory_space<hbm>> -> memref<10240x128xf32, #tpu.memory_space<hbm>>
          tpu.wait_indirect_dma semaphore(%arg16 : memref<!tpu.dma_semaphore, #tpu.memory_space<semaphore_mem>>) src(%dma_wait3A_94 : memref<10240x128xf32, #tpu.memory_space<hbm>>) dst(%arg11 : memref<64x128xf32, #tpu.memory_space<vmem>>)
          %ge3A_95 = arith.constant 2 : i32
          %ge3A_96 = arith.cmpi sge, %add3A_88, %ge3A_95 : i32
          %convert_element_type3A_97 = arith.extui %ge3A_96 : i1 to i32
          %cond3A_98 = arith.constant 0 : i32
          %cond3A_99 = arith.cmpi ne, %convert_element_type3A_97, %cond3A_98 : i32
          scf.if %cond3A_99 {
            %dma_wait3A_165 = arith.constant 0 : i32
            %dma_wait3A_166 = tpu.memref_slice %arg9[%add3A_88, %dma_wait3A_165] : memref<40x64xi32, #tpu.memory_space<vmem>> -> memref<1x64xi32, #tpu.memory_space<vmem>>
            %dma_wait3A_167 = tpu.memref_squeeze %dma_wait3A_166 : memref<1x64xi32, #tpu.memory_space<vmem>> -> memref<64xi32, #tpu.memory_space<vmem>>
            %dma_wait3A_168 = arith.constant 0 : i32
            %dma_wait3A_169 = arith.constant 0 : i32
            %dma_wait3A_170 = tpu.memref_slice %arg14[%dma_wait3A_168, %dma_wait3A_169] : memref<10240x128xf32, #tpu.memory_space<vmem_shared>> -> memref<10240x128xf32, #tpu.memory_space<vmem_shared>>
            tpu.wait_indirect_dma semaphore(%arg22 : memref<!tpu.dma_semaphore, #tpu.memory_space<semaphore_mem>>) src(%arg13 : memref<64x128xf32, #tpu.memory_space<vmem>>) dst(%dma_wait3A_170 : memref<10240x128xf32, #tpu.memory_space<vmem_shared>>)
          } else {
          }
          %add3A_100 = arith.constant 2 : i32
          %add3A_101 = arith.addi %add3A_88, %add3A_100 : i32
          %lt3A_102 = arith.constant 40 : i32
          %lt3A_103 = arith.cmpi slt, %add3A_101, %lt3A_102 : i32
          %convert_element_type3A_104 = arith.extui %lt3A_103 : i1 to i32
          %cond3A_105 = arith.constant 0 : i32
          %cond3A_106 = arith.cmpi ne, %convert_element_type3A_104, %cond3A_105 : i32
          scf.if %cond3A_106 {
            %add3A_165 = arith.constant 2 : i32
            %add3A_166 = arith.addi %add3A_88, %add3A_165 : i32
            %dma_start3A_167 = arith.constant 0 : i32
            %dma_start3A_168 = tpu.memref_slice %arg8[%add3A_166, %dma_start3A_167] : memref<40x64xi32, #tpu.memory_space<vmem>> -> memref<1x64xi32, #tpu.memory_space<vmem>>
            %dma_start3A_169 = tpu.memref_squeeze %dma_start3A_168 : memref<1x64xi32, #tpu.memory_space<vmem>> -> memref<64xi32, #tpu.memory_space<vmem>>
            %dma_start3A_170 = arith.constant 0 : i32
            %dma_start3A_171 = arith.constant 0 : i32
            %dma_start3A_172 = tpu.memref_slice %arg3[%dma_start3A_170, %dma_start3A_171] : memref<10240x128xf32, #tpu.memory_space<hbm>> -> memref<10240x128xf32, #tpu.memory_space<hbm>>
            tpu.enqueue_indirect_dma source(%dma_start3A_172 : memref<10240x128xf32, #tpu.memory_space<hbm>>) target(%arg13 : memref<64x128xf32, #tpu.memory_space<vmem>>) offsets(%dma_start3A_169 : memref<64xi32, #tpu.memory_space<vmem>>) semaphore(%arg18 : memref<!tpu.dma_semaphore, #tpu.memory_space<semaphore_mem>>)
          } else {
          }
          %dma_start3A_107 = arith.constant 0 : i32
          %dma_start3A_108 = tpu.memref_slice %arg9[%add3A_88, %dma_start3A_107] : memref<40x64xi32, #tpu.memory_space<vmem>> -> memref<1x64xi32, #tpu.memory_space<vmem>>
          %dma_start3A_109 = tpu.memref_squeeze %dma_start3A_108 : memref<1x64xi32, #tpu.memory_space<vmem>> -> memref<64xi32, #tpu.memory_space<vmem>>
          %dma_start3A_110 = arith.constant 0 : i32
          %dma_start3A_111 = arith.constant 0 : i32
          %dma_start3A_112 = tpu.memref_slice %arg14[%dma_start3A_110, %dma_start3A_111] : memref<10240x128xf32, #tpu.memory_space<vmem_shared>> -> memref<10240x128xf32, #tpu.memory_space<vmem_shared>>
          tpu.enqueue_indirect_dma source(%arg11 : memref<64x128xf32, #tpu.memory_space<vmem>>) target(%dma_start3A_112 : memref<10240x128xf32, #tpu.memory_space<vmem_shared>>) offsets(%dma_start3A_109 : memref<64xi32, #tpu.memory_space<vmem>>) semaphore(%arg20 : memref<!tpu.dma_semaphore, #tpu.memory_space<semaphore_mem>>) {add = true}
          %add3A_113 = arith.constant 2 : i32
          %add3A_114 = arith.addi %mul3A_62, %add3A_113 : i32
          %dma_wait3A_115 = arith.constant 0 : i32
          %dma_wait3A_116 = tpu.memref_slice %arg8[%add3A_114, %dma_wait3A_115] : memref<40x64xi32, #tpu.memory_space<vmem>> -> memref<1x64xi32, #tpu.memory_space<vmem>>
          %dma_wait3A_117 = tpu.memref_squeeze %dma_wait3A_116 : memref<1x64xi32, #tpu.memory_space<vmem>> -> memref<64xi32, #tpu.memory_space<vmem>>
          %dma_wait3A_118 = arith.constant 0 : i32
          %dma_wait3A_119 = arith.constant 0 : i32
          %dma_wait3A_120 = tpu.memref_slice %arg3[%dma_wait3A_118, %dma_wait3A_119] : memref<10240x128xf32, #tpu.memory_space<hbm>> -> memref<10240x128xf32, #tpu.memory_space<hbm>>
          tpu.wait_indirect_dma semaphore(%arg17 : memref<!tpu.dma_semaphore, #tpu.memory_space<semaphore_mem>>) src(%dma_wait3A_120 : memref<10240x128xf32, #tpu.memory_space<hbm>>) dst(%arg12 : memref<64x128xf32, #tpu.memory_space<vmem>>)
          %ge3A_121 = arith.constant 2 : i32
          %ge3A_122 = arith.cmpi sge, %add3A_114, %ge3A_121 : i32
          %convert_element_type3A_123 = arith.extui %ge3A_122 : i1 to i32
          %cond3A_124 = arith.constant 0 : i32
          %cond3A_125 = arith.cmpi ne, %convert_element_type3A_123, %cond3A_124 : i32
          scf.if %cond3A_125 {
            %dma_wait3A_165 = arith.constant 0 : i32
            %dma_wait3A_166 = tpu.memref_slice %arg9[%add3A_114, %dma_wait3A_165] : memref<40x64xi32, #tpu.memory_space<vmem>> -> memref<1x64xi32, #tpu.memory_space<vmem>>
            %dma_wait3A_167 = tpu.memref_squeeze %dma_wait3A_166 : memref<1x64xi32, #tpu.memory_space<vmem>> -> memref<64xi32, #tpu.memory_space<vmem>>
            %dma_wait3A_168 = arith.constant 0 : i32
            %dma_wait3A_169 = arith.constant 0 : i32
            %dma_wait3A_170 = tpu.memref_slice %arg14[%dma_wait3A_168, %dma_wait3A_169] : memref<10240x128xf32, #tpu.memory_space<vmem_shared>> -> memref<10240x128xf32, #tpu.memory_space<vmem_shared>>
            tpu.wait_indirect_dma semaphore(%arg19 : memref<!tpu.dma_semaphore, #tpu.memory_space<semaphore_mem>>) src(%arg10 : memref<64x128xf32, #tpu.memory_space<vmem>>) dst(%dma_wait3A_170 : memref<10240x128xf32, #tpu.memory_space<vmem_shared>>)
          } else {
          }
          %add3A_126 = arith.constant 2 : i32
          %add3A_127 = arith.addi %add3A_114, %add3A_126 : i32
          %lt3A_128 = arith.constant 40 : i32
          %lt3A_129 = arith.cmpi slt, %add3A_127, %lt3A_128 : i32
          %convert_element_type3A_130 = arith.extui %lt3A_129 : i1 to i32
          %cond3A_131 = arith.constant 0 : i32
          %cond3A_132 = arith.cmpi ne, %convert_element_type3A_130, %cond3A_131 : i32
          scf.if %cond3A_132 {
            %add3A_165 = arith.constant 2 : i32
            %add3A_166 = arith.addi %add3A_114, %add3A_165 : i32
            %dma_start3A_167 = arith.constant 0 : i32
            %dma_start3A_168 = tpu.memref_slice %arg8[%add3A_166, %dma_start3A_167] : memref<40x64xi32, #tpu.memory_space<vmem>> -> memref<1x64xi32, #tpu.memory_space<vmem>>
            %dma_start3A_169 = tpu.memref_squeeze %dma_start3A_168 : memref<1x64xi32, #tpu.memory_space<vmem>> -> memref<64xi32, #tpu.memory_space<vmem>>
            %dma_start3A_170 = arith.constant 0 : i32
            %dma_start3A_171 = arith.constant 0 : i32
            %dma_start3A_172 = tpu.memref_slice %arg3[%dma_start3A_170, %dma_start3A_171] : memref<10240x128xf32, #tpu.memory_space<hbm>> -> memref<10240x128xf32, #tpu.memory_space<hbm>>
            tpu.enqueue_indirect_dma source(%dma_start3A_172 : memref<10240x128xf32, #tpu.memory_space<hbm>>) target(%arg10 : memref<64x128xf32, #tpu.memory_space<vmem>>) offsets(%dma_start3A_169 : memref<64xi32, #tpu.memory_space<vmem>>) semaphore(%arg15 : memref<!tpu.dma_semaphore, #tpu.memory_space<semaphore_mem>>)
          } else {
          }
          %dma_start3A_133 = arith.constant 0 : i32
          %dma_start3A_134 = tpu.memref_slice %arg9[%add3A_114, %dma_start3A_133] : memref<40x64xi32, #tpu.memory_space<vmem>> -> memref<1x64xi32, #tpu.memory_space<vmem>>
          %dma_start3A_135 = tpu.memref_squeeze %dma_start3A_134 : memref<1x64xi32, #tpu.memory_space<vmem>> -> memref<64xi32, #tpu.memory_space<vmem>>
          %dma_start3A_136 = arith.constant 0 : i32
          %dma_start3A_137 = arith.constant 0 : i32
          %dma_start3A_138 = tpu.memref_slice %arg14[%dma_start3A_136, %dma_start3A_137] : memref<10240x128xf32, #tpu.memory_space<vmem_shared>> -> memref<10240x128xf32, #tpu.memory_space<vmem_shared>>
          tpu.enqueue_indirect_dma source(%arg12 : memref<64x128xf32, #tpu.memory_space<vmem>>) target(%dma_start3A_138 : memref<10240x128xf32, #tpu.memory_space<vmem_shared>>) offsets(%dma_start3A_135 : memref<64xi32, #tpu.memory_space<vmem>>) semaphore(%arg21 : memref<!tpu.dma_semaphore, #tpu.memory_space<semaphore_mem>>) {add = true}
          %add3A_139 = arith.constant 3 : i32
          %add3A_140 = arith.addi %mul3A_62, %add3A_139 : i32
          %dma_wait3A_141 = arith.constant 0 : i32
          %dma_wait3A_142 = tpu.memref_slice %arg8[%add3A_140, %dma_wait3A_141] : memref<40x64xi32, #tpu.memory_space<vmem>> -> memref<1x64xi32, #tpu.memory_space<vmem>>
          %dma_wait3A_143 = tpu.memref_squeeze %dma_wait3A_142 : memref<1x64xi32, #tpu.memory_space<vmem>> -> memref<64xi32, #tpu.memory_space<vmem>>
          %dma_wait3A_144 = arith.constant 0 : i32
          %dma_wait3A_145 = arith.constant 0 : i32
          %dma_wait3A_146 = tpu.memref_slice %arg3[%dma_wait3A_144, %dma_wait3A_145] : memref<10240x128xf32, #tpu.memory_space<hbm>> -> memref<10240x128xf32, #tpu.memory_space<hbm>>
          tpu.wait_indirect_dma semaphore(%arg18 : memref<!tpu.dma_semaphore, #tpu.memory_space<semaphore_mem>>) src(%dma_wait3A_146 : memref<10240x128xf32, #tpu.memory_space<hbm>>) dst(%arg13 : memref<64x128xf32, #tpu.memory_space<vmem>>)
          %ge3A_147 = arith.constant 2 : i32
          %ge3A_148 = arith.cmpi sge, %add3A_140, %ge3A_147 : i32
          %convert_element_type3A_149 = arith.extui %ge3A_148 : i1 to i32
          %cond3A_150 = arith.constant 0 : i32
          %cond3A_151 = arith.cmpi ne, %convert_element_type3A_149, %cond3A_150 : i32
          scf.if %cond3A_151 {
            %dma_wait3A_165 = arith.constant 0 : i32
            %dma_wait3A_166 = tpu.memref_slice %arg9[%add3A_140, %dma_wait3A_165] : memref<40x64xi32, #tpu.memory_space<vmem>> -> memref<1x64xi32, #tpu.memory_space<vmem>>
            %dma_wait3A_167 = tpu.memref_squeeze %dma_wait3A_166 : memref<1x64xi32, #tpu.memory_space<vmem>> -> memref<64xi32, #tpu.memory_space<vmem>>
            %dma_wait3A_168 = arith.constant 0 : i32
            %dma_wait3A_169 = arith.constant 0 : i32
            %dma_wait3A_170 = tpu.memref_slice %arg14[%dma_wait3A_168, %dma_wait3A_169] : memref<10240x128xf32, #tpu.memory_space<vmem_shared>> -> memref<10240x128xf32, #tpu.memory_space<vmem_shared>>
            tpu.wait_indirect_dma semaphore(%arg20 : memref<!tpu.dma_semaphore, #tpu.memory_space<semaphore_mem>>) src(%arg11 : memref<64x128xf32, #tpu.memory_space<vmem>>) dst(%dma_wait3A_170 : memref<10240x128xf32, #tpu.memory_space<vmem_shared>>)
          } else {
          }
          %add3A_152 = arith.constant 2 : i32
          %add3A_153 = arith.addi %add3A_140, %add3A_152 : i32
          %lt3A_154 = arith.constant 40 : i32
          %lt3A_155 = arith.cmpi slt, %add3A_153, %lt3A_154 : i32
          %convert_element_type3A_156 = arith.extui %lt3A_155 : i1 to i32
          %cond3A_157 = arith.constant 0 : i32
          %cond3A_158 = arith.cmpi ne, %convert_element_type3A_156, %cond3A_157 : i32
          scf.if %cond3A_158 {
            %add3A_165 = arith.constant 2 : i32
            %add3A_166 = arith.addi %add3A_140, %add3A_165 : i32
            %dma_start3A_167 = arith.constant 0 : i32
            %dma_start3A_168 = tpu.memref_slice %arg8[%add3A_166, %dma_start3A_167] : memref<40x64xi32, #tpu.memory_space<vmem>> -> memref<1x64xi32, #tpu.memory_space<vmem>>
            %dma_start3A_169 = tpu.memref_squeeze %dma_start3A_168 : memref<1x64xi32, #tpu.memory_space<vmem>> -> memref<64xi32, #tpu.memory_space<vmem>>
            %dma_start3A_170 = arith.constant 0 : i32
            %dma_start3A_171 = arith.constant 0 : i32
            %dma_start3A_172 = tpu.memref_slice %arg3[%dma_start3A_170, %dma_start3A_171] : memref<10240x128xf32, #tpu.memory_space<hbm>> -> memref<10240x128xf32, #tpu.memory_space<hbm>>
            tpu.enqueue_indirect_dma source(%dma_start3A_172 : memref<10240x128xf32, #tpu.memory_space<hbm>>) target(%arg11 : memref<64x128xf32, #tpu.memory_space<vmem>>) offsets(%dma_start3A_169 : memref<64xi32, #tpu.memory_space<vmem>>) semaphore(%arg16 : memref<!tpu.dma_semaphore, #tpu.memory_space<semaphore_mem>>)
          } else {
          }
          %dma_start3A_159 = arith.constant 0 : i32
          %dma_start3A_160 = tpu.memref_slice %arg9[%add3A_140, %dma_start3A_159] : memref<40x64xi32, #tpu.memory_space<vmem>> -> memref<1x64xi32, #tpu.memory_space<vmem>>
          %dma_start3A_161 = tpu.memref_squeeze %dma_start3A_160 : memref<1x64xi32, #tpu.memory_space<vmem>> -> memref<64xi32, #tpu.memory_space<vmem>>
          %dma_start3A_162 = arith.constant 0 : i32
          %dma_start3A_163 = arith.constant 0 : i32
          %dma_start3A_164 = tpu.memref_slice %arg14[%dma_start3A_162, %dma_start3A_163] : memref<10240x128xf32, #tpu.memory_space<vmem_shared>> -> memref<10240x128xf32, #tpu.memory_space<vmem_shared>>
          tpu.enqueue_indirect_dma source(%arg13 : memref<64x128xf32, #tpu.memory_space<vmem>>) target(%dma_start3A_164 : memref<10240x128xf32, #tpu.memory_space<vmem_shared>>) offsets(%dma_start3A_161 : memref<64xi32, #tpu.memory_space<vmem>>) semaphore(%arg22 : memref<!tpu.dma_semaphore, #tpu.memory_space<semaphore_mem>>) {add = true}
        }
        %scan3A_46 = arith.constant 10 : i32
        %dma_wait3A = arith.constant 38 : i32
        %dma_wait3A_47 = arith.constant 0 : i32
        %dma_wait3A_48 = tpu.memref_slice %arg9[%dma_wait3A, %dma_wait3A_47] : memref<40x64xi32, #tpu.memory_space<vmem>> -> memref<1x64xi32, #tpu.memory_space<vmem>>
        %dma_wait3A_49 = tpu.memref_squeeze %dma_wait3A_48 : memref<1x64xi32, #tpu.memory_space<vmem>> -> memref<64xi32, #tpu.memory_space<vmem>>
        %dma_wait3A_50 = arith.constant 0 : i32
        %dma_wait3A_51 = arith.constant 0 : i32
        %dma_wait3A_52 = tpu.memref_slice %arg14[%dma_wait3A_50, %dma_wait3A_51] : memref<10240x128xf32, #tpu.memory_space<vmem_shared>> -> memref<10240x128xf32, #tpu.memory_space<vmem_shared>>
        tpu.wait_indirect_dma semaphore(%arg21 : memref<!tpu.dma_semaphore, #tpu.memory_space<semaphore_mem>>) src(%arg12 : memref<64x128xf32, #tpu.memory_space<vmem>>) dst(%dma_wait3A_52 : memref<10240x128xf32, #tpu.memory_space<vmem_shared>>)
        %dma_wait3A_53 = arith.constant 39 : i32
        %dma_wait3A_54 = arith.constant 0 : i32
        %dma_wait3A_55 = tpu.memref_slice %arg9[%dma_wait3A_53, %dma_wait3A_54] : memref<40x64xi32, #tpu.memory_space<vmem>> -> memref<1x64xi32, #tpu.memory_space<vmem>>
        %dma_wait3A_56 = tpu.memref_squeeze %dma_wait3A_55 : memref<1x64xi32, #tpu.memory_space<vmem>> -> memref<64xi32, #tpu.memory_space<vmem>>
        %dma_wait3A_57 = arith.constant 0 : i32
        %dma_wait3A_58 = arith.constant 0 : i32
        %dma_wait3A_59 = tpu.memref_slice %arg14[%dma_wait3A_57, %dma_wait3A_58] : memref<10240x128xf32, #tpu.memory_space<vmem_shared>> -> memref<10240x128xf32, #tpu.memory_space<vmem_shared>>
        tpu.wait_indirect_dma semaphore(%arg22 : memref<!tpu.dma_semaphore, #tpu.memory_space<semaphore_mem>>) src(%arg13 : memref<64x128xf32, #tpu.memory_space<vmem>>) dst(%dma_wait3A_59 : memref<10240x128xf32, #tpu.memory_space<vmem_shared>>)
      }
      %scan3A_16 = arith.constant 4 : i32
      %barrier3A_17 = arith.constant 0 : index
      tpu.barrier barrier_id(%barrier3A_17)
      %mul3A_18 = arith.constant 640 : i32
      %mul3A_19 = arith.muli %arg1, %mul3A_18 : i32
      %mul3A_20 = arith.constant 640 : i32
      %mul3A_21 = arith.muli %arg1, %mul3A_20 : i32
      "tpu.region"() ({
        %run_scoped3A = tpu.sem_alloc : memref<!tpu.dma_semaphore, #tpu.memory_space<semaphore_mem>>
        %dma_start3A = arith.constant 0 : i32
        %dma_start3A_22 = tpu.memref_slice %arg7[%mul3A_21, %dma_start3A] : memref<10240x128xf32, #tpu.memory_space<hbm>> -> memref<640x128xf32, #tpu.memory_space<hbm>>
        %dma_start3A_23 = arith.constant 0 : i32
        %dma_start3A_24 = tpu.memref_slice %arg14[%mul3A_19, %dma_start3A_23] : memref<10240x128xf32, #tpu.memory_space<vmem_shared>> -> memref<640x128xf32, #tpu.memory_space<vmem_shared>>
        tpu.enqueue_dma source(%dma_start3A_24 : memref<640x128xf32, #tpu.memory_space<vmem_shared>>) target(%dma_start3A_22 : memref<640x128xf32, #tpu.memory_space<hbm>>) target_semaphore(%run_scoped3A : memref<!tpu.dma_semaphore, #tpu.memory_space<semaphore_mem>>)
        %dma_wait3A = arith.constant 0 : i32
        %dma_wait3A_25 = tpu.memref_slice %arg7[%mul3A_21, %dma_wait3A] : memref<10240x128xf32, #tpu.memory_space<hbm>> -> memref<640x128xf32, #tpu.memory_space<hbm>>
        %dma_wait3A_26 = arith.constant 0 : i32
        %dma_wait3A_27 = tpu.memref_slice %arg14[%mul3A_19, %dma_wait3A_26] : memref<10240x128xf32, #tpu.memory_space<vmem_shared>> -> memref<640x128xf32, #tpu.memory_space<vmem_shared>>
        tpu.wait_dma2 semaphore(%run_scoped3A : memref<!tpu.dma_semaphore, #tpu.memory_space<semaphore_mem>>) src(%dma_wait3A_27 : memref<640x128xf32, #tpu.memory_space<vmem_shared>>) dst(%dma_wait3A_25 : memref<640x128xf32, #tpu.memory_space<hbm>>)
        tpu.yield
      }) : () -> ()
    } else {
    }
    return
  }
}

#map = affine_map<(d0, d1) -> (0, 0)>
module attributes {stable_mosaic.version = 14 : i64} {
  func.func @k(%arg0: i32, %arg1: i32, %arg2: memref<2560x64xi32, #tpu.memory_space<hbm>>, %arg3: memref<2x10240xf32, #tpu.memory_space<hbm>>, %arg4: memref<80x64xi32, #tpu.memory_space<vmem>>, %arg5: memref<64xf32, #tpu.memory_space<vmem>>, %arg6: memref<640xf32, #tpu.memory_space<vmem>>, %arg7: memref<10240xf32, #tpu.memory_space<vmem_shared>>, %arg8: memref<!tpu.dma_semaphore, #tpu.memory_space<semaphore_mem>>) attributes {dimension_semantics = [#tpu.dimension_semantics<core_parallel>, #tpu.dimension_semantics<subcore_parallel>], iteration_bounds = array<i64: 2, 16>, scalar_prefetch = 0 : i64, scratch_operands = 5 : i64, tpu.core_type = #tpu.core_type<sc_vector_subcore>, window_params = [{transform_indices = #map}, {transform_indices = #map}]} {
    %mul3A = arith.constant 16 : i32
    %mul3A_0 = arith.muli %arg0, %mul3A : i32
    %add3A = arith.addi %mul3A_0, %arg1 : i32
    %scan3A = arith.constant 0 : i32
    %scan3A_1 = arith.constant 0 : i32
    %scan3A_2 = arith.constant 40 : i32
    %scan3A_3 = arith.addi %scan3A_1, %scan3A_2 : i32
    %scan3A_4 = arith.constant 1 : i32
    scf.for %scan3A_49 = %scan3A_1 to %scan3A_3 step %scan3A_4  : i32 {
      %broadcast_in_dim3A_50 = arith.constant 0.000000e+00 : f32
      %broadcast_in_dim3A_51 = vector.broadcast %broadcast_in_dim3A_50 : f32 to vector<16xf32>
      %mul3A_52 = arith.constant 16 : i32
      %mul3A_53 = arith.muli %scan3A_49, %mul3A_52 : i32
      %swap3A_54 = arith.index_cast %mul3A_53 : i32 to index
      %swap3A_55 = tpu.vector_load %arg6[%swap3A_54] {strides = array<i32>} : memref<640xf32, #tpu.memory_space<vmem>>, vector<16xf32>,
      %swap3A_56 = vector.shape_cast %swap3A_55 : vector<16xf32> to vector<16xf32>
      %swap3A_57 = vector.shape_cast %broadcast_in_dim3A_51 : vector<16xf32> to vector<16xf32>
      tpu.vector_store %arg6[%swap3A_54], %swap3A_57 {strides = array<i32>} : memref<640xf32, #tpu.memory_space<vmem>>, vector<16xf32>,
    }
    %scan3A_5 = arith.constant 40 : i32
    %broadcast_in_dim3A = arith.constant 1.000000e+00 : f32
    %broadcast_in_dim3A_6 = vector.broadcast %broadcast_in_dim3A : f32 to vector<16xf32>
    %swap3A = arith.constant 0 : index
    %swap3A_7 = tpu.vector_load %arg5[%swap3A] {strides = array<i32>} : memref<64xf32, #tpu.memory_space<vmem>>, vector<16xf32>,
    %swap3A_8 = vector.shape_cast %swap3A_7 : vector<16xf32> to vector<16xf32>
    %swap3A_9 = vector.shape_cast %broadcast_in_dim3A_6 : vector<16xf32> to vector<16xf32>
    tpu.vector_store %arg5[%swap3A], %swap3A_9 {strides = array<i32>} : memref<64xf32, #tpu.memory_space<vmem>>, vector<16xf32>,
    %broadcast_in_dim3A_10 = arith.constant 1.000000e+00 : f32
    %broadcast_in_dim3A_11 = vector.broadcast %broadcast_in_dim3A_10 : f32 to vector<16xf32>
    %swap3A_12 = arith.constant 16 : index
    %swap3A_13 = tpu.vector_load %arg5[%swap3A_12] {strides = array<i32>} : memref<64xf32, #tpu.memory_space<vmem>>, vector<16xf32>,
    %swap3A_14 = vector.shape_cast %swap3A_13 : vector<16xf32> to vector<16xf32>
    %swap3A_15 = vector.shape_cast %broadcast_in_dim3A_11 : vector<16xf32> to vector<16xf32>
    tpu.vector_store %arg5[%swap3A_12], %swap3A_15 {strides = array<i32>} : memref<64xf32, #tpu.memory_space<vmem>>, vector<16xf32>,
    %broadcast_in_dim3A_16 = arith.constant 1.000000e+00 : f32
    %broadcast_in_dim3A_17 = vector.broadcast %broadcast_in_dim3A_16 : f32 to vector<16xf32>
    %swap3A_18 = arith.constant 32 : index
    %swap3A_19 = tpu.vector_load %arg5[%swap3A_18] {strides = array<i32>} : memref<64xf32, #tpu.memory_space<vmem>>, vector<16xf32>,
    %swap3A_20 = vector.shape_cast %swap3A_19 : vector<16xf32> to vector<16xf32>
    %swap3A_21 = vector.shape_cast %broadcast_in_dim3A_17 : vector<16xf32> to vector<16xf32>
    tpu.vector_store %arg5[%swap3A_18], %swap3A_21 {strides = array<i32>} : memref<64xf32, #tpu.memory_space<vmem>>, vector<16xf32>,
    %broadcast_in_dim3A_22 = arith.constant 1.000000e+00 : f32
    %broadcast_in_dim3A_23 = vector.broadcast %broadcast_in_dim3A_22 : f32 to vector<16xf32>
    %swap3A_24 = arith.constant 48 : index
    %swap3A_25 = tpu.vector_load %arg5[%swap3A_24] {strides = array<i32>} : memref<64xf32, #tpu.memory_space<vmem>>, vector<16xf32>,
    %swap3A_26 = vector.shape_cast %swap3A_25 : vector<16xf32> to vector<16xf32>
    %swap3A_27 = vector.shape_cast %broadcast_in_dim3A_23 : vector<16xf32> to vector<16xf32>
    tpu.vector_store %arg5[%swap3A_24], %swap3A_27 {strides = array<i32>} : memref<64xf32, #tpu.memory_space<vmem>>, vector<16xf32>,
    %mul3A_28 = arith.constant 640 : i32
    %mul3A_29 = arith.muli %arg1, %mul3A_28 : i32
    "tpu.region"() ({
      %run_scoped3A = tpu.sem_alloc : memref<!tpu.dma_semaphore, #tpu.memory_space<semaphore_mem>>
      %dma_start3A = tpu.memref_slice %arg7[%mul3A_29] : memref<10240xf32, #tpu.memory_space<vmem_shared>> -> memref<640xf32, #tpu.memory_space<vmem_shared>>
      %dma_start3A_49 = tpu.memref_slice %arg7[%mul3A_29] : memref<10240xf32, #tpu.memory_space<vmem_shared>> -> memref<640xf32, #tpu.memory_space<vmem_shared>>
      tpu.enqueue_dma source(%arg6 : memref<640xf32, #tpu.memory_space<vmem>>) target(%dma_start3A_49 : memref<640xf32, #tpu.memory_space<vmem_shared>>) target_semaphore(%run_scoped3A : memref<!tpu.dma_semaphore, #tpu.memory_space<semaphore_mem>>)
      %dma_wait3A = tpu.memref_slice %arg7[%mul3A_29] : memref<10240xf32, #tpu.memory_space<vmem_shared>> -> memref<640xf32, #tpu.memory_space<vmem_shared>>
      %dma_wait3A_50 = tpu.memref_slice %arg7[%mul3A_29] : memref<10240xf32, #tpu.memory_space<vmem_shared>> -> memref<640xf32, #tpu.memory_space<vmem_shared>>
      tpu.wait_dma2 semaphore(%run_scoped3A : memref<!tpu.dma_semaphore, #tpu.memory_space<semaphore_mem>>) src(%arg6 : memref<640xf32, #tpu.memory_space<vmem>>) dst(%dma_wait3A_50 : memref<640xf32, #tpu.memory_space<vmem_shared>>)
      tpu.yield
    }) : () -> ()
    %mul3A_30 = arith.constant 80 : i32
    %mul3A_31 = arith.muli %add3A, %mul3A_30 : i32
    "tpu.region"() ({
      %run_scoped3A = tpu.sem_alloc : memref<!tpu.dma_semaphore, #tpu.memory_space<semaphore_mem>>
      %dma_start3A = arith.constant 0 : i32
      %dma_start3A_49 = tpu.memref_slice %arg2[%mul3A_31, %dma_start3A] : memref<2560x64xi32, #tpu.memory_space<hbm>> -> memref<80x64xi32, #tpu.memory_space<hbm>>
      %dma_start3A_50 = arith.constant 0 : i32
      %dma_start3A_51 = tpu.memref_slice %arg2[%mul3A_31, %dma_start3A_50] : memref<2560x64xi32, #tpu.memory_space<hbm>> -> memref<80x64xi32, #tpu.memory_space<hbm>>
      tpu.enqueue_dma source(%dma_start3A_51 : memref<80x64xi32, #tpu.memory_space<hbm>>) target(%arg4 : memref<80x64xi32, #tpu.memory_space<vmem>>) target_semaphore(%run_scoped3A : memref<!tpu.dma_semaphore, #tpu.memory_space<semaphore_mem>>)
      %dma_wait3A = arith.constant 0 : i32
      %dma_wait3A_52 = tpu.memref_slice %arg2[%mul3A_31, %dma_wait3A] : memref<2560x64xi32, #tpu.memory_space<hbm>> -> memref<80x64xi32, #tpu.memory_space<hbm>>
      %dma_wait3A_53 = arith.constant 0 : i32
      %dma_wait3A_54 = tpu.memref_slice %arg2[%mul3A_31, %dma_wait3A_53] : memref<2560x64xi32, #tpu.memory_space<hbm>> -> memref<80x64xi32, #tpu.memory_space<hbm>>
      tpu.wait_dma2 semaphore(%run_scoped3A : memref<!tpu.dma_semaphore, #tpu.memory_space<semaphore_mem>>) src(%dma_wait3A_54 : memref<80x64xi32, #tpu.memory_space<hbm>>) dst(%arg4 : memref<80x64xi32, #tpu.memory_space<vmem>>)
      tpu.yield
    }) : () -> ()
    %barrier3A = arith.constant 0 : index
    tpu.barrier barrier_id(%barrier3A)
    %scan3A_32 = arith.constant 0 : i32
    %scan3A_33 = arith.constant 0 : i32
    %scan3A_34 = arith.constant 80 : i32
    %scan3A_35 = arith.addi %scan3A_33, %scan3A_34 : i32
    %scan3A_36 = arith.constant 1 : i32
    scf.for %scan3A_49 = %scan3A_33 to %scan3A_35 step %scan3A_36  : i32 {
      %dma_start3A = arith.constant 0 : i32
      %dma_start3A_50 = tpu.memref_slice %arg4[%scan3A_49, %dma_start3A] : memref<80x64xi32, #tpu.memory_space<vmem>> -> memref<1x64xi32, #tpu.memory_space<vmem>>
      %dma_start3A_51 = tpu.memref_squeeze %dma_start3A_50 : memref<1x64xi32, #tpu.memory_space<vmem>> -> memref<64xi32, #tpu.memory_space<vmem>>
      %dma_start3A_52 = arith.constant 0 : i32
      %dma_start3A_53 = tpu.memref_slice %arg7[%dma_start3A_52] : memref<10240xf32, #tpu.memory_space<vmem_shared>> -> memref<10240xf32, #tpu.memory_space<vmem_shared>>
      tpu.enqueue_indirect_dma source(%arg5 : memref<64xf32, #tpu.memory_space<vmem>>) target(%dma_start3A_53 : memref<10240xf32, #tpu.memory_space<vmem_shared>>) offsets(%dma_start3A_51 : memref<64xi32, #tpu.memory_space<vmem>>) semaphore(%arg8 : memref<!tpu.dma_semaphore, #tpu.memory_space<semaphore_mem>>) {add = true}
    }
    %scan3A_37 = arith.constant 80 : i32
    %scan3A_38 = arith.constant 0 : i32
    %scan3A_39 = arith.constant 0 : i32
    %scan3A_40 = arith.constant 80 : i32
    %scan3A_41 = arith.addi %scan3A_39, %scan3A_40 : i32
    %scan3A_42 = arith.constant 1 : i32
    scf.for %scan3A_49 = %scan3A_39 to %scan3A_41 step %scan3A_42  : i32 {
      %dma_wait3A = arith.constant 0 : i32
      %dma_wait3A_50 = tpu.memref_slice %arg4[%scan3A_49, %dma_wait3A] : memref<80x64xi32, #tpu.memory_space<vmem>> -> memref<1x64xi32, #tpu.memory_space<vmem>>
      %dma_wait3A_51 = tpu.memref_squeeze %dma_wait3A_50 : memref<1x64xi32, #tpu.memory_space<vmem>> -> memref<64xi32, #tpu.memory_space<vmem>>
      %dma_wait3A_52 = arith.constant 0 : i32
      %dma_wait3A_53 = tpu.memref_slice %arg7[%dma_wait3A_52] : memref<10240xf32, #tpu.memory_space<vmem_shared>> -> memref<10240xf32, #tpu.memory_space<vmem_shared>>
      tpu.wait_indirect_dma semaphore(%arg8 : memref<!tpu.dma_semaphore, #tpu.memory_space<semaphore_mem>>) src(%arg5 : memref<64xf32, #tpu.memory_space<vmem>>) dst(%dma_wait3A_53 : memref<10240xf32, #tpu.memory_space<vmem_shared>>)
    }
    %scan3A_43 = arith.constant 80 : i32
    %barrier3A_44 = arith.constant 0 : index
    tpu.barrier barrier_id(%barrier3A_44)
    %mul3A_45 = arith.constant 640 : i32
    %mul3A_46 = arith.muli %arg1, %mul3A_45 : i32
    %mul3A_47 = arith.constant 640 : i32
    %mul3A_48 = arith.muli %arg1, %mul3A_47 : i32
    "tpu.region"() ({
      %run_scoped3A = tpu.sem_alloc : memref<!tpu.dma_semaphore, #tpu.memory_space<semaphore_mem>>
      %dma_start3A = tpu.memref_slice %arg3[%arg0, %mul3A_48] : memref<2x10240xf32, #tpu.memory_space<hbm>> -> memref<1x640xf32, #tpu.memory_space<hbm>>
      %dma_start3A_49 = tpu.memref_squeeze %dma_start3A : memref<1x640xf32, #tpu.memory_space<hbm>> -> memref<640xf32, #tpu.memory_space<hbm>>
      %dma_start3A_50 = tpu.memref_slice %arg7[%mul3A_46] : memref<10240xf32, #tpu.memory_space<vmem_shared>> -> memref<640xf32, #tpu.memory_space<vmem_shared>>
      tpu.enqueue_dma source(%dma_start3A_50 : memref<640xf32, #tpu.memory_space<vmem_shared>>) target(%dma_start3A_49 : memref<640xf32, #tpu.memory_space<hbm>>) target_semaphore(%run_scoped3A : memref<!tpu.dma_semaphore, #tpu.memory_space<semaphore_mem>>)
      %dma_wait3A = tpu.memref_slice %arg3[%arg0, %mul3A_48] : memref<2x10240xf32, #tpu.memory_space<hbm>> -> memref<1x640xf32, #tpu.memory_space<hbm>>
      %dma_wait3A_51 = tpu.memref_squeeze %dma_wait3A : memref<1x640xf32, #tpu.memory_space<hbm>> -> memref<640xf32, #tpu.memory_space<hbm>>
      %dma_wait3A_52 = tpu.memref_slice %arg7[%mul3A_46] : memref<10240xf32, #tpu.memory_space<vmem_shared>> -> memref<640xf32, #tpu.memory_space<vmem_shared>>
      tpu.wait_dma2 semaphore(%run_scoped3A : memref<!tpu.dma_semaphore, #tpu.memory_space<semaphore_mem>>) src(%dma_wait3A_52 : memref<640xf32, #tpu.memory_space<vmem_shared>>) dst(%dma_wait3A_51 : memref<640xf32, #tpu.memory_space<hbm>>)
      tpu.yield
    }) : () -> ()
    return
  }
}

#map = affine_map<(d0, d1) -> (0, 0)>
#map1 = affine_map<(d0, d1) -> (0, 0, 0)>
module attributes {stable_mosaic.version = 14 : i64} {
  func.func @k(%arg0: i32, %arg1: i32, %arg2: memref<10240x128xf32, #tpu.memory_space<hbm>>, %arg3: memref<2560x64xi32, #tpu.memory_space<hbm>>, %arg4: memref<2560x64xi32, #tpu.memory_space<hbm>>, %arg5: memref<2x10240x128xf32, #tpu.memory_space<hbm>>, %arg6: memref<40x64xi32, #tpu.memory_space<vmem>>, %arg7: memref<40x64xi32, #tpu.memory_space<vmem>>, %arg8: memref<64x128xf32, #tpu.memory_space<vmem>>, %arg9: memref<64x128xf32, #tpu.memory_space<vmem>>, %arg10: memref<64x128xf32, #tpu.memory_space<vmem>>, %arg11: memref<64x128xf32, #tpu.memory_space<vmem>>, %arg12: memref<10240x128xf32, #tpu.memory_space<vmem_shared>>, %arg13: memref<!tpu.dma_semaphore, #tpu.memory_space<semaphore_mem>>, %arg14: memref<!tpu.dma_semaphore, #tpu.memory_space<semaphore_mem>>, %arg15: memref<!tpu.dma_semaphore, #tpu.memory_space<semaphore_mem>>, %arg16: memref<!tpu.dma_semaphore, #tpu.memory_space<semaphore_mem>>, %arg17: memref<!tpu.dma_semaphore, #tpu.memory_space<semaphore_mem>>, %arg18: memref<!tpu.dma_semaphore, #tpu.memory_space<semaphore_mem>>, %arg19: memref<!tpu.dma_semaphore, #tpu.memory_space<semaphore_mem>>, %arg20: memref<!tpu.dma_semaphore, #tpu.memory_space<semaphore_mem>>) attributes {dimension_semantics = [#tpu.dimension_semantics<core_parallel>, #tpu.dimension_semantics<subcore_parallel>], iteration_bounds = array<i64: 2, 16>, scalar_prefetch = 0 : i64, scratch_operands = 15 : i64, tpu.core_type = #tpu.core_type<sc_vector_subcore>, window_params = [{transform_indices = #map}, {transform_indices = #map}, {transform_indices = #map}, {transform_indices = #map1}]} {
    %mul3A = arith.constant 16 : i32
    %mul3A_0 = arith.muli %arg0, %mul3A : i32
    %add3A = arith.addi %mul3A_0, %arg1 : i32
    %mul3A_1 = arith.constant 640 : i32
    %mul3A_2 = arith.muli %arg1, %mul3A_1 : i32
    %mul3A_3 = arith.constant 640 : i32
    %mul3A_4 = arith.muli %arg1, %mul3A_3 : i32
    "tpu.region"() ({
      %run_scoped3A = tpu.sem_alloc : memref<!tpu.dma_semaphore, #tpu.memory_space<semaphore_mem>>
      %dma_start3A = arith.constant 0 : i32
      %dma_start3A_17 = tpu.memref_slice %arg12[%mul3A_4, %dma_start3A] : memref<10240x128xf32, #tpu.memory_space<vmem_shared>> -> memref<640x128xf32, #tpu.memory_space<vmem_shared>>
      %dma_start3A_18 = arith.constant 0 : i32
      %dma_start3A_19 = tpu.memref_slice %arg2[%mul3A_2, %dma_start3A_18] : memref<10240x128xf32, #tpu.memory_space<hbm>> -> memref<640x128xf32, #tpu.memory_space<hbm>>
      tpu.enqueue_dma source(%dma_start3A_19 : memref<640x128xf32, #tpu.memory_space<hbm>>) target(%dma_start3A_17 : memref<640x128xf32, #tpu.memory_space<vmem_shared>>) target_semaphore(%run_scoped3A : memref<!tpu.dma_semaphore, #tpu.memory_space<semaphore_mem>>)
      %dma_wait3A = arith.constant 0 : i32
      %dma_wait3A_20 = tpu.memref_slice %arg12[%mul3A_4, %dma_wait3A] : memref<10240x128xf32, #tpu.memory_space<vmem_shared>> -> memref<640x128xf32, #tpu.memory_space<vmem_shared>>
      %dma_wait3A_21 = arith.constant 0 : i32
      %dma_wait3A_22 = tpu.memref_slice %arg2[%mul3A_2, %dma_wait3A_21] : memref<10240x128xf32, #tpu.memory_space<hbm>> -> memref<640x128xf32, #tpu.memory_space<hbm>>
      tpu.wait_dma2 semaphore(%run_scoped3A : memref<!tpu.dma_semaphore, #tpu.memory_space<semaphore_mem>>) src(%dma_wait3A_22 : memref<640x128xf32, #tpu.memory_space<hbm>>) dst(%dma_wait3A_20 : memref<640x128xf32, #tpu.memory_space<vmem_shared>>)
      tpu.yield
    }) : () -> ()
    %barrier3A = arith.constant 0 : index
    tpu.barrier barrier_id(%barrier3A)
    %mul3A_5 = arith.constant 80 : i32
    %mul3A_6 = arith.muli %add3A, %mul3A_5 : i32
    %scan3A = arith.constant 0 : i32
    %scan3A_7 = arith.constant 0 : i32
    %scan3A_8 = arith.constant 2 : i32
    %scan3A_9 = arith.addi %scan3A_7, %scan3A_8 : i32
    %scan3A_10 = arith.constant 1 : i32
    scf.for %scan3A_17 = %scan3A_7 to %scan3A_9 step %scan3A_10  : i32 {
      %mul3A_18 = arith.constant 40 : i32
      %mul3A_19 = arith.muli %scan3A_17, %mul3A_18 : i32
      %add3A_20 = arith.addi %mul3A_6, %mul3A_19 : i32
      "tpu.region"() ({
        %run_scoped3A = tpu.sem_alloc : memref<!tpu.dma_semaphore, #tpu.memory_space<semaphore_mem>>
        %dma_start3A_56 = arith.constant 0 : i32
        %dma_start3A_57 = tpu.memref_slice %arg3[%add3A_20, %dma_start3A_56] : memref<2560x64xi32, #tpu.memory_space<hbm>> -> memref<40x64xi32, #tpu.memory_space<hbm>>
        %dma_start3A_58 = arith.constant 0 : i32
        %dma_start3A_59 = tpu.memref_slice %arg3[%add3A_20, %dma_start3A_58] : memref<2560x64xi32, #tpu.memory_space<hbm>> -> memref<40x64xi32, #tpu.memory_space<hbm>>
        tpu.enqueue_dma source(%dma_start3A_59 : memref<40x64xi32, #tpu.memory_space<hbm>>) target(%arg6 : memref<40x64xi32, #tpu.memory_space<vmem>>) target_semaphore(%run_scoped3A : memref<!tpu.dma_semaphore, #tpu.memory_space<semaphore_mem>>)
        %dma_wait3A_60 = arith.constant 0 : i32
        %dma_wait3A_61 = tpu.memref_slice %arg3[%add3A_20, %dma_wait3A_60] : memref<2560x64xi32, #tpu.memory_space<hbm>> -> memref<40x64xi32, #tpu.memory_space<hbm>>
        %dma_wait3A_62 = arith.constant 0 : i32
        %dma_wait3A_63 = tpu.memref_slice %arg3[%add3A_20, %dma_wait3A_62] : memref<2560x64xi32, #tpu.memory_space<hbm>> -> memref<40x64xi32, #tpu.memory_space<hbm>>
        tpu.wait_dma2 semaphore(%run_scoped3A : memref<!tpu.dma_semaphore, #tpu.memory_space<semaphore_mem>>) src(%dma_wait3A_63 : memref<40x64xi32, #tpu.memory_space<hbm>>) dst(%arg6 : memref<40x64xi32, #tpu.memory_space<vmem>>)
        tpu.yield
      }) : () -> ()
      %mul3A_21 = arith.constant 40 : i32
      %mul3A_22 = arith.muli %scan3A_17, %mul3A_21 : i32
      %add3A_23 = arith.addi %mul3A_6, %mul3A_22 : i32
      "tpu.region"() ({
        %run_scoped3A = tpu.sem_alloc : memref<!tpu.dma_semaphore, #tpu.memory_space<semaphore_mem>>
        %dma_start3A_56 = arith.constant 0 : i32
        %dma_start3A_57 = tpu.memref_slice %arg4[%add3A_23, %dma_start3A_56] : memref<2560x64xi32, #tpu.memory_space<hbm>> -> memref<40x64xi32, #tpu.memory_space<hbm>>
        %dma_start3A_58 = arith.constant 0 : i32
        %dma_start3A_59 = tpu.memref_slice %arg4[%add3A_23, %dma_start3A_58] : memref<2560x64xi32, #tpu.memory_space<hbm>> -> memref<40x64xi32, #tpu.memory_space<hbm>>
        tpu.enqueue_dma source(%dma_start3A_59 : memref<40x64xi32, #tpu.memory_space<hbm>>) target(%arg7 : memref<40x64xi32, #tpu.memory_space<vmem>>) target_semaphore(%run_scoped3A : memref<!tpu.dma_semaphore, #tpu.memory_space<semaphore_mem>>)
        %dma_wait3A_60 = arith.constant 0 : i32
        %dma_wait3A_61 = tpu.memref_slice %arg4[%add3A_23, %dma_wait3A_60] : memref<2560x64xi32, #tpu.memory_space<hbm>> -> memref<40x64xi32, #tpu.memory_space<hbm>>
        %dma_wait3A_62 = arith.constant 0 : i32
        %dma_wait3A_63 = tpu.memref_slice %arg4[%add3A_23, %dma_wait3A_62] : memref<2560x64xi32, #tpu.memory_space<hbm>> -> memref<40x64xi32, #tpu.memory_space<hbm>>
        tpu.wait_dma2 semaphore(%run_scoped3A : memref<!tpu.dma_semaphore, #tpu.memory_space<semaphore_mem>>) src(%dma_wait3A_63 : memref<40x64xi32, #tpu.memory_space<hbm>>) dst(%arg7 : memref<40x64xi32, #tpu.memory_space<vmem>>)
        tpu.yield
      }) : () -> ()
      %dma_start3A = arith.constant 0 : i32
      %dma_start3A_24 = arith.constant 0 : i32
      %dma_start3A_25 = tpu.memref_slice %arg6[%dma_start3A, %dma_start3A_24] : memref<40x64xi32, #tpu.memory_space<vmem>> -> memref<1x64xi32, #tpu.memory_space<vmem>>
      %dma_start3A_26 = tpu.memref_squeeze %dma_start3A_25 : memref<1x64xi32, #tpu.memory_space<vmem>> -> memref<64xi32, #tpu.memory_space<vmem>>
      %dma_start3A_27 = arith.constant 0 : i32
      %dma_start3A_28 = arith.constant 0 : i32
      %dma_start3A_29 = tpu.memref_slice %arg2[%dma_start3A_27, %dma_start3A_28] : memref<10240x128xf32, #tpu.memory_space<hbm>> -> memref<10240x128xf32, #tpu.memory_space<hbm>>
      tpu.enqueue_indirect_dma source(%dma_start3A_29 : memref<10240x128xf32, #tpu.memory_space<hbm>>) target(%arg8 : memref<64x128xf32, #tpu.memory_space<vmem>>) offsets(%dma_start3A_26 : memref<64xi32, #tpu.memory_space<vmem>>) semaphore(%arg13 : memref<!tpu.dma_semaphore, #tpu.memory_space<semaphore_mem>>)
      %dma_start3A_30 = arith.constant 1 : i32
      %dma_start3A_31 = arith.constant 0 : i32
      %dma_start3A_32 = tpu.memref_slice %arg6[%dma_start3A_30, %dma_start3A_31] : memref<40x64xi32, #tpu.memory_space<vmem>> -> memref<1x64xi32, #tpu.memory_space<vmem>>
      %dma_start3A_33 = tpu.memref_squeeze %dma_start3A_32 : memref<1x64xi32, #tpu.memory_space<vmem>> -> memref<64xi32, #tpu.memory_space<vmem>>
      %dma_start3A_34 = arith.constant 0 : i32
      %dma_start3A_35 = arith.constant 0 : i32
      %dma_start3A_36 = tpu.memref_slice %arg2[%dma_start3A_34, %dma_start3A_35] : memref<10240x128xf32, #tpu.memory_space<hbm>> -> memref<10240x128xf32, #tpu.memory_space<hbm>>
      tpu.enqueue_indirect_dma source(%dma_start3A_36 : memref<10240x128xf32, #tpu.memory_space<hbm>>) target(%arg9 : memref<64x128xf32, #tpu.memory_space<vmem>>) offsets(%dma_start3A_33 : memref<64xi32, #tpu.memory_space<vmem>>) semaphore(%arg14 : memref<!tpu.dma_semaphore, #tpu.memory_space<semaphore_mem>>)
      %scan3A_37 = arith.constant 0 : i32
      %scan3A_38 = arith.constant 0 : i32
      %scan3A_39 = arith.constant 10 : i32
      %scan3A_40 = arith.addi %scan3A_38, %scan3A_39 : i32
      %scan3A_41 = arith.constant 1 : i32
      scf.for %scan3A_56 = %scan3A_38 to %scan3A_40 step %scan3A_41  : i32 {
        %mul3A_57 = arith.constant 4 : i32
        %mul3A_58 = arith.muli %scan3A_56, %mul3A_57 : i32
        %add3A_59 = arith.constant 0 : i32
        %add3A_60 = arith.addi %mul3A_58, %add3A_59 : i32
        %dma_wait3A_61 = arith.constant 0 : i32
        %dma_wait3A_62 = tpu.memref_slice %arg6[%add3A_60, %dma_wait3A_61] : memref<40x64xi32, #tpu.memory_space<vmem>> -> memref<1x64xi32, #tpu.memory_space<vmem>>
        %dma_wait3A_63 = tpu.memref_squeeze %dma_wait3A_62 : memref<1x64xi32, #tpu.memory_space<vmem>> -> memref<64xi32, #tpu.memory_space<vmem>>
        %dma_wait3A_64 = arith.constant 0 : i32
        %dma_wait3A_65 = arith.constant 0 : i32
        %dma_wait3A_66 = tpu.memref_slice %arg2[%dma_wait3A_64, %dma_wait3A_65] : memref<10240x128xf32, #tpu.memory_space<hbm>> -> memref<10240x128xf32, #tpu.memory_space<hbm>>
        tpu.wait_indirect_dma semaphore(%arg13 : memref<!tpu.dma_semaphore, #tpu.memory_space<semaphore_mem>>) src(%dma_wait3A_66 : memref<10240x128xf32, #tpu.memory_space<hbm>>) dst(%arg8 : memref<64x128xf32, #tpu.memory_space<vmem>>)
        %ge3A = arith.constant 2 : i32
        %ge3A_67 = arith.cmpi sge, %add3A_60, %ge3A : i32
        %convert_element_type3A = arith.extui %ge3A_67 : i1 to i32
        %cond3A = arith.constant 0 : i32
        %cond3A_68 = arith.cmpi ne, %convert_element_type3A, %cond3A : i32
        scf.if %cond3A_68 {
          %dma_wait3A_159 = arith.constant 0 : i32
          %dma_wait3A_160 = tpu.memref_slice %arg7[%add3A_60, %dma_wait3A_159] : memref<40x64xi32, #tpu.memory_space<vmem>> -> memref<1x64xi32, #tpu.memory_space<vmem>>
          %dma_wait3A_161 = tpu.memref_squeeze %dma_wait3A_160 : memref<1x64xi32, #tpu.memory_space<vmem>> -> memref<64xi32, #tpu.memory_space<vmem>>
          %dma_wait3A_162 = arith.constant 0 : i32
          %dma_wait3A_163 = arith.constant 0 : i32
          %dma_wait3A_164 = tpu.memref_slice %arg12[%dma_wait3A_162, %dma_wait3A_163] : memref<10240x128xf32, #tpu.memory_space<vmem_shared>> -> memref<10240x128xf32, #tpu.memory_space<vmem_shared>>
          tpu.wait_indirect_dma semaphore(%arg19 : memref<!tpu.dma_semaphore, #tpu.memory_space<semaphore_mem>>) src(%arg10 : memref<64x128xf32, #tpu.memory_space<vmem>>) dst(%dma_wait3A_164 : memref<10240x128xf32, #tpu.memory_space<vmem_shared>>)
        } else {
        }
        %add3A_69 = arith.constant 2 : i32
        %add3A_70 = arith.addi %add3A_60, %add3A_69 : i32
        %lt3A = arith.constant 40 : i32
        %lt3A_71 = arith.cmpi slt, %add3A_70, %lt3A : i32
        %convert_element_type3A_72 = arith.extui %lt3A_71 : i1 to i32
        %cond3A_73 = arith.constant 0 : i32
        %cond3A_74 = arith.cmpi ne, %convert_element_type3A_72, %cond3A_73 : i32
        scf.if %cond3A_74 {
          %add3A_159 = arith.constant 2 : i32
          %add3A_160 = arith.addi %add3A_60, %add3A_159 : i32
          %dma_start3A_161 = arith.constant 0 : i32
          %dma_start3A_162 = tpu.memref_slice %arg6[%add3A_160, %dma_start3A_161] : memref<40x64xi32, #tpu.memory_space<vmem>> -> memref<1x64xi32, #tpu.memory_space<vmem>>
          %dma_start3A_163 = tpu.memref_squeeze %dma_start3A_162 : memref<1x64xi32, #tpu.memory_space<vmem>> -> memref<64xi32, #tpu.memory_space<vmem>>
          %dma_start3A_164 = arith.constant 0 : i32
          %dma_start3A_165 = arith.constant 0 : i32
          %dma_start3A_166 = tpu.memref_slice %arg2[%dma_start3A_164, %dma_start3A_165] : memref<10240x128xf32, #tpu.memory_space<hbm>> -> memref<10240x128xf32, #tpu.memory_space<hbm>>
          tpu.enqueue_indirect_dma source(%dma_start3A_166 : memref<10240x128xf32, #tpu.memory_space<hbm>>) target(%arg10 : memref<64x128xf32, #tpu.memory_space<vmem>>) offsets(%dma_start3A_163 : memref<64xi32, #tpu.memory_space<vmem>>) semaphore(%arg15 : memref<!tpu.dma_semaphore, #tpu.memory_space<semaphore_mem>>)
        } else {
        }
        %dma_start3A_75 = arith.constant 0 : i32
        %dma_start3A_76 = tpu.memref_slice %arg7[%add3A_60, %dma_start3A_75] : memref<40x64xi32, #tpu.memory_space<vmem>> -> memref<1x64xi32, #tpu.memory_space<vmem>>
        %dma_start3A_77 = tpu.memref_squeeze %dma_start3A_76 : memref<1x64xi32, #tpu.memory_space<vmem>> -> memref<64xi32, #tpu.memory_space<vmem>>
        %dma_start3A_78 = arith.constant 0 : i32
        %dma_start3A_79 = arith.constant 0 : i32
        %dma_start3A_80 = tpu.memref_slice %arg12[%dma_start3A_78, %dma_start3A_79] : memref<10240x128xf32, #tpu.memory_space<vmem_shared>> -> memref<10240x128xf32, #tpu.memory_space<vmem_shared>>
        tpu.enqueue_indirect_dma source(%arg8 : memref<64x128xf32, #tpu.memory_space<vmem>>) target(%dma_start3A_80 : memref<10240x128xf32, #tpu.memory_space<vmem_shared>>) offsets(%dma_start3A_77 : memref<64xi32, #tpu.memory_space<vmem>>) semaphore(%arg17 : memref<!tpu.dma_semaphore, #tpu.memory_space<semaphore_mem>>) {add = true}
        %add3A_81 = arith.constant 1 : i32
        %add3A_82 = arith.addi %mul3A_58, %add3A_81 : i32
        %dma_wait3A_83 = arith.constant 0 : i32
        %dma_wait3A_84 = tpu.memref_slice %arg6[%add3A_82, %dma_wait3A_83] : memref<40x64xi32, #tpu.memory_space<vmem>> -> memref<1x64xi32, #tpu.memory_space<vmem>>
        %dma_wait3A_85 = tpu.memref_squeeze %dma_wait3A_84 : memref<1x64xi32, #tpu.memory_space<vmem>> -> memref<64xi32, #tpu.memory_space<vmem>>
        %dma_wait3A_86 = arith.constant 0 : i32
        %dma_wait3A_87 = arith.constant 0 : i32
        %dma_wait3A_88 = tpu.memref_slice %arg2[%dma_wait3A_86, %dma_wait3A_87] : memref<10240x128xf32, #tpu.memory_space<hbm>> -> memref<10240x128xf32, #tpu.memory_space<hbm>>
        tpu.wait_indirect_dma semaphore(%arg14 : memref<!tpu.dma_semaphore, #tpu.memory_space<semaphore_mem>>) src(%dma_wait3A_88 : memref<10240x128xf32, #tpu.memory_space<hbm>>) dst(%arg9 : memref<64x128xf32, #tpu.memory_space<vmem>>)
        %ge3A_89 = arith.constant 2 : i32
        %ge3A_90 = arith.cmpi sge, %add3A_82, %ge3A_89 : i32
        %convert_element_type3A_91 = arith.extui %ge3A_90 : i1 to i32
        %cond3A_92 = arith.constant 0 : i32
        %cond3A_93 = arith.cmpi ne, %convert_element_type3A_91, %cond3A_92 : i32
        scf.if %cond3A_93 {
          %dma_wait3A_159 = arith.constant 0 : i32
          %dma_wait3A_160 = tpu.memref_slice %arg7[%add3A_82, %dma_wait3A_159] : memref<40x64xi32, #tpu.memory_space<vmem>> -> memref<1x64xi32, #tpu.memory_space<vmem>>
          %dma_wait3A_161 = tpu.memref_squeeze %dma_wait3A_160 : memref<1x64xi32, #tpu.memory_space<vmem>> -> memref<64xi32, #tpu.memory_space<vmem>>
          %dma_wait3A_162 = arith.constant 0 : i32
          %dma_wait3A_163 = arith.constant 0 : i32
          %dma_wait3A_164 = tpu.memref_slice %arg12[%dma_wait3A_162, %dma_wait3A_163] : memref<10240x128xf32, #tpu.memory_space<vmem_shared>> -> memref<10240x128xf32, #tpu.memory_space<vmem_shared>>
          tpu.wait_indirect_dma semaphore(%arg20 : memref<!tpu.dma_semaphore, #tpu.memory_space<semaphore_mem>>) src(%arg11 : memref<64x128xf32, #tpu.memory_space<vmem>>) dst(%dma_wait3A_164 : memref<10240x128xf32, #tpu.memory_space<vmem_shared>>)
        } else {
        }
        %add3A_94 = arith.constant 2 : i32
        %add3A_95 = arith.addi %add3A_82, %add3A_94 : i32
        %lt3A_96 = arith.constant 40 : i32
        %lt3A_97 = arith.cmpi slt, %add3A_95, %lt3A_96 : i32
        %convert_element_type3A_98 = arith.extui %lt3A_97 : i1 to i32
        %cond3A_99 = arith.constant 0 : i32
        %cond3A_100 = arith.cmpi ne, %convert_element_type3A_98, %cond3A_99 : i32
        scf.if %cond3A_100 {
          %add3A_159 = arith.constant 2 : i32
          %add3A_160 = arith.addi %add3A_82, %add3A_159 : i32
          %dma_start3A_161 = arith.constant 0 : i32
          %dma_start3A_162 = tpu.memref_slice %arg6[%add3A_160, %dma_start3A_161] : memref<40x64xi32, #tpu.memory_space<vmem>> -> memref<1x64xi32, #tpu.memory_space<vmem>>
          %dma_start3A_163 = tpu.memref_squeeze %dma_start3A_162 : memref<1x64xi32, #tpu.memory_space<vmem>> -> memref<64xi32, #tpu.memory_space<vmem>>
          %dma_start3A_164 = arith.constant 0 : i32
          %dma_start3A_165 = arith.constant 0 : i32
          %dma_start3A_166 = tpu.memref_slice %arg2[%dma_start3A_164, %dma_start3A_165] : memref<10240x128xf32, #tpu.memory_space<hbm>> -> memref<10240x128xf32, #tpu.memory_space<hbm>>
          tpu.enqueue_indirect_dma source(%dma_start3A_166 : memref<10240x128xf32, #tpu.memory_space<hbm>>) target(%arg11 : memref<64x128xf32, #tpu.memory_space<vmem>>) offsets(%dma_start3A_163 : memref<64xi32, #tpu.memory_space<vmem>>) semaphore(%arg16 : memref<!tpu.dma_semaphore, #tpu.memory_space<semaphore_mem>>)
        } else {
        }
        %dma_start3A_101 = arith.constant 0 : i32
        %dma_start3A_102 = tpu.memref_slice %arg7[%add3A_82, %dma_start3A_101] : memref<40x64xi32, #tpu.memory_space<vmem>> -> memref<1x64xi32, #tpu.memory_space<vmem>>
        %dma_start3A_103 = tpu.memref_squeeze %dma_start3A_102 : memref<1x64xi32, #tpu.memory_space<vmem>> -> memref<64xi32, #tpu.memory_space<vmem>>
        %dma_start3A_104 = arith.constant 0 : i32
        %dma_start3A_105 = arith.constant 0 : i32
        %dma_start3A_106 = tpu.memref_slice %arg12[%dma_start3A_104, %dma_start3A_105] : memref<10240x128xf32, #tpu.memory_space<vmem_shared>> -> memref<10240x128xf32, #tpu.memory_space<vmem_shared>>
        tpu.enqueue_indirect_dma source(%arg9 : memref<64x128xf32, #tpu.memory_space<vmem>>) target(%dma_start3A_106 : memref<10240x128xf32, #tpu.memory_space<vmem_shared>>) offsets(%dma_start3A_103 : memref<64xi32, #tpu.memory_space<vmem>>) semaphore(%arg18 : memref<!tpu.dma_semaphore, #tpu.memory_space<semaphore_mem>>) {add = true}
        %add3A_107 = arith.constant 2 : i32
        %add3A_108 = arith.addi %mul3A_58, %add3A_107 : i32
        %dma_wait3A_109 = arith.constant 0 : i32
        %dma_wait3A_110 = tpu.memref_slice %arg6[%add3A_108, %dma_wait3A_109] : memref<40x64xi32, #tpu.memory_space<vmem>> -> memref<1x64xi32, #tpu.memory_space<vmem>>
        %dma_wait3A_111 = tpu.memref_squeeze %dma_wait3A_110 : memref<1x64xi32, #tpu.memory_space<vmem>> -> memref<64xi32, #tpu.memory_space<vmem>>
        %dma_wait3A_112 = arith.constant 0 : i32
        %dma_wait3A_113 = arith.constant 0 : i32
        %dma_wait3A_114 = tpu.memref_slice %arg2[%dma_wait3A_112, %dma_wait3A_113] : memref<10240x128xf32, #tpu.memory_space<hbm>> -> memref<10240x128xf32, #tpu.memory_space<hbm>>
        tpu.wait_indirect_dma semaphore(%arg15 : memref<!tpu.dma_semaphore, #tpu.memory_space<semaphore_mem>>) src(%dma_wait3A_114 : memref<10240x128xf32, #tpu.memory_space<hbm>>) dst(%arg10 : memref<64x128xf32, #tpu.memory_space<vmem>>)
        %ge3A_115 = arith.constant 2 : i32
        %ge3A_116 = arith.cmpi sge, %add3A_108, %ge3A_115 : i32
        %convert_element_type3A_117 = arith.extui %ge3A_116 : i1 to i32
        %cond3A_118 = arith.constant 0 : i32
        %cond3A_119 = arith.cmpi ne, %convert_element_type3A_117, %cond3A_118 : i32
        scf.if %cond3A_119 {
          %dma_wait3A_159 = arith.constant 0 : i32
          %dma_wait3A_160 = tpu.memref_slice %arg7[%add3A_108, %dma_wait3A_159] : memref<40x64xi32, #tpu.memory_space<vmem>> -> memref<1x64xi32, #tpu.memory_space<vmem>>
          %dma_wait3A_161 = tpu.memref_squeeze %dma_wait3A_160 : memref<1x64xi32, #tpu.memory_space<vmem>> -> memref<64xi32, #tpu.memory_space<vmem>>
          %dma_wait3A_162 = arith.constant 0 : i32
          %dma_wait3A_163 = arith.constant 0 : i32
          %dma_wait3A_164 = tpu.memref_slice %arg12[%dma_wait3A_162, %dma_wait3A_163] : memref<10240x128xf32, #tpu.memory_space<vmem_shared>> -> memref<10240x128xf32, #tpu.memory_space<vmem_shared>>
          tpu.wait_indirect_dma semaphore(%arg17 : memref<!tpu.dma_semaphore, #tpu.memory_space<semaphore_mem>>) src(%arg8 : memref<64x128xf32, #tpu.memory_space<vmem>>) dst(%dma_wait3A_164 : memref<10240x128xf32, #tpu.memory_space<vmem_shared>>)
        } else {
        }
        %add3A_120 = arith.constant 2 : i32
        %add3A_121 = arith.addi %add3A_108, %add3A_120 : i32
        %lt3A_122 = arith.constant 40 : i32
        %lt3A_123 = arith.cmpi slt, %add3A_121, %lt3A_122 : i32
        %convert_element_type3A_124 = arith.extui %lt3A_123 : i1 to i32
        %cond3A_125 = arith.constant 0 : i32
        %cond3A_126 = arith.cmpi ne, %convert_element_type3A_124, %cond3A_125 : i32
        scf.if %cond3A_126 {
          %add3A_159 = arith.constant 2 : i32
          %add3A_160 = arith.addi %add3A_108, %add3A_159 : i32
          %dma_start3A_161 = arith.constant 0 : i32
          %dma_start3A_162 = tpu.memref_slice %arg6[%add3A_160, %dma_start3A_161] : memref<40x64xi32, #tpu.memory_space<vmem>> -> memref<1x64xi32, #tpu.memory_space<vmem>>
          %dma_start3A_163 = tpu.memref_squeeze %dma_start3A_162 : memref<1x64xi32, #tpu.memory_space<vmem>> -> memref<64xi32, #tpu.memory_space<vmem>>
          %dma_start3A_164 = arith.constant 0 : i32
          %dma_start3A_165 = arith.constant 0 : i32
          %dma_start3A_166 = tpu.memref_slice %arg2[%dma_start3A_164, %dma_start3A_165] : memref<10240x128xf32, #tpu.memory_space<hbm>> -> memref<10240x128xf32, #tpu.memory_space<hbm>>
          tpu.enqueue_indirect_dma source(%dma_start3A_166 : memref<10240x128xf32, #tpu.memory_space<hbm>>) target(%arg8 : memref<64x128xf32, #tpu.memory_space<vmem>>) offsets(%dma_start3A_163 : memref<64xi32, #tpu.memory_space<vmem>>) semaphore(%arg13 : memref<!tpu.dma_semaphore, #tpu.memory_space<semaphore_mem>>)
        } else {
        }
        %dma_start3A_127 = arith.constant 0 : i32
        %dma_start3A_128 = tpu.memref_slice %arg7[%add3A_108, %dma_start3A_127] : memref<40x64xi32, #tpu.memory_space<vmem>> -> memref<1x64xi32, #tpu.memory_space<vmem>>
        %dma_start3A_129 = tpu.memref_squeeze %dma_start3A_128 : memref<1x64xi32, #tpu.memory_space<vmem>> -> memref<64xi32, #tpu.memory_space<vmem>>
        %dma_start3A_130 = arith.constant 0 : i32
        %dma_start3A_131 = arith.constant 0 : i32
        %dma_start3A_132 = tpu.memref_slice %arg12[%dma_start3A_130, %dma_start3A_131] : memref<10240x128xf32, #tpu.memory_space<vmem_shared>> -> memref<10240x128xf32, #tpu.memory_space<vmem_shared>>
        tpu.enqueue_indirect_dma source(%arg10 : memref<64x128xf32, #tpu.memory_space<vmem>>) target(%dma_start3A_132 : memref<10240x128xf32, #tpu.memory_space<vmem_shared>>) offsets(%dma_start3A_129 : memref<64xi32, #tpu.memory_space<vmem>>) semaphore(%arg19 : memref<!tpu.dma_semaphore, #tpu.memory_space<semaphore_mem>>) {add = true}
        %add3A_133 = arith.constant 3 : i32
        %add3A_134 = arith.addi %mul3A_58, %add3A_133 : i32
        %dma_wait3A_135 = arith.constant 0 : i32
        %dma_wait3A_136 = tpu.memref_slice %arg6[%add3A_134, %dma_wait3A_135] : memref<40x64xi32, #tpu.memory_space<vmem>> -> memref<1x64xi32, #tpu.memory_space<vmem>>
        %dma_wait3A_137 = tpu.memref_squeeze %dma_wait3A_136 : memref<1x64xi32, #tpu.memory_space<vmem>> -> memref<64xi32, #tpu.memory_space<vmem>>
        %dma_wait3A_138 = arith.constant 0 : i32
        %dma_wait3A_139 = arith.constant 0 : i32
        %dma_wait3A_140 = tpu.memref_slice %arg2[%dma_wait3A_138, %dma_wait3A_139] : memref<10240x128xf32, #tpu.memory_space<hbm>> -> memref<10240x128xf32, #tpu.memory_space<hbm>>
        tpu.wait_indirect_dma semaphore(%arg16 : memref<!tpu.dma_semaphore, #tpu.memory_space<semaphore_mem>>) src(%dma_wait3A_140 : memref<10240x128xf32, #tpu.memory_space<hbm>>) dst(%arg11 : memref<64x128xf32, #tpu.memory_space<vmem>>)
        %ge3A_141 = arith.constant 2 : i32
        %ge3A_142 = arith.cmpi sge, %add3A_134, %ge3A_141 : i32
        %convert_element_type3A_143 = arith.extui %ge3A_142 : i1 to i32
        %cond3A_144 = arith.constant 0 : i32
        %cond3A_145 = arith.cmpi ne, %convert_element_type3A_143, %cond3A_144 : i32
        scf.if %cond3A_145 {
          %dma_wait3A_159 = arith.constant 0 : i32
          %dma_wait3A_160 = tpu.memref_slice %arg7[%add3A_134, %dma_wait3A_159] : memref<40x64xi32, #tpu.memory_space<vmem>> -> memref<1x64xi32, #tpu.memory_space<vmem>>
          %dma_wait3A_161 = tpu.memref_squeeze %dma_wait3A_160 : memref<1x64xi32, #tpu.memory_space<vmem>> -> memref<64xi32, #tpu.memory_space<vmem>>
          %dma_wait3A_162 = arith.constant 0 : i32
          %dma_wait3A_163 = arith.constant 0 : i32
          %dma_wait3A_164 = tpu.memref_slice %arg12[%dma_wait3A_162, %dma_wait3A_163] : memref<10240x128xf32, #tpu.memory_space<vmem_shared>> -> memref<10240x128xf32, #tpu.memory_space<vmem_shared>>
          tpu.wait_indirect_dma semaphore(%arg18 : memref<!tpu.dma_semaphore, #tpu.memory_space<semaphore_mem>>) src(%arg9 : memref<64x128xf32, #tpu.memory_space<vmem>>) dst(%dma_wait3A_164 : memref<10240x128xf32, #tpu.memory_space<vmem_shared>>)
        } else {
        }
        %add3A_146 = arith.constant 2 : i32
        %add3A_147 = arith.addi %add3A_134, %add3A_146 : i32
        %lt3A_148 = arith.constant 40 : i32
        %lt3A_149 = arith.cmpi slt, %add3A_147, %lt3A_148 : i32
        %convert_element_type3A_150 = arith.extui %lt3A_149 : i1 to i32
        %cond3A_151 = arith.constant 0 : i32
        %cond3A_152 = arith.cmpi ne, %convert_element_type3A_150, %cond3A_151 : i32
        scf.if %cond3A_152 {
          %add3A_159 = arith.constant 2 : i32
          %add3A_160 = arith.addi %add3A_134, %add3A_159 : i32
          %dma_start3A_161 = arith.constant 0 : i32
          %dma_start3A_162 = tpu.memref_slice %arg6[%add3A_160, %dma_start3A_161] : memref<40x64xi32, #tpu.memory_space<vmem>> -> memref<1x64xi32, #tpu.memory_space<vmem>>
          %dma_start3A_163 = tpu.memref_squeeze %dma_start3A_162 : memref<1x64xi32, #tpu.memory_space<vmem>> -> memref<64xi32, #tpu.memory_space<vmem>>
          %dma_start3A_164 = arith.constant 0 : i32
          %dma_start3A_165 = arith.constant 0 : i32
          %dma_start3A_166 = tpu.memref_slice %arg2[%dma_start3A_164, %dma_start3A_165] : memref<10240x128xf32, #tpu.memory_space<hbm>> -> memref<10240x128xf32, #tpu.memory_space<hbm>>
          tpu.enqueue_indirect_dma source(%dma_start3A_166 : memref<10240x128xf32, #tpu.memory_space<hbm>>) target(%arg9 : memref<64x128xf32, #tpu.memory_space<vmem>>) offsets(%dma_start3A_163 : memref<64xi32, #tpu.memory_space<vmem>>) semaphore(%arg14 : memref<!tpu.dma_semaphore, #tpu.memory_space<semaphore_mem>>)
        } else {
        }
        %dma_start3A_153 = arith.constant 0 : i32
        %dma_start3A_154 = tpu.memref_slice %arg7[%add3A_134, %dma_start3A_153] : memref<40x64xi32, #tpu.memory_space<vmem>> -> memref<1x64xi32, #tpu.memory_space<vmem>>
        %dma_start3A_155 = tpu.memref_squeeze %dma_start3A_154 : memref<1x64xi32, #tpu.memory_space<vmem>> -> memref<64xi32, #tpu.memory_space<vmem>>
        %dma_start3A_156 = arith.constant 0 : i32
        %dma_start3A_157 = arith.constant 0 : i32
        %dma_start3A_158 = tpu.memref_slice %arg12[%dma_start3A_156, %dma_start3A_157] : memref<10240x128xf32, #tpu.memory_space<vmem_shared>> -> memref<10240x128xf32, #tpu.memory_space<vmem_shared>>
        tpu.enqueue_indirect_dma source(%arg11 : memref<64x128xf32, #tpu.memory_space<vmem>>) target(%dma_start3A_158 : memref<10240x128xf32, #tpu.memory_space<vmem_shared>>) offsets(%dma_start3A_155 : memref<64xi32, #tpu.memory_space<vmem>>) semaphore(%arg20 : memref<!tpu.dma_semaphore, #tpu.memory_space<semaphore_mem>>) {add = true}
      }
      %scan3A_42 = arith.constant 10 : i32
      %dma_wait3A = arith.constant 38 : i32
      %dma_wait3A_43 = arith.constant 0 : i32
      %dma_wait3A_44 = tpu.memref_slice %arg7[%dma_wait3A, %dma_wait3A_43] : memref<40x64xi32, #tpu.memory_space<vmem>> -> memref<1x64xi32, #tpu.memory_space<vmem>>
      %dma_wait3A_45 = tpu.memref_squeeze %dma_wait3A_44 : memref<1x64xi32, #tpu.memory_space<vmem>> -> memref<64xi32, #tpu.memory_space<vmem>>
      %dma_wait3A_46 = arith.constant 0 : i32
      %dma_wait3A_47 = arith.constant 0 : i32
      %dma_wait3A_48 = tpu.memref_slice %arg12[%dma_wait3A_46, %dma_wait3A_47] : memref<10240x128xf32, #tpu.memory_space<vmem_shared>> -> memref<10240x128xf32, #tpu.memory_space<vmem_shared>>
      tpu.wait_indirect_dma semaphore(%arg19 : memref<!tpu.dma_semaphore, #tpu.memory_space<semaphore_mem>>) src(%arg10 : memref<64x128xf32, #tpu.memory_space<vmem>>) dst(%dma_wait3A_48 : memref<10240x128xf32, #tpu.memory_space<vmem_shared>>)
      %dma_wait3A_49 = arith.constant 39 : i32
      %dma_wait3A_50 = arith.constant 0 : i32
      %dma_wait3A_51 = tpu.memref_slice %arg7[%dma_wait3A_49, %dma_wait3A_50] : memref<40x64xi32, #tpu.memory_space<vmem>> -> memref<1x64xi32, #tpu.memory_space<vmem>>
      %dma_wait3A_52 = tpu.memref_squeeze %dma_wait3A_51 : memref<1x64xi32, #tpu.memory_space<vmem>> -> memref<64xi32, #tpu.memory_space<vmem>>
      %dma_wait3A_53 = arith.constant 0 : i32
      %dma_wait3A_54 = arith.constant 0 : i32
      %dma_wait3A_55 = tpu.memref_slice %arg12[%dma_wait3A_53, %dma_wait3A_54] : memref<10240x128xf32, #tpu.memory_space<vmem_shared>> -> memref<10240x128xf32, #tpu.memory_space<vmem_shared>>
      tpu.wait_indirect_dma semaphore(%arg20 : memref<!tpu.dma_semaphore, #tpu.memory_space<semaphore_mem>>) src(%arg11 : memref<64x128xf32, #tpu.memory_space<vmem>>) dst(%dma_wait3A_55 : memref<10240x128xf32, #tpu.memory_space<vmem_shared>>)
    }
    %scan3A_11 = arith.constant 2 : i32
    %barrier3A_12 = arith.constant 0 : index
    tpu.barrier barrier_id(%barrier3A_12)
    %mul3A_13 = arith.constant 640 : i32
    %mul3A_14 = arith.muli %arg1, %mul3A_13 : i32
    %mul3A_15 = arith.constant 640 : i32
    %mul3A_16 = arith.muli %arg1, %mul3A_15 : i32
    "tpu.region"() ({
      %run_scoped3A = tpu.sem_alloc : memref<!tpu.dma_semaphore, #tpu.memory_space<semaphore_mem>>
      %dma_start3A = arith.constant 0 : i32
      %dma_start3A_17 = tpu.memref_slice %arg5[%arg0, %mul3A_16, %dma_start3A] : memref<2x10240x128xf32, #tpu.memory_space<hbm>> -> memref<1x640x128xf32, #tpu.memory_space<hbm>>
      %dma_start3A_18 = tpu.memref_squeeze %dma_start3A_17 : memref<1x640x128xf32, #tpu.memory_space<hbm>> -> memref<640x128xf32, #tpu.memory_space<hbm>>
      %dma_start3A_19 = arith.constant 0 : i32
      %dma_start3A_20 = tpu.memref_slice %arg12[%mul3A_14, %dma_start3A_19] : memref<10240x128xf32, #tpu.memory_space<vmem_shared>> -> memref<640x128xf32, #tpu.memory_space<vmem_shared>>
      tpu.enqueue_dma source(%dma_start3A_20 : memref<640x128xf32, #tpu.memory_space<vmem_shared>>) target(%dma_start3A_18 : memref<640x128xf32, #tpu.memory_space<hbm>>) target_semaphore(%run_scoped3A : memref<!tpu.dma_semaphore, #tpu.memory_space<semaphore_mem>>)
      %dma_wait3A = arith.constant 0 : i32
      %dma_wait3A_21 = tpu.memref_slice %arg5[%arg0, %mul3A_16, %dma_wait3A] : memref<2x10240x128xf32, #tpu.memory_space<hbm>> -> memref<1x640x128xf32, #tpu.memory_space<hbm>>
      %dma_wait3A_22 = tpu.memref_squeeze %dma_wait3A_21 : memref<1x640x128xf32, #tpu.memory_space<hbm>> -> memref<640x128xf32, #tpu.memory_space<hbm>>
      %dma_wait3A_23 = arith.constant 0 : i32
      %dma_wait3A_24 = tpu.memref_slice %arg12[%mul3A_14, %dma_wait3A_23] : memref<10240x128xf32, #tpu.memory_space<vmem_shared>> -> memref<640x128xf32, #tpu.memory_space<vmem_shared>>
      tpu.wait_dma2 semaphore(%run_scoped3A : memref<!tpu.dma_semaphore, #tpu.memory_space<semaphore_mem>>) src(%dma_wait3A_24 : memref<640x128xf32, #tpu.memory_space<vmem_shared>>) dst(%dma_wait3A_22 : memref<640x128xf32, #tpu.memory_space<hbm>>)
      tpu.yield
    }) : () -> ()
    return
  }
}

module attributes {stable_mosaic.version = 14 : i64} {
  func.func @body(%arg0: i32, %arg1: memref<256x256xf32, #tpu.memory_space<vmem>>, %arg2: memref<256x128xf32, #tpu.memory_space<vmem>>, %arg3: memref<256xf32, #tpu.memory_space<vmem>>, %arg4: memref<256xf32, #tpu.memory_space<vmem>>, %arg5: memref<256x128xf32, #tpu.memory_space<vmem>>) attributes {dimension_semantics = [#tpu.dimension_semantics<arbitrary>], iteration_bounds = array<i64: 40>, scalar_prefetch = 0 : i64, scratch_operands = 0 : i64, tpu.core_type = #tpu.core_type<tc>, window_params = [{transform_indices = @transform_0, window_bounds = array<i64: 256, 256>}, {pipeline_mode = #tpu.pipeline_mode<synchronous>, transform_indices = @transform_1, window_bounds = array<i64: 256, 128>}, {transform_indices = @transform_2, window_bounds = array<i64: 256>}, {transform_indices = @transform_3, window_bounds = array<i64: 256>}, {transform_indices = @transform_4, window_bounds = array<i64: 256, 128>}]} {
    %get3A = arith.constant 0 : index
    %get3A_0 = vector.load %arg3[%get3A] : memref<256xf32, #tpu.memory_space<vmem>>, vector<256xf32>
    %add3A = arith.constant 1.000000e+00 : f32
    %add3A_1 = vector.broadcast %add3A : f32 to vector<256xf32>
    %add3A_2 = arith.addf %add3A_1, %get3A_0 : vector<256xf32>
    %get3A_3 = arith.constant 0 : index
    %get3A_4 = vector.load %arg4[%get3A_3] : memref<256xf32, #tpu.memory_space<vmem>>, vector<256xf32>
    %add3A_5 = arith.addf %add3A_2, %get3A_4 : vector<256xf32>
    %rsqrt3A = math.rsqrt %add3A_5 : vector<256xf32>
    %get3A_6 = arith.constant 0 : index
    %get3A_7 = arith.constant 0 : index
    %get3A_8 = vector.load %arg1[%get3A_6, %get3A_7] : memref<256x256xf32, #tpu.memory_space<vmem>>, vector<256x256xf32>
    %get3A_9 = arith.constant 0 : index
    %get3A_10 = arith.constant 0 : index
    %get3A_11 = vector.load %arg2[%get3A_9, %get3A_10] : memref<256x128xf32, #tpu.memory_space<vmem>>, vector<256x128xf32>
    %dot_general3A = arith.constant dense<0.000000e+00> : vector<256x128xf32>
    %dot_general3A_12 = tpu.matmul %get3A_8, %get3A_11, %dot_general3A {dimension_numbers = #tpu.dot_dimension_numbers<[1], [0], [0], [1], [0, 0, 1, 1], [], []>, transpose_lhs_hint = false} : vector<256x256xf32>, vector<256x128xf32>, vector<256x128xf32> -> vector<256x128xf32>
    %broadcast_in_dim3A = vector.shape_cast %rsqrt3A : vector<256xf32> to vector<256x1xf32>
    %mul3A = vector.broadcast %broadcast_in_dim3A : vector<256x1xf32> to vector<256x128xf32>
    %mul3A_13 = arith.mulf %dot_general3A_12, %mul3A : vector<256x128xf32>
    %swap3A = arith.constant 0 : index
    %swap3A_14 = arith.constant 0 : index
    %swap3A_15 = vector.load %arg5[%swap3A, %swap3A_14] : memref<256x128xf32, #tpu.memory_space<vmem>>, vector<256x128xf32>
    tpu.vector_store %arg5[%swap3A, %swap3A_14], %mul3A_13 {strides = array<i32>} : memref<256x128xf32, #tpu.memory_space<vmem>>, vector<256x128xf32>,
    return
  }
  func.func @transform_0(%arg0: i32) -> (i32, i32) {
    %c0_i32 = arith.constant 0 : i32
    %c0_i32_0 = arith.constant 0 : i32
    return %arg0, %c0_i32 : i32, i32
  }
  func.func @transform_1(%arg0: i32) -> (i32, i32) {
    %c0_i32 = arith.constant 0 : i32
    %c0_i32_0 = arith.constant 0 : i32
    %c0_i32_1 = arith.constant 0 : i32
    return %c0_i32, %c0_i32_0 : i32, i32
  }
  func.func @transform_2(%arg0: i32) -> i32 {
    %c0_i32 = arith.constant 0 : i32
    return %arg0 : i32
  }
  func.func @transform_3(%arg0: i32) -> i32 {
    %c0_i32 = arith.constant 0 : i32
    return %arg0 : i32
  }
  func.func @transform_4(%arg0: i32) -> (i32, i32) {
    %c0_i32 = arith.constant 0 : i32
    %c0_i32_0 = arith.constant 0 : i32
    return %arg0, %c0_i32 : i32, i32
  }
}

module attributes {stable_mosaic.version = 14 : i64} {
  func.func @body(%arg0: i32, %arg1: memref<256x128xf32, #tpu.memory_space<vmem>>, %arg2: memref<256x128xf32, #tpu.memory_space<vmem>>, %arg3: memref<256x128xf32, #tpu.memory_space<vmem>>, %arg4: memref<256xf32, #tpu.memory_space<vmem>>, %arg5: memref<256xf32, #tpu.memory_space<vmem>>, %arg6: memref<128xf32, #tpu.memory_space<vmem>>, %arg7: memref<128x256xf32, #tpu.memory_space<vmem>>, %arg8: memref<256x128xf32, #tpu.memory_space<vmem>>, %arg9: memref<256x128xf32, #tpu.memory_space<vmem>>) attributes {dimension_semantics = [#tpu.dimension_semantics<arbitrary>], iteration_bounds = array<i64: 40>, scalar_prefetch = 0 : i64, scratch_operands = 0 : i64, tpu.core_type = #tpu.core_type<tc>, window_params = [{transform_indices = @transform_0, window_bounds = array<i64: 256, 128>}, {transform_indices = @transform_1, window_bounds = array<i64: 256, 128>}, {transform_indices = @transform_2, window_bounds = array<i64: 256, 128>}, {transform_indices = @transform_3, window_bounds = array<i64: 256>}, {transform_indices = @transform_4, window_bounds = array<i64: 256>}, {pipeline_mode = #tpu.pipeline_mode<synchronous>, transform_indices = @transform_5, window_bounds = array<i64: 128>}, {pipeline_mode = #tpu.pipeline_mode<synchronous>, transform_indices = @transform_6, window_bounds = array<i64: 128, 256>}, {transform_indices = @transform_7, window_bounds = array<i64: 256, 128>}, {transform_indices = @transform_8, window_bounds = array<i64: 256, 128>}]} {
    %get3A = arith.constant 0 : index
    %get3A_0 = vector.load %arg4[%get3A] : memref<256xf32, #tpu.memory_space<vmem>>, vector<256xf32>
    %add3A = arith.constant 1.000000e+00 : f32
    %add3A_1 = vector.broadcast %add3A : f32 to vector<256xf32>
    %add3A_2 = arith.addf %add3A_1, %get3A_0 : vector<256xf32>
    %get3A_3 = arith.constant 0 : index
    %get3A_4 = vector.load %arg5[%get3A_3] : memref<256xf32, #tpu.memory_space<vmem>>, vector<256xf32>
    %add3A_5 = arith.addf %add3A_2, %get3A_4 : vector<256xf32>
    %rsqrt3A = math.rsqrt %add3A_5 : vector<256xf32>
    %get3A_6 = arith.constant 0 : index
    %get3A_7 = arith.constant 0 : index
    %get3A_8 = vector.load %arg1[%get3A_6, %get3A_7] : memref<256x128xf32, #tpu.memory_space<vmem>>, vector<256x128xf32>
    %get3A_9 = arith.constant 0 : index
    %get3A_10 = arith.constant 0 : index
    %get3A_11 = vector.load %arg2[%get3A_9, %get3A_10] : memref<256x128xf32, #tpu.memory_space<vmem>>, vector<256x128xf32>
    %add3A_12 = arith.addf %get3A_8, %get3A_11 : vector<256x128xf32>
    %get3A_13 = arith.constant 0 : index
    %get3A_14 = arith.constant 0 : index
    %get3A_15 = vector.load %arg3[%get3A_13, %get3A_14] : memref<256x128xf32, #tpu.memory_space<vmem>>, vector<256x128xf32>
    %sub3A = arith.subf %add3A_12, %get3A_15 : vector<256x128xf32>
    %broadcast_in_dim3A = vector.shape_cast %rsqrt3A : vector<256xf32> to vector<256x1xf32>
    %mul3A = vector.broadcast %broadcast_in_dim3A : vector<256x1xf32> to vector<256x128xf32>
    %mul3A_16 = arith.mulf %sub3A, %mul3A : vector<256x128xf32>
    %get3A_17 = arith.constant 0 : index
    %get3A_18 = vector.load %arg6[%get3A_17] : memref<128xf32, #tpu.memory_space<vmem>>, vector<128xf32>
    %broadcast_in_dim3A_19 = vector.shape_cast %get3A_18 : vector<128xf32> to vector<1x128xf32>
    %add3A_20 = vector.broadcast %broadcast_in_dim3A_19 : vector<1x128xf32> to vector<256x128xf32>
    %add3A_21 = arith.addf %mul3A_16, %add3A_20 : vector<256x128xf32>
    %max3A = arith.constant 0.000000e+00 : f32
    %max3A_22 = vector.broadcast %max3A : f32 to vector<256x128xf32>
    %max3A_23 = arith.maximumf %add3A_21, %max3A_22 : vector<256x128xf32>
    %get3A_24 = arith.constant 0 : index
    %get3A_25 = arith.constant 0 : index
    %get3A_26 = vector.load %arg7[%get3A_24, %get3A_25] : memref<128x256xf32, #tpu.memory_space<vmem>>, vector<128x256xf32>
    %dot_general3A = arith.constant dense<0.000000e+00> : vector<256x256xf32>
    %dot_general3A_27 = tpu.matmul %max3A_23, %get3A_26, %dot_general3A {dimension_numbers = #tpu.dot_dimension_numbers<[1], [0], [0], [1], [0, 0, 1, 1], [], []>, transpose_lhs_hint = false} : vector<256x128xf32>, vector<128x256xf32>, vector<256x256xf32> -> vector<256x256xf32>
    %broadcast_in_dim3A_28 = vector.shape_cast %rsqrt3A : vector<256xf32> to vector<256x1xf32>
    %mul3A_29 = vector.broadcast %broadcast_in_dim3A_28 : vector<256x1xf32> to vector<256x256xf32>
    %mul3A_30 = arith.mulf %dot_general3A_27, %mul3A_29 : vector<256x256xf32>
    %slice3A = vector.extract_strided_slice %mul3A_30 {offsets = [0, 0], sizes = [256, 128], strides = [1, 1]} : vector<256x256xf32> to vector<256x128xf32>
    %swap3A = arith.constant 0 : index
    %swap3A_31 = arith.constant 0 : index
    %swap3A_32 = vector.load %arg8[%swap3A, %swap3A_31] : memref<256x128xf32, #tpu.memory_space<vmem>>, vector<256x128xf32>
    tpu.vector_store %arg8[%swap3A, %swap3A_31], %slice3A {strides = array<i32>} : memref<256x128xf32, #tpu.memory_space<vmem>>, vector<256x128xf32>,
    %slice3A_33 = vector.extract_strided_slice %mul3A_30 {offsets = [0, 128], sizes = [256, 128], strides = [1, 1]} : vector<256x256xf32> to vector<256x128xf32>
    %swap3A_34 = arith.constant 0 : index
    %swap3A_35 = arith.constant 0 : index
    %swap3A_36 = vector.load %arg9[%swap3A_34, %swap3A_35] : memref<256x128xf32, #tpu.memory_space<vmem>>, vector<256x128xf32>
    tpu.vector_store %arg9[%swap3A_34, %swap3A_35], %slice3A_33 {strides = array<i32>} : memref<256x128xf32, #tpu.memory_space<vmem>>, vector<256x128xf32>,
    return
  }
  func.func @transform_0(%arg0: i32) -> (i32, i32) {
    %c0_i32 = arith.constant 0 : i32
    %c0_i32_0 = arith.constant 0 : i32
    return %arg0, %c0_i32 : i32, i32
  }
  func.func @transform_1(%arg0: i32) -> (i32, i32) {
    %c0_i32 = arith.constant 0 : i32
    %c0_i32_0 = arith.constant 0 : i32
    return %arg0, %c0_i32 : i32, i32
  }
  func.func @transform_2(%arg0: i32) -> (i32, i32) {
    %c0_i32 = arith.constant 0 : i32
    %c0_i32_0 = arith.constant 0 : i32
    return %arg0, %c0_i32 : i32, i32
  }
  func.func @transform_3(%arg0: i32) -> i32 {
    %c0_i32 = arith.constant 0 : i32
    return %arg0 : i32
  }
  func.func @transform_4(%arg0: i32) -> i32 {
    %c0_i32 = arith.constant 0 : i32
    return %arg0 : i32
  }
  func.func @transform_5(%arg0: i32) -> i32 {
    %c0_i32 = arith.constant 0 : i32
    %c0_i32_0 = arith.constant 0 : i32
    return %c0_i32 : i32
  }
  func.func @transform_6(%arg0: i32) -> (i32, i32) {
    %c0_i32 = arith.constant 0 : i32
    %c0_i32_0 = arith.constant 0 : i32
    %c0_i32_1 = arith.constant 0 : i32
    return %c0_i32, %c0_i32_0 : i32, i32
  }
  func.func @transform_7(%arg0: i32) -> (i32, i32) {
    %c0_i32 = arith.constant 0 : i32
    %c0_i32_0 = arith.constant 0 : i32
    return %arg0, %c0_i32 : i32, i32
  }
  func.func @transform_8(%arg0: i32) -> (i32, i32) {
    %c0_i32 = arith.constant 0 : i32
    %c0_i32_0 = arith.constant 0 : i32
    return %arg0, %c0_i32 : i32, i32
  }
}

module attributes {stable_mosaic.version = 14 : i64} {
  func.func @body(%arg0: i32, %arg1: memref<256x128xf32, #tpu.memory_space<vmem>>, %arg2: memref<256x128xf32, #tpu.memory_space<vmem>>, %arg3: memref<256xf32, #tpu.memory_space<vmem>>, %arg4: memref<256xf32, #tpu.memory_space<vmem>>, %arg5: memref<256xf32, #tpu.memory_space<vmem>>, %arg6: memref<256xi32, #tpu.memory_space<vmem>>, %arg7: memref<64x256xf32, #tpu.memory_space<vmem>>, %arg8: memref<64x256xf32, #tpu.memory_space<vmem>>, %arg9: memref<64xf32, #tpu.memory_space<vmem>>) attributes {dimension_semantics = [#tpu.dimension_semantics<arbitrary>], iteration_bounds = array<i64: 40>, scalar_prefetch = 0 : i64, scratch_operands = 2 : i64, tpu.core_type = #tpu.core_type<tc>, window_params = [{transform_indices = @transform_0, window_bounds = array<i64: 256, 128>}, {transform_indices = @transform_1, window_bounds = array<i64: 256, 128>}, {transform_indices = @transform_2, window_bounds = array<i64: 256>}, {transform_indices = @transform_3, window_bounds = array<i64: 256>}, {pipeline_mode = #tpu.pipeline_mode<synchronous>, transform_indices = @transform_4, window_bounds = array<i64: 256>}, {transform_indices = @transform_5, window_bounds = array<i64: 256>}, {pipeline_mode = #tpu.pipeline_mode<synchronous>, transform_indices = @transform_6, window_bounds = array<i64: 64, 256>}]} {
    %eq3A = arith.constant 0 : i32
    %eq3A_0 = arith.cmpi eq, %arg0, %eq3A : i32
    %convert_element_type3A = arith.extui %eq3A_0 : i1 to i32
    %cond3A = arith.constant 0 : i32
    %cond3A_1 = arith.cmpi ne, %convert_element_type3A, %cond3A : i32
    scf.if %cond3A_1 {
      %broadcast_in_dim3A_46 = arith.constant 0.000000e+00 : f32
      %broadcast_in_dim3A_47 = vector.broadcast %broadcast_in_dim3A_46 : f32 to vector<64x256xf32>
      %swap3A_48 = arith.constant 0 : index
      %swap3A_49 = arith.constant 0 : index
      %swap3A_50 = vector.load %arg8[%swap3A_48, %swap3A_49] : memref<64x256xf32, #tpu.memory_space<vmem>>, vector<64x256xf32>
      tpu.vector_store %arg8[%swap3A_48, %swap3A_49], %broadcast_in_dim3A_47 {strides = array<i32>} : memref<64x256xf32, #tpu.memory_space<vmem>>, vector<64x256xf32>,
      %broadcast_in_dim3A_51 = arith.constant 0.000000e+00 : f32
      %broadcast_in_dim3A_52 = vector.broadcast %broadcast_in_dim3A_51 : f32 to vector<64xf32>
      %swap3A_53 = arith.constant 0 : index
      %swap3A_54 = vector.load %arg9[%swap3A_53] : memref<64xf32, #tpu.memory_space<vmem>>, vector<64xf32>
      tpu.vector_store %arg9[%swap3A_53], %broadcast_in_dim3A_52 {strides = array<i32>} : memref<64xf32, #tpu.memory_space<vmem>>, vector<64xf32>,
    } else {
    }
    %get3A = arith.constant 0 : index
    %get3A_2 = vector.load %arg3[%get3A] : memref<256xf32, #tpu.memory_space<vmem>>, vector<256xf32>
    %add3A = arith.constant 1.000000e+00 : f32
    %add3A_3 = vector.broadcast %add3A : f32 to vector<256xf32>
    %add3A_4 = arith.addf %add3A_3, %get3A_2 : vector<256xf32>
    %get3A_5 = arith.constant 0 : index
    %get3A_6 = vector.load %arg4[%get3A_5] : memref<256xf32, #tpu.memory_space<vmem>>, vector<256xf32>
    %add3A_7 = arith.addf %add3A_4, %get3A_6 : vector<256xf32>
    %rsqrt3A = math.rsqrt %add3A_7 : vector<256xf32>
    %get3A_8 = arith.constant 0 : index
    %get3A_9 = arith.constant 0 : index
    %get3A_10 = vector.load %arg1[%get3A_8, %get3A_9] : memref<256x128xf32, #tpu.memory_space<vmem>>, vector<256x128xf32>
    %get3A_11 = arith.constant 0 : index
    %get3A_12 = arith.constant 0 : index
    %get3A_13 = vector.load %arg2[%get3A_11, %get3A_12] : memref<256x128xf32, #tpu.memory_space<vmem>>, vector<256x128xf32>
    %concatenate3A = tpu.concatenate %get3A_10, %get3A_13 in 1 : vector<256x128xf32>, vector<256x128xf32> -> vector<256x256xf32>
    %broadcast_in_dim3A = vector.shape_cast %rsqrt3A : vector<256xf32> to vector<256x1xf32>
    %mul3A = vector.broadcast %broadcast_in_dim3A : vector<256x1xf32> to vector<256x256xf32>
    %mul3A_14 = arith.mulf %concatenate3A, %mul3A : vector<256x256xf32>
    %get3A_15 = arith.constant 0 : index
    %get3A_16 = vector.load %arg5[%get3A_15] : memref<256xf32, #tpu.memory_space<vmem>>, vector<256xf32>
    %broadcast_in_dim3A_17 = vector.shape_cast %get3A_16 : vector<256xf32> to vector<1x256xf32>
    %add3A_18 = vector.broadcast %broadcast_in_dim3A_17 : vector<1x256xf32> to vector<256x256xf32>
    %add3A_19 = arith.addf %mul3A_14, %add3A_18 : vector<256x256xf32>
    %iota3A = tpu.iota {dimensions = array<i32: 1>} : vector<1x64xi32>
    %get3A_20 = arith.constant 0 : index
    %get3A_21 = vector.load %arg6[%get3A_20] : memref<256xi32, #tpu.memory_space<vmem>>, vector<256xi32>
    %broadcast_in_dim3A_22 = vector.shape_cast %get3A_21 : vector<256xi32> to vector<256x1xi32>
    %eq3A_23 = vector.broadcast %broadcast_in_dim3A_22 : vector<256x1xi32> to vector<256x64xi32>
    %eq3A_24 = vector.broadcast %iota3A : vector<1x64xi32> to vector<256x64xi32>
    %eq3A_25 = arith.cmpi eq, %eq3A_23, %eq3A_24 : vector<256x64xi32>
    %convert_element_type3A_26 = arith.extui %eq3A_25 : vector<256x64xi1> to vector<256x64xi32>
    %convert_element_type3A_27 = arith.sitofp %convert_element_type3A_26 : vector<256x64xi32> to vector<256x64xf32>
    %get3A_28 = arith.constant 0 : index
    %get3A_29 = arith.constant 0 : index
    %get3A_30 = vector.load %arg8[%get3A_28, %get3A_29] : memref<64x256xf32, #tpu.memory_space<vmem>>, vector<64x256xf32>
    %dot_general3A = arith.constant dense<0.000000e+00> : vector<64x256xf32>
    %dot_general3A_31 = tpu.matmul %convert_element_type3A_27, %add3A_19, %dot_general3A {dimension_numbers = #tpu.dot_dimension_numbers<[0], [0], [1], [1], [0, 1, 1, 1], [], []>, transpose_lhs_hint = false} : vector<256x64xf32>, vector<256x256xf32>, vector<64x256xf32> -> vector<64x256xf32>
    %add3A_32 = arith.addf %get3A_30, %dot_general3A_31 : vector<64x256xf32>
    %swap3A = arith.constant 0 : index
    %swap3A_33 = arith.constant 0 : index
    %swap3A_34 = vector.load %arg8[%swap3A, %swap3A_33] : memref<64x256xf32, #tpu.memory_space<vmem>>, vector<64x256xf32>
    tpu.vector_store %arg8[%swap3A, %swap3A_33], %add3A_32 {strides = array<i32>} : memref<64x256xf32, #tpu.memory_space<vmem>>, vector<64x256xf32>,
    %get3A_35 = arith.constant 0 : index
    %get3A_36 = vector.load %arg9[%get3A_35] : memref<64xf32, #tpu.memory_space<vmem>>, vector<64xf32>
    %reduce_sum3A = arith.constant dense<0.000000e+00> : vector<64xf32>
    %reduce_sum3A_37 = vector.multi_reduction <add>, %convert_element_type3A_27, %reduce_sum3A [0] : vector<256x64xf32> to vector<64xf32>
    %add3A_38 = arith.addf %get3A_36, %reduce_sum3A_37 : vector<64xf32>
    %swap3A_39 = arith.constant 0 : index
    %swap3A_40 = vector.load %arg9[%swap3A_39] : memref<64xf32, #tpu.memory_space<vmem>>, vector<64xf32>
    tpu.vector_store %arg9[%swap3A_39], %add3A_38 {strides = array<i32>} : memref<64xf32, #tpu.memory_space<vmem>>, vector<64xf32>,
    %eq3A_41 = arith.constant 39 : i32
    %eq3A_42 = arith.cmpi eq, %arg0, %eq3A_41 : i32
    %convert_element_type3A_43 = arith.extui %eq3A_42 : i1 to i32
    %cond3A_44 = arith.constant 0 : i32
    %cond3A_45 = arith.cmpi ne, %convert_element_type3A_43, %cond3A_44 : i32
    scf.if %cond3A_45 {
      %get3A_46 = arith.constant 0 : index
      %get3A_47 = arith.constant 0 : index
      %get3A_48 = vector.load %arg8[%get3A_46, %get3A_47] : memref<64x256xf32, #tpu.memory_space<vmem>>, vector<64x256xf32>
      %get3A_49 = arith.constant 0 : index
      %get3A_50 = vector.load %arg9[%get3A_49] : memref<64xf32, #tpu.memory_space<vmem>>, vector<64xf32>
      %max3A = arith.constant 1.000000e+00 : f32
      %max3A_51 = vector.broadcast %max3A : f32 to vector<64xf32>
      %max3A_52 = arith.maximumf %get3A_50, %max3A_51 : vector<64xf32>
      %broadcast_in_dim3A_53 = vector.shape_cast %max3A_52 : vector<64xf32> to vector<64x1xf32>
      %div3A = vector.broadcast %broadcast_in_dim3A_53 : vector<64x1xf32> to vector<64x256xf32>
      %div3A_54 = arith.divf %get3A_48, %div3A : vector<64x256xf32>
      %reduce_max3A = arith.constant dense<0xFF800000> : vector<64xf32>
      %reduce_max3A_55 = vector.multi_reduction <maximumf>, %div3A_54, %reduce_max3A [1] : vector<64x256xf32> to vector<64xf32>
      %broadcast_in_dim3A_56 = vector.shape_cast %reduce_max3A_55 : vector<64xf32> to vector<64x1xf32>
      %sub3A = vector.broadcast %broadcast_in_dim3A_56 : vector<64x1xf32> to vector<64x256xf32>
      %sub3A_57 = arith.subf %div3A_54, %sub3A : vector<64x256xf32>
      %exp3A = math.exp %sub3A_57 : vector<64x256xf32>
      %reduce_sum3A_58 = arith.constant dense<0.000000e+00> : vector<64xf32>
      %reduce_sum3A_59 = vector.multi_reduction <add>, %exp3A, %reduce_sum3A_58 [1] : vector<64x256xf32> to vector<64xf32>
      %broadcast_in_dim3A_60 = vector.shape_cast %reduce_sum3A_59 : vector<64xf32> to vector<64x1xf32>
      %log3A = math.log %broadcast_in_dim3A_60 : vector<64x1xf32>
      %sub3A_61 = vector.broadcast %broadcast_in_dim3A_56 : vector<64x1xf32> to vector<64x256xf32>
      %sub3A_62 = arith.subf %div3A_54, %sub3A_61 : vector<64x256xf32>
      %sub3A_63 = vector.broadcast %log3A : vector<64x1xf32> to vector<64x256xf32>
      %sub3A_64 = arith.subf %sub3A_62, %sub3A_63 : vector<64x256xf32>
      %swap3A_65 = arith.constant 0 : index
      %swap3A_66 = arith.constant 0 : index
      %swap3A_67 = vector.load %arg7[%swap3A_65, %swap3A_66] : memref<64x256xf32, #tpu.memory_space<vmem>>, vector<64x256xf32>
      tpu.vector_store %arg7[%swap3A_65, %swap3A_66], %sub3A_64 {strides = array<i32>} : memref<64x256xf32, #tpu.memory_space<vmem>>, vector<64x256xf32>,
    } else {
    }
    return
  }
  func.func @transform_0(%arg0: i32) -> (i32, i32) {
    %c0_i32 = arith.constant 0 : i32
    %c0_i32_0 = arith.constant 0 : i32
    return %arg0, %c0_i32 : i32, i32
  }
  func.func @transform_1(%arg0: i32) -> (i32, i32) {
    %c0_i32 = arith.constant 0 : i32
    %c0_i32_0 = arith.constant 0 : i32
    return %arg0, %c0_i32 : i32, i32
  }
  func.func @transform_2(%arg0: i32) -> i32 {
    %c0_i32 = arith.constant 0 : i32
    return %arg0 : i32
  }
  func.func @transform_3(%arg0: i32) -> i32 {
    %c0_i32 = arith.constant 0 : i32
    return %arg0 : i32
  }
  func.func @transform_4(%arg0: i32) -> i32 {
    %c0_i32 = arith.constant 0 : i32
    %c0_i32_0 = arith.constant 0 : i32
    return %c0_i32 : i32
  }
  func.func @transform_5(%arg0: i32) -> i32 {
    %c0_i32 = arith.constant 0 : i32
    return %arg0 : i32
  }
  func.func @transform_6(%arg0: i32) -> (i32, i32) {
    %c0_i32 = arith.constant 0 : i32
    %c0_i32_0 = arith.constant 0 : i32
    %c0_i32_1 = arith.constant 0 : i32
    return %c0_i32, %c0_i32_0 : i32, i32
  }
}

</mosaic_0001>

<sc_bundles>
// kernel: kernel.11.cloned.1.call-start
scs
__scs_entry_jumppad:
0x0: {  	(pc) =	sbr.rel $0x88, $3  }
0x1: {  	(tag) =	ssettag $0x0;
	lr =	simm.s32 $0x1  }
0x2: {  	[smem:$0x3F9A] =	sst lr;
	_ =	strace $0xD0000000  }
0x3: {  	_ = 	snop  }
0x4: {  	_ = 	snop  }
0x5: {  	_ = 	snop  }
0x6: {  	_ = 	snop  }
0x7: {  	_ = 	snop  }
__scs_overlays_trampoline_lowered:
0x8: {  	[smem:$0x3FA9] =	sst s0  }
0x9: {  	[smem:$0x3FAA] =	sst s1  }
0xa: {  	[smem:$0x3FAB] =	sst s2  }
0xb: {  	[smem:$0x3FAC] =	sst s3  }
0xc: {  	[smem:$0x3FAD] =	sst s4  }
0xd: {  	[smem:$0x3FAE] =	sst s5  }
0xe: {  	[smem:$0x3FAF] =	sst s6  }
0xf: {  	[smem:$0x3FB0] =	sst s7  }
0x10: {  	[smem:$0x3FB1] =	sst s8  }
0x11: {  	[smem:$0x3FB2] =	sst s9;
	s0 =	simm.s32 @!p0 $0x0  }
0x12: {  	s1 =	sld [smem:$0x3F98];
	s0 =	simm.s32 @p0 $0x1  }
0x13: {  	[smem:$0x3FB3] =	sst s0;
	s0 =	simm.s32 @!p1 $0x0  }
0x14: {  	s2 =	sld [smem:$0x3F97];
	s0 =	simm.s32 @p1 $0x1  }
0x15: {  	[smem:$0x3FB4] =	sst s0;
	s0 =	simm.s32 @!p2 $0x0  }
0x16: {  	s3 =	sld [smem:$0x3FDB];
	s0 =	simm.s32 @p2 $0x1  }
0x17: {  	s4 =	simm.s32 $0x1BF5;
	[smem:$0x3FB6] =	sst s0  }
0x18: {  	s0 =	sld [smem:$0x3F99];
	_ =	swait.ge [sflag:s4], $0x0  }
0x19: {  	s7 =	sld [smem:$0x3F9A]  }
0x1a: {  	s8 =	sadd.s32 $0xFFFFE003, lr  }
0x1b: {  	s9 =	sadd.s32 $0xFFFFFEF7, lr;
	s5 =	simm.s32 $0xFFFFFFFF;
	p2 =	slt.u32 s8, $0xFFFFF086  }
0x1c: {  	p1 =	slt.u32 s9, $0xF7A;
	s5 =	simm.s32 @!p2 $0x0  }
0x1d: {  	s5 =	simm.s32 @p1 $0x1;
	p0 =	seq.s32 s7, s2  }
0x1e: {  	s7 =	smul.u32 @!p0 $0xF7A, s2;
	p2 =	seq.s32 @!p0 s5, $0x0  }
0x1f: {  	s9 =	smul.u32 $0xF7A, s1;
	s8 =	simm.s32 @!p0 $0x1BF5;
	p2 =	por !p2, p0  }
0x20: {  	[sflag:s8] =	ssyncset.s32 @!p0 $0xFFFFF086;
	s6 =	sadd.s32 @!p0 s3, s7;
	s7 =	simm.s32 @!p0 $0x108  }
0x21: {  	s3 =	sadd.s32 s3, s9;
	s6 =	sadd.s32 @!p0 $0x88, s6;
	s7 =	simm.s32 @p2 $0x1082  }
0x22: {  	[simem:s7], [sflag:s8] =	dma.local @!p0 [hbm:s6], $0xF7A  }
0x23: {  	s9 =	sor.u32 $0xD0000000, s2;
	s6 =	simm.s32 $0x108;
	_ =	swait.ge @!p0 [sflag:s8], $0x0  }
0x24: {  	s3 =	sadd.s32 $0x88, s3;
	s6 =	simm.s32 @!p1 $0x1082;
	[sflag:s4] =	ssyncset.s32 $0xFFFFF086  }
0x25: {  	[simem:s6], [sflag:s4] =	dma.local [hbm:s3], $0xF7A  }
0x26: {  	[smem:$0x3F9A] =	sst s1;
	(tag) =	ssettag s2;
	_ =	strace s9  }
0x27: {  	s1 =	sld [smem:$0x3FAA]  }
0x28: {  	s2 =	sld [smem:$0x3FAB]  }
0x29: {  	s4 =	sld [smem:$0x3FAD]  }
0x2a: {  	p0 =	seq.s32 s5, $0x0;
	s5 =	sld [smem:$0x3FAE]  }
0x2b: {  	s6 =	sld [smem:$0x3FAF]  }
0x2c: {  	s7 =	sld [smem:$0x3FB0]  }
0x2d: {  	s3 =	simm.s32 $0x108;
	s8 =	sld [smem:$0x3FB1]  }
0x2e: {  	s3 =	simm.s32 @!p0 $0x1082;
	s9 =	sld [smem:$0x3FB2]  }
0x2f: {  	lr =	sadd.s32 s0, s3;
	s0 =	sld [smem:$0x3FA9]  }
0x30: {  	s3 =	sld [smem:$0x3FAC]  }
0x31: {  	[smem:$0x3FB5] =	sst s10  }
0x32: {  	s10 =	sld [smem:$0x3FB3];
	_ =	sdelay $0x3  }
0x33: {  	p0 =	seq.s32 s10, $0x1;
	s10 =	sld [smem:$0x3FB5];
	_ =	sdelay $0x3  }
0x34: {  	[smem:$0x3FB5] =	sst s10  }
0x35: {  	s10 =	sld [smem:$0x3FB4];
	_ =	sdelay $0x3  }
0x36: {  	p1 =	seq.s32 s10, $0x1;
	s10 =	sld [smem:$0x3FB5];
	_ =	sdelay $0x3  }
0x37: {  	[smem:$0x3FB5] =	sst s10  }
0x38: {  	s10 =	sld [smem:$0x3FB6]  }
0x39: {  	_ = 	snop;
	(pc) =	sbr.ind lr, $3  }
0x3a: {  	_ = 	snop  }
0x3b: {  	_ = 	snop  }
0x3c: {  	p2 =	seq.s32 s10, $0x1;
	s10 =	sld [smem:$0x3FB5]  }
0x3d: {  	_ =	shalt  }
0x3e: {  	_ =	shalt  }
0x3f: {  	_ =	shalt  }
0x40: {  	_ =	shalt  }
0x41: {  	_ =	shalt  }
0x42: {  	_ =	shalt  }
0x43: {  	_ =	shalt  }
0x44: {  	_ =	shalt  }
0x45: {  	_ =	shalt  }
0x46: {  	_ =	shalt  }
0x47: {  	_ =	shalt  }
0x48: {  	_ =	shalt  }
0x49: {  	_ =	shalt  }
0x4a: {  	_ =	shalt  }
0x4b: {  	_ =	shalt  }
0x4c: {  	_ =	shalt  }
0x4d: {  	_ =	shalt  }
0x4e: {  	_ =	shalt  }
0x4f: {  	_ =	shalt  }
0x50: {  	_ =	shalt  }
0x51: {  	_ =	shalt  }
0x52: {  	_ =	shalt  }
0x53: {  	_ =	shalt  }
0x54: {  	_ =	shalt  }
0x55: {  	_ =	shalt  }
0x56: {  	_ =	shalt  }
0x57: {  	_ =	shalt  }
0x58: {  	_ =	shalt  }
0x59: {  	_ =	shalt  }
0x5a: {  	_ =	shalt  }
0x5b: {  	_ =	shalt  }
0x5c: {  	_ =	shalt  }
0x5d: {  	_ =	shalt  }
0x5e: {  	_ =	shalt  }
0x5f: {  	_ =	shalt  }
0x60: {  	_ =	shalt  }
0x61: {  	_ =	shalt  }
0x62: {  	_ =	shalt  }
0x63: {  	_ =	shalt  }
0x64: {  	_ =	shalt  }
0x65: {  	_ =	shalt  }
0x66: {  	_ =	shalt  }
0x67: {  	_ =	shalt  }
0x68: {  	_ =	shalt  }
0x69: {  	_ =	shalt  }
0x6a: {  	_ =	shalt  }
0x6b: {  	_ =	shalt  }
0x6c: {  	_ =	shalt  }
0x6d: {  	_ =	shalt  }
0x6e: {  	_ =	shalt  }
0x6f: {  	_ =	shalt  }
0x70: {  	_ =	shalt  }
0x71: {  	_ =	shalt  }
0x72: {  	_ =	shalt  }
0x73: {  	_ =	shalt  }
0x74: {  	_ =	shalt  }
0x75: {  	_ =	shalt  }
0x76: {  	_ =	shalt  }
0x77: {  	_ =	shalt  }
0x78: {  	_ =	shalt  }
0x79: {  	_ =	shalt  }
0x7a: {  	_ =	shalt  }
0x7b: {  	_ =	shalt  }
0x7c: {  	_ =	shalt  }
0x7d: {  	_ =	shalt  }
0x7e: {  	_ =	shalt  }
0x7f: {  	_ =	shalt  }
0x80: {  	_ =	shalt  }
0x81: {  	_ =	shalt  }
0x82: {  	_ =	shalt  }
0x83: {  	_ =	shalt  }
0x84: {  	_ =	shalt  }
0x85: {  	_ =	shalt  }
0x86: {  	_ =	shalt  }
0x87: {  	_ =	shalt  }
.Lfunc_end0:
.L_simem_size_0:
called_computation.1_lowered:
.L_overlay_start_0:
0x88: {  	s2 =	sld [smem:$0x3FD9]  }
0x89: {  	s3 =	sld [smem:$0x3FFE];
	_ =	sdelay $0x1  }
0x8a: {  	s1 =	srdreg.scid  }
0x8b: {  	s0 =	sand.u32 $0x1, s1  }
0x8c: {  	s16 =	sshll.u32 s0, $0xA;
	s2 =	sadd.s32 s3, s2  }
0x8d: {  	s2 =	sadd.s32 s2, s16  }
0x8e: {  	[smem:$0x3FC1] =	sst s2  }
0x8f: {  	_ = 	snop  }
0x90: {  	(tm) =	ssettm $0x1  }
0x91: {  	s17 =	sld [smem:$0x3FFB];
	_ =	sdelay $0x3  }
0x92: {  	_ =	strace s17  }
0x93: {  	s2 =	sld [smem:$0x3FFC];
	_ =	sdelay $0x3  }
0x94: {  	_ =	strace s2  }
0x95: {  	s2 =	sld [smem:$0x3FFD];
	_ =	sdelay $0x3  }
0x96: {  	_ =	strace s2  }
0x97: {  	_ =	strace $0x8FFFFFFF  }
0x98: {  	s18 =	sld [smem:$0x3FDB];
	_ =	sdelay $0x1  }
0x99: {  	s19 =	simm.s32 $_scs_section_size  }
0x9a: {  	s4 =	simm.s32 $_size__tile_overlayer_lowered;
	s5 =	simm.s32 $_tile_overlayer_lowered  }
0x9b: {  	s22 =	simm.s32 $0x1BFF;
	s21 =	sshll.u32 s5, $0x1;
	s2 =	sadd.s32 s19, s18  }
0x9c: {  	s6 =	simm.s32 $0x0;
	s20 =	sshll.u32 s4, $0x1;
	s4 =	sadd.s32 s21, s2  }
0x9d: {  	[timem:s6], [sflag:s22] =	dma.local [hbm:s4], s20  }
0x9e: {  	_ =	swait.ge [sflag:s22], s20  }
0x9f: {  	s3 =	ssub.s32 $0x0, s20;
	[sflag:s22] =	ssyncset.done $0x0  }
0xa0: {  	[sflag:s22] =	ssyncadd.s32 s3;
	_ =	sdelay $0x1  }
0xa1: {  	s23 =	simm.s32 $0x1B8B  }
0xa2: {  	_ =	swait.ge [sflag:s23], $0x1  }
0xa3: {  	[sflag:s23] =	ssyncset.done $0x0  }
0xa4: {  	s25 =	simm.s32 $0x1B8E;
	s24 =	sld [smem:$0x3FFE];
	[sflag:s23] =	ssyncadd.s32 $0xFFFFFFFF  }
0xa5: {  	s26 =	simm.s32 $execute0_lowered;
	[smem:$0x3FD2] =	sst s25  }
0xa6: {  	s4 =	sshll.u32 s26, $0x1;
	_ =	strace $0x80000049;
	[dreg:$0x1] =	wrdreg $0xFFFFFFFF  }
0xa7: {  	s28 =	simm.s32 $_size_execute0_lowered;
	s2 =	sadd.s32 s2, s4;
	[dreg:$0x0] =	wrdreg $0x0  }
0xa8: {  	s4 =	sshll.u32 s28, $0x1;
	[dreg:$0x2] =	wrdreg s2  }
0xa9: {  	[dreg:$0x3] =	wrdreg s4  }
0xaa: {  	[dreg:$0x4] =	wrdreg $0xC0  }
0xab: {  	_ =	task [dreg:s6], $0x5FFFF  }
0xac: {  	[dreg:$0x1] =	wrdreg $0xFFFFFFFF  }
0xad: {  	[dreg:$0x0] =	wrdreg $0x60  }
0xae: {  	[dreg:$0x2] =	wrdreg s24  }
0xaf: {  	[dreg:$0x3] =	wrdreg $0xA8000  }
0xb0: {  	[dreg:$0x4] =	wrdreg $0x9  }
0xb1: {  	_ =	task.clear_ibuf [dreg:s6], $0x5FFFF;
	_ =	strace $0x90000049  }
0xb2: {  	s29 =	simm.s32 $0x9;
	_ =	strace $0x8000004B  }
0xb3: {  	_ =	swait.ge [sflag:s29], $0x1  }
0xb4: {  	[sflag:s29] =	ssyncadd.s32 $0xFFFFFFFF  }
0xb5: {  	_ =	strace $0x9000004B  }
0xb6: {  	_ =	sfence  }
0xb7: {  	s30 =	sld [smem:$0x0];
	_ =	sdelay $0x2  }
0xb8: {  	s31 =	sshll.u32 s1, $0xD;
	s1 =	sshrl.u32 s1, $0x2  }
0xb9: {  	s3 =	sand.u32 $0x4000, s31;
	s1 =	sadd.s32 s1, s30  }
0xba: {  	s0 =	sor.u32 s3, s0;
	s1 =	sshll.u32 s1, $0x11  }
0xbb: {  	s0 =	sor.u32 s1, s0  }
0xbc: {  	s0 =	sadd.s32 $0x8F2B, s0  }
0xbd: {  	[sflag:s0] =	ssyncadd.remote.s32 $0x1  }
0xbe: {  	_ =	sfence.sel $0xFFFF  }
0xbf: {  	[dreg:$0x0] =	wrdreg $0xFFFFFFFF;
	(pc) =	sbr.abs _section_cstart, $3  }
0xc0: {  	[dreg:$0x1] =	wrdreg $0xFFFFFFFF  }
0xc1: {  	_ =	task.clear_ibuf [dreg:s6], $0x2FFFF;
	_ =	strace $0x9FFFFFFF  }
0xc2: {  	(tm) =	ssettm $0x7FFFFFFF  }
0xc3: {  	_ =	shalt  }
tec
execute0_lowered:
.L_overlay_start_1:
0x0: {  	(tag) =	ssettag $0x1  }
0x1: {  	s0 =	rddreg [dreg:$0x0]  }
0x2: {  	s2 =	rddreg [dreg:$0x1]  }
0x3: {  	s12 =	simm.s32 $0x0;
	s1 =	srdreg.scid;
	s11 =	stileid.u32  }
0x4: {  	s13 =	simm.s32 $0x9;
	s14 =	simm.s32 $0x1400;
	s15 =	simm.s32 $0x40  }
0x5: {  	s16 =	simm.s32 $0x2800;
	s18 =	simm.s32 $0x4800;
	s19 =	simm.s32 $0x1  }
0x6: {  	s21 =	simm.s32 $0x6800;
	s22 =	simm.s32 $0x2;
	s28 =	simm.s32 $0x5  }
0x7: {  	s29 =	simm.s32 $0x200;
	s30 =	simm.s32 $0x1500;
	s31 =	simm.s32 $0x4  }
0x8: {  	[smem:$0x7FF] =	sst s12;
	s1 =	sand.u32 $0x1, s1;
	s3 =	smul.u32 $0x14000, s11  }
0x9: {  	s4 =	sadd.s32 $0x17000, s0;
	s5 =	sadd.s32 $0xD000, s0;
	s8 =	smul.u32 $0x50000, s11  }
0xa: {  	s6 =	sadd.s32 $0x2600, s0;
	s24 =	sshll.u32 s11, $0x6;
	_ =	strace $0x8000004A  }
0xb: {  	s7 =	smul.u32 $0x140000, s1;
	s9 =	ssub.s32 $0x2, s1;
	s1 =	sshll.u32 s1, $0x4  }
0xc: {  	s25 =	sor.u32 $0x1C09, s24;
	s24 =	simm.s32 $0x8800;
	s10 =	sshrl.u32 s9, $0x1  }
0xd: {  	s8 =	sshrl.u32 s8, $0x2;
	s1 =	sor.u32 s11, s1;
	s11 =	simm.s32 $0x8  }
0xe: {  	s7 =	sadd.s32 s3, s7;
	s23 =	ssub.s32 s9, s10;
	s8 =	sadd.s32 s8, s2  }
0xf: {  	s3 =	sshrl.u32 s3, $0x3;
	s9 =	smul.u32 $0x50, s1;
	s1 =	simm.s32 $0x280  }
0x10: {  	s10 =	simm.s32 $0x7;
	s7 =	sshrl.u32 s7, $0x3;
	s3 =	sadd.s32 s4, s3  }
.Ltmp0:
0x11: {  	s26 =	smax.u32 s23, $0x1;
	s20 =	sshrl.u32 s8, $0x3;
	(pc) =	sbr.rel .LBB2_1-.Ltmp0, $4  }
0x12: {  	s8 =	smov.u32 s25;
	s23 =	simm.s32 $0x180;
	[dreg:$0x4] =	wrdreg s3  }
0x13: {  	s25 =	simm.s32 $0x1480;
	s0 =	sadd.s32 s7, s0;
	[dreg:$0x7] =	wrdreg s26  }
0x14: {  	s26 =	simm.s32 $0x3;
	[dreg:$0x5] =	wrdreg s8;
	s0 =	sadd.s32 $0x3F000, s0  }
0x15: {  	s7 =	simm.s32 $0x1580;
	[dreg:$0x6] =	wrdreg s0;
	s0 =	simm.s32 $0x6  }
.LBB2_6:
0x16: {  	[bflag:$0x0] =	sbarrier.arrive $0xFFFF  }
0x17: {  	s8 =	rddreg [dreg:$0x5]  }
0x18: {  	s3 =	rddreg [dreg:$0x6]  }
0x19: {  	[hbm:s3], [sflag:s8] =	dma.local [spmem:s20], $0x2800  }
0x1a: {  	_ =	swait.ge [sflag:s13], $0x2800  }
0x1b: {  	s12 =	rddreg [dreg:$0x3]  }
0x1c: {  	s17 =	rddreg [dreg:$0x7];
	s12 =	sadd.s32 $0x1, s12  }
0x1d: {  	p0 =	sne.s32 s12, s17  }
.Ltmp1:
0x1e: {  	_ = 	snop;
	(pc) =	sbr.rel @!p0 .LBB2_7-.Ltmp1, $3  }
0x1f: {  	_ =	sdelay $0x1  }
0x20: {  	[sflag:s13] =	ssyncset.done $0x0  }
0x21: {  	[sflag:s13] =	ssyncadd.s32 $0xFFFFD800  }
.LBB2_1:
0x22: {  	[dreg:$0x3] =	wrdreg s12  }
0x23: {  	s3 =	rddreg [dreg:$0x4]  }
0x24: {  	[spmem:s20], [sflag:s8] =	dma.local [hbm:s3], $0x2800  }
.Ltmp2:
0x25: {  	_ =	swait.ge [sflag:s13], $0x2800;
	(pc) =	sbr.rel .LBB2_2-.Ltmp2, $4  }
0x26: {  	[sflag:s13] =	ssyncset.done $0x0  }
0x27: {  	[sflag:s13] =	ssyncadd.s32 $0xFFFFD800  }
0x28: {  	[bflag:$0x0] =	sbarrier.arrive $0xFFFF  }
0x29: {  	p1 =	por $0x1, $0x1;
	s3 =	simm.s32 $0x0  }
.LBB2_5:
0x2a: {  	[spmem:s2] =	stream.indirect.scatter.add.f32 [tilespmem:s21], [sflag:$0x7], $0x80, s3, s15, $0xb8;
	[tilespmem:$0x1E800] =	vst v63  }
0x2b: {  	_ =	swait.ge [sflag:s31], $0x2000  }
0x2c: {  	[sflag:s31] =	ssyncset.done $0x0  }
0x2d: {  	[sflag:s31] =	ssyncadd.s32 $0xFFFFE000  }
0x2e: {  	_ =	swait.ge [sflag:s0], $0x2000  }
0x2f: {  	[sflag:s0] =	ssyncset.done $0x0  }
0x30: {  	s17 =	sadd.s32 $0x1780, s12;
	[sflag:s0] =	ssyncadd.s32 $0xFFFFE000  }
0x31: {  	[spmem:s2] =	stream.indirect.scatter.add.f32 [tilespmem:s24], [sflag:$0x8], $0x80, s17, s15, $0xb8;
	[tilespmem:$0x1E800] =	vst v63  }
0x32: {  	_ =	swait.ge [sflag:s10], $0x2000  }
.Ltmp3:
0x33: {  	[sflag:s10] =	ssyncset.done $0x0;
	(pc) =	sbr.rel @!p0 .LBB2_6-.Ltmp3, $4  }
0x34: {  	[sflag:s10] =	ssyncadd.s32 $0xFFFFE000  }
0x35: {  	_ =	swait.ge [sflag:s11], $0x2000  }
0x36: {  	[sflag:s11] =	ssyncset.done $0x0  }
0x37: {  	s3 =	simm.s32 $0x28;
	p1 =	por $0x0, $0x0;
	[sflag:s11] =	ssyncadd.s32 $0xFFFFE000  }
.LBB2_2:
0x38: {  	s3 =	sadd.s32 s9, s3  }
0x39: {  	s3 =	sshll.u32 s3, $0x4  }
0x3a: {  	s8 =	simm.s32 $0x0;
	s12 =	sadd.s32 s5, s3  }
0x3b: {  	[tilespmem:s8], [sflag:$0x9] =	stream.linear.gather [hbm4b:s12+s8], $0x1400, $0x38;
	[tilespmem:$0x1E800] =	vst v63  }
0x3c: {  	_ =	swait.ge [sflag:s13], $0x1400  }
0x3d: {  	[sflag:s13] =	ssyncset.done $0x0  }
0x3e: {  	s3 =	sadd.s32 s6, s3;
	[sflag:s13] =	ssyncadd.s32 $0xFFFFEC00  }
0x3f: {  	[tilespmem:s14], [sflag:$0x9] =	stream.linear.gather [hbm4b:s3+s8], $0x1400, $0x38;
	[tilespmem:$0x1E800] =	vst v63  }
0x40: {  	_ =	swait.ge [sflag:s13], $0x1400  }
0x41: {  	[sflag:s13] =	ssyncset.done $0x0  }
0x42: {  	[sflag:s13] =	ssyncadd.s32 $0xFFFFEC00  }
0x43: {  	[tilespmem:s16], [sflag:$0x1] =	stream.indirect.gather [hbm4b:s4+s15], $0x80, s8, s15, $0xb8;
	[tilespmem:$0x1E800] =	vst v63  }
0x44: {  	s12 =	simm.s32 $0x80  }
0x45: {  	[tilespmem:s18], [sflag:$0x2] =	stream.indirect.gather [hbm4b:s4+s15], $0x80, s12, s15, $0xb8;
	[tilespmem:$0x1E800] =	vst v63  }
0x46: {  	_ =	swait.ge [sflag:s19], $0x2000  }
0x47: {  	[sflag:s19] =	ssyncset.done $0x0  }
0x48: {  	s17 =	simm.s32 $0x100;
	[sflag:s19] =	ssyncadd.s32 $0xFFFFE000  }
0x49: {  	[tilespmem:s21], [sflag:$0x3] =	stream.indirect.gather [hbm4b:s4+s15], $0x80, s17, s15, $0xb8;
	[tilespmem:$0x1E800] =	vst v63  }
0x4a: {  	_ = 	snop  }
0x4b: {  	[spmem:s2] =	stream.indirect.scatter.add.f32 [tilespmem:s16], [sflag:$0x5], $0x80, s14, s15, $0xb8;
	[tilespmem:$0x1E800] =	vst v63  }
0x4c: {  	_ =	swait.ge [sflag:s22], $0x2000  }
0x4d: {  	[sflag:s22] =	ssyncset.done $0x0  }
0x4e: {  	[sflag:s22] =	ssyncadd.s32 $0xFFFFE000  }
0x4f: {  	[tilespmem:s24], [sflag:$0x4] =	stream.indirect.gather [hbm4b:s4+s15], $0x80, s23, s15, $0xb8;
	[tilespmem:$0x1E800] =	vst v63  }
0x50: {  	_ = 	snop  }
0x51: {  	[spmem:s2] =	stream.indirect.scatter.add.f32 [tilespmem:s18], [sflag:$0x6], $0x80, s25, s15, $0xb8;
	[tilespmem:$0x1E800] =	vst v63  }
0x52: {  	_ =	swait.ge [sflag:s26], $0x2000  }
0x53: {  	[sflag:s26] =	ssyncset.done $0x0  }
0x54: {  	[sflag:s26] =	ssyncadd.s32 $0xFFFFE000  }
0x55: {  	_ =	swait.ge [sflag:s28], $0x2000  }
0x56: {  	[sflag:s28] =	ssyncset.done $0x0  }
0x57: {  	[sflag:s28] =	ssyncadd.s32 $0xFFFFE000  }
0x58: {  	[tilespmem:s16], [sflag:$0x1] =	stream.indirect.gather [hbm4b:s4+s15], $0x80, s29, s15, $0xb8;
	[tilespmem:$0x1E800] =	vst v63  }
0x59: {  	_ = 	snop  }
0x5a: {  	[spmem:s2] =	stream.indirect.scatter.add.f32 [tilespmem:s21], [sflag:$0x7], $0x80, s30, s15, $0xb8;
	[tilespmem:$0x1E800] =	vst v63  }
0x5b: {  	_ =	swait.ge [sflag:s31], $0x2000  }
0x5c: {  	[sflag:s31] =	ssyncset.done $0x0  }
0x5d: {  	[sflag:s31] =	ssyncadd.s32 $0xFFFFE000  }
0x5e: {  	_ =	swait.ge [sflag:s0], $0x2000  }
0x5f: {  	[sflag:s0] =	ssyncset.done $0x0  }
0x60: {  	[sflag:s0] =	ssyncadd.s32 $0xFFFFE000  }
0x61: {  	[tilespmem:s18], [sflag:$0x2] =	stream.indirect.gather [hbm4b:s4+s15], $0x80, s1, s15, $0xb8;
	[tilespmem:$0x1E800] =	vst v63  }
0x62: {  	p0 =	por p1, p1  }
0x63: {  	[spmem:s2] =	stream.indirect.scatter.add.f32 [tilespmem:s24], [sflag:$0x8], $0x80, s7, s15, $0xb8;
	[tilespmem:$0x1E800] =	vst v63  }
.LBB2_3:
0x64: {  	_ =	swait.ge [sflag:s19], $0x2000  }
0x65: {  	[sflag:s19] =	ssyncset.done $0x0  }
0x66: {  	[sflag:s19] =	ssyncadd.s32 $0xFFFFE000  }
0x67: {  	_ =	swait.ge [sflag:s10], $0x2000  }
0x68: {  	s12 =	sshra.s32 s8, $0x2;
	[sflag:s10] =	ssyncset.done $0x0  }
0x69: {  	s3 =	sadd.s32 $0x300, s12;
	[sflag:s10] =	ssyncadd.s32 $0xFFFFE000  }
0x6a: {  	[tilespmem:s21], [sflag:$0x3] =	stream.indirect.gather [hbm4b:s4+s15], $0x80, s3, s15, $0xb8;
	[tilespmem:$0x1E800] =	vst v63  }
0x6b: {  	s17 =	sadd.s32 $0x1600, s12  }
0x6c: {  	[spmem:s2] =	stream.indirect.scatter.add.f32 [tilespmem:s16], [sflag:$0x5], $0x80, s17, s15, $0xb8;
	[tilespmem:$0x1E800] =	vst v63  }
0x6d: {  	_ =	swait.ge [sflag:s22], $0x2000  }
0x6e: {  	[sflag:s22] =	ssyncset.done $0x0  }
0x6f: {  	[sflag:s22] =	ssyncadd.s32 $0xFFFFE000  }
0x70: {  	_ =	swait.ge [sflag:s11], $0x2000  }
0x71: {  	[sflag:s11] =	ssyncset.done $0x0  }
0x72: {  	s17 =	sadd.s32 $0x380, s12;
	[sflag:s11] =	ssyncadd.s32 $0xFFFFE000  }
0x73: {  	[tilespmem:s24], [sflag:$0x4] =	stream.indirect.gather [hbm4b:s4+s15], $0x80, s17, s15, $0xb8;
	[tilespmem:$0x1E800] =	vst v63  }
0x74: {  	s17 =	sadd.s32 $0x1680, s12  }
0x75: {  	[spmem:s2] =	stream.indirect.scatter.add.f32 [tilespmem:s18], [sflag:$0x6], $0x80, s17, s15, $0xb8;
	[tilespmem:$0x1E800] =	vst v63  }
0x76: {  	p1 =	seq.s32 s8, $0x4000;
	_ =	swait.ge [sflag:s26], $0x2000  }
.Ltmp4:
0x77: {  	[sflag:s26] =	ssyncset.done $0x0;
	(pc) =	sbr.rel @p1 .LBB2_5-.Ltmp4, $4  }
0x78: {  	[sflag:s26] =	ssyncadd.s32 $0xFFFFE000  }
0x79: {  	_ =	swait.ge [sflag:s28], $0x2000  }
0x7a: {  	[sflag:s28] =	ssyncset.done $0x0  }
0x7b: {  	s3 =	sadd.s32 $0x1700, s12;
	[sflag:s28] =	ssyncadd.s32 $0xFFFFE000  }
0x7c: {  	s17 =	sadd.s32 $0x400, s12  }
0x7d: {  	[tilespmem:s16], [sflag:$0x1] =	stream.indirect.gather [hbm4b:s4+s15], $0x80, s17, s15, $0xb8;
	[tilespmem:$0x1E800] =	vst v63  }
0x7e: {  	_ = 	snop  }
0x7f: {  	[spmem:s2] =	stream.indirect.scatter.add.f32 [tilespmem:s21], [sflag:$0x7], $0x80, s3, s15, $0xb8;
	[tilespmem:$0x1E800] =	vst v63  }
0x80: {  	_ =	swait.ge [sflag:s31], $0x2000  }
0x81: {  	[sflag:s31] =	ssyncset.done $0x0  }
0x82: {  	[sflag:s31] =	ssyncadd.s32 $0xFFFFE000  }
0x83: {  	_ =	swait.ge [sflag:s0], $0x2000  }
.Ltmp5:
0x84: {  	[sflag:s0] =	ssyncset.done $0x0;
	(pc) =	sbr.rel .LBB2_3-.Ltmp5, $4  }
0x85: {  	s17 =	sadd.s32 $0x480, s12;
	[sflag:s0] =	ssyncadd.s32 $0xFFFFE000  }
0x86: {  	[tilespmem:s18], [sflag:$0x2] =	stream.indirect.gather [hbm4b:s4+s15], $0x80, s17, s15, $0xb8;
	[tilespmem:$0x1E800] =	vst v63  }
0x87: {  	s8 =	sadd.s32 $0x800, s8;
	s17 =	sadd.s32 $0x1780, s12  }
0x88: {  	[spmem:s2] =	stream.indirect.scatter.add.f32 [tilespmem:s24], [sflag:$0x8], $0x80, s17, s15, $0xb8;
	[tilespmem:$0x1E800] =	vst v63  }
.LBB2_7:
0x89: {  	_ =	sfence.sel $0x180000  }
0x8a: {  	[bflag:$0x0] =	sbarrier.arrive $0xFFFF  }
0x8b: {  	_ =	strace $0x9000004A  }
0x8c: {  	s0 =	stileid.u32;
	[bflag:$0x2] =	sbarrier.arrive $0xFFFF  }
0x8d: {  	p0 =	sne.s32 s0, $0x0;
	s0 =	rddreg [dreg:$0x2]  }
0x8e: {  	s0 =	sadd.s32 @!p0 $0x100000, s0  }
0x8f: {  	[sflag:s0] =	ssyncadd.tile.s32 @!p0 $0x1;
	_ =	shalt  }
.Lfunc_end2:
_tile_overlayer_lowered:
.L_overlay_start_2:
0x90: {  	(tag) =	ssettag $0x2  }
0x91: {  	s0 =	rddreg [dreg:$0x0];
	s2 =	stileid.u32  }
0x92: {  	s1 =	rddreg [dreg:$0x1];
	p0 =	sne.s32 s2, $0x0  }
0x93: {  	s3 =	rddreg [dreg:$0x2];
	[bflag:$0x3] =	sbarrier.arrive $0xFFFF;
	s2 =	simm.s32 @!p0 $0x1C09  }
0x94: {  	[timem:s3], [sflag:s2] =	dma.local @!p0 [hbm:s0], s1  }
0x95: {  	s0 =	simm.s32 @!p0 $0x9  }
0x96: {  	_ =	swait.ge @!p0 [sflag:s0], s1  }
0x97: {  	s1 =	ssub.s32 @!p0 $0x0, s1;
	[sflag:s0] =	ssyncset.done @!p0 $0x0  }
0x98: {  	[sflag:s0] =	ssyncadd.s32 @!p0 s1  }
0x99: {  	[bflag:$0x3] =	sbarrier.arrive $0xFFFF  }
0x9a: {  	_ =	shalt  }

// kernel: kernel.14.cloned.1.call-start
scs
__scs_entry_jumppad:
0x0: {  	(pc) =	sbr.rel $0x88, $3  }
0x1: {  	(tag) =	ssettag $0x0;
	lr =	simm.s32 $0x1  }
0x2: {  	[smem:$0x3F9A] =	sst lr;
	_ =	strace $0xD0000000  }
0x3: {  	_ = 	snop  }
0x4: {  	_ = 	snop  }
0x5: {  	_ = 	snop  }
0x6: {  	_ = 	snop  }
0x7: {  	_ = 	snop  }
__scs_overlays_trampoline_lowered:
0x8: {  	[smem:$0x3FA9] =	sst s0  }
0x9: {  	[smem:$0x3FAA] =	sst s1  }
0xa: {  	[smem:$0x3FAB] =	sst s2  }
0xb: {  	[smem:$0x3FAC] =	sst s3  }
0xc: {  	[smem:$0x3FAD] =	sst s4  }
0xd: {  	[smem:$0x3FAE] =	sst s5  }
0xe: {  	[smem:$0x3FAF] =	sst s6  }
0xf: {  	[smem:$0x3FB0] =	sst s7  }
0x10: {  	[smem:$0x3FB1] =	sst s8  }
0x11: {  	[smem:$0x3FB2] =	sst s9;
	s0 =	simm.s32 @!p0 $0x0  }
0x12: {  	s1 =	sld [smem:$0x3F98];
	s0 =	simm.s32 @p0 $0x1  }
0x13: {  	[smem:$0x3FB3] =	sst s0;
	s0 =	simm.s32 @!p1 $0x0  }
0x14: {  	s2 =	sld [smem:$0x3F97];
	s0 =	simm.s32 @p1 $0x1  }
0x15: {  	[smem:$0x3FB4] =	sst s0;
	s0 =	simm.s32 @!p2 $0x0  }
0x16: {  	s3 =	sld [smem:$0x3FDB];
	s0 =	simm.s32 @p2 $0x1  }
0x17: {  	s4 =	simm.s32 $0x1BF5;
	[smem:$0x3FB6] =	sst s0  }
0x18: {  	s0 =	sld [smem:$0x3F99];
	_ =	swait.ge [sflag:s4], $0x0  }
0x19: {  	s7 =	sld [smem:$0x3F9A]  }
0x1a: {  	s8 =	sadd.s32 $0xFFFFE003, lr  }
0x1b: {  	s9 =	sadd.s32 $0xFFFFFEF7, lr;
	s5 =	simm.s32 $0xFFFFFFFF;
	p2 =	slt.u32 s8, $0xFFFFF086  }
0x1c: {  	p1 =	slt.u32 s9, $0xF7A;
	s5 =	simm.s32 @!p2 $0x0  }
0x1d: {  	s5 =	simm.s32 @p1 $0x1;
	p0 =	seq.s32 s7, s2  }
0x1e: {  	s7 =	smul.u32 @!p0 $0xF7A, s2;
	p2 =	seq.s32 @!p0 s5, $0x0  }
0x1f: {  	s9 =	smul.u32 $0xF7A, s1;
	s8 =	simm.s32 @!p0 $0x1BF5;
	p2 =	por !p2, p0  }
0x20: {  	[sflag:s8] =	ssyncset.s32 @!p0 $0xFFFFF086;
	s6 =	sadd.s32 @!p0 s3, s7;
	s7 =	simm.s32 @!p0 $0x108  }
0x21: {  	s3 =	sadd.s32 s3, s9;
	s6 =	sadd.s32 @!p0 $0x88, s6;
	s7 =	simm.s32 @p2 $0x1082  }
0x22: {  	[simem:s7], [sflag:s8] =	dma.local @!p0 [hbm:s6], $0xF7A  }
0x23: {  	s9 =	sor.u32 $0xD0000000, s2;
	s6 =	simm.s32 $0x108;
	_ =	swait.ge @!p0 [sflag:s8], $0x0  }
0x24: {  	s3 =	sadd.s32 $0x88, s3;
	s6 =	simm.s32 @!p1 $0x1082;
	[sflag:s4] =	ssyncset.s32 $0xFFFFF086  }
0x25: {  	[simem:s6], [sflag:s4] =	dma.local [hbm:s3], $0xF7A  }
0x26: {  	[smem:$0x3F9A] =	sst s1;
	(tag) =	ssettag s2;
	_ =	strace s9  }
0x27: {  	s1 =	sld [smem:$0x3FAA]  }
0x28: {  	s2 =	sld [smem:$0x3FAB]  }
0x29: {  	s4 =	sld [smem:$0x3FAD]  }
0x2a: {  	p0 =	seq.s32 s5, $0x0;
	s5 =	sld [smem:$0x3FAE]  }
0x2b: {  	s6 =	sld [smem:$0x3FAF]  }
0x2c: {  	s7 =	sld [smem:$0x3FB0]  }
0x2d: {  	s3 =	simm.s32 $0x108;
	s8 =	sld [smem:$0x3FB1]  }
0x2e: {  	s3 =	simm.s32 @!p0 $0x1082;
	s9 =	sld [smem:$0x3FB2]  }
0x2f: {  	lr =	sadd.s32 s0, s3;
	s0 =	sld [smem:$0x3FA9]  }
0x30: {  	s3 =	sld [smem:$0x3FAC]  }
0x31: {  	[smem:$0x3FB5] =	sst s10  }
0x32: {  	s10 =	sld [smem:$0x3FB3];
	_ =	sdelay $0x3  }
0x33: {  	p0 =	seq.s32 s10, $0x1;
	s10 =	sld [smem:$0x3FB5];
	_ =	sdelay $0x3  }
0x34: {  	[smem:$0x3FB5] =	sst s10  }
0x35: {  	s10 =	sld [smem:$0x3FB4];
	_ =	sdelay $0x3  }
0x36: {  	p1 =	seq.s32 s10, $0x1;
	s10 =	sld [smem:$0x3FB5];
	_ =	sdelay $0x3  }
0x37: {  	[smem:$0x3FB5] =	sst s10  }
0x38: {  	s10 =	sld [smem:$0x3FB6]  }
0x39: {  	_ = 	snop;
	(pc) =	sbr.ind lr, $3  }
0x3a: {  	_ = 	snop  }
0x3b: {  	_ = 	snop  }
0x3c: {  	p2 =	seq.s32 s10, $0x1;
	s10 =	sld [smem:$0x3FB5]  }
0x3d: {  	_ =	shalt  }
0x3e: {  	_ =	shalt  }
0x3f: {  	_ =	shalt  }
0x40: {  	_ =	shalt  }
0x41: {  	_ =	shalt  }
0x42: {  	_ =	shalt  }
0x43: {  	_ =	shalt  }
0x44: {  	_ =	shalt  }
0x45: {  	_ =	shalt  }
0x46: {  	_ =	shalt  }
0x47: {  	_ =	shalt  }
0x48: {  	_ =	shalt  }
0x49: {  	_ =	shalt  }
0x4a: {  	_ =	shalt  }
0x4b: {  	_ =	shalt  }
0x4c: {  	_ =	shalt  }
0x4d: {  	_ =	shalt  }
0x4e: {  	_ =	shalt  }
0x4f: {  	_ =	shalt  }
0x50: {  	_ =	shalt  }
0x51: {  	_ =	shalt  }
0x52: {  	_ =	shalt  }
0x53: {  	_ =	shalt  }
0x54: {  	_ =	shalt  }
0x55: {  	_ =	shalt  }
0x56: {  	_ =	shalt  }
0x57: {  	_ =	shalt  }
0x58: {  	_ =	shalt  }
0x59: {  	_ =	shalt  }
0x5a: {  	_ =	shalt  }
0x5b: {  	_ =	shalt  }
0x5c: {  	_ =	shalt  }
0x5d: {  	_ =	shalt  }
0x5e: {  	_ =	shalt  }
0x5f: {  	_ =	shalt  }
0x60: {  	_ =	shalt  }
0x61: {  	_ =	shalt  }
0x62: {  	_ =	shalt  }
0x63: {  	_ =	shalt  }
0x64: {  	_ =	shalt  }
0x65: {  	_ =	shalt  }
0x66: {  	_ =	shalt  }
0x67: {  	_ =	shalt  }
0x68: {  	_ =	shalt  }
0x69: {  	_ =	shalt  }
0x6a: {  	_ =	shalt  }
0x6b: {  	_ =	shalt  }
0x6c: {  	_ =	shalt  }
0x6d: {  	_ =	shalt  }
0x6e: {  	_ =	shalt  }
0x6f: {  	_ =	shalt  }
0x70: {  	_ =	shalt  }
0x71: {  	_ =	shalt  }
0x72: {  	_ =	shalt  }
0x73: {  	_ =	shalt  }
0x74: {  	_ =	shalt  }
0x75: {  	_ =	shalt  }
0x76: {  	_ =	shalt  }
0x77: {  	_ =	shalt  }
0x78: {  	_ =	shalt  }
0x79: {  	_ =	shalt  }
0x7a: {  	_ =	shalt  }
0x7b: {  	_ =	shalt  }
0x7c: {  	_ =	shalt  }
0x7d: {  	_ =	shalt  }
0x7e: {  	_ =	shalt  }
0x7f: {  	_ =	shalt  }
0x80: {  	_ =	shalt  }
0x81: {  	_ =	shalt  }
0x82: {  	_ =	shalt  }
0x83: {  	_ =	shalt  }
0x84: {  	_ =	shalt  }
0x85: {  	_ =	shalt  }
0x86: {  	_ =	shalt  }
0x87: {  	_ =	shalt  }
.Lfunc_end0:
.L_simem_size_0:
called_computation.2_lowered:
.L_overlay_start_0:
0x88: {  	s2 =	sld [smem:$0x3FD9]  }
0x89: {  	s3 =	sld [smem:$0x3FFE];
	_ =	sdelay $0x1  }
0x8a: {  	s1 =	srdreg.scid  }
0x8b: {  	s0 =	sand.u32 $0x1, s1  }
0x8c: {  	s16 =	sshll.u32 s0, $0xA;
	s2 =	sadd.s32 s3, s2  }
0x8d: {  	s2 =	sadd.s32 s2, s16  }
0x8e: {  	[smem:$0x3FC1] =	sst s2  }
0x8f: {  	_ = 	snop  }
0x90: {  	(tm) =	ssettm $0x1  }
0x91: {  	s17 =	sld [smem:$0x3FFB];
	_ =	sdelay $0x3  }
0x92: {  	_ =	strace s17  }
0x93: {  	s2 =	sld [smem:$0x3FFC];
	_ =	sdelay $0x3  }
0x94: {  	_ =	strace s2  }
0x95: {  	s2 =	sld [smem:$0x3FFD];
	_ =	sdelay $0x3  }
0x96: {  	_ =	strace s2  }
0x97: {  	_ =	strace $0x8FFFFFFF  }
0x98: {  	s18 =	sld [smem:$0x3FDB];
	_ =	sdelay $0x1  }
0x99: {  	s19 =	simm.s32 $_scs_section_size  }
0x9a: {  	s4 =	simm.s32 $_size__tile_overlayer_lowered;
	s5 =	simm.s32 $_tile_overlayer_lowered  }
0x9b: {  	s22 =	simm.s32 $0x1BFF;
	s21 =	sshll.u32 s5, $0x1;
	s2 =	sadd.s32 s19, s18  }
0x9c: {  	s6 =	simm.s32 $0x0;
	s20 =	sshll.u32 s4, $0x1;
	s4 =	sadd.s32 s21, s2  }
0x9d: {  	[timem:s6], [sflag:s22] =	dma.local [hbm:s4], s20  }
0x9e: {  	_ =	swait.ge [sflag:s22], s20  }
0x9f: {  	s3 =	ssub.s32 $0x0, s20;
	[sflag:s22] =	ssyncset.done $0x0  }
0xa0: {  	[sflag:s22] =	ssyncadd.s32 s3;
	_ =	sdelay $0x1  }
0xa1: {  	s23 =	simm.s32 $0x1B8B  }
0xa2: {  	_ =	swait.ge [sflag:s23], $0x1  }
0xa3: {  	[sflag:s23] =	ssyncset.done $0x0  }
0xa4: {  	s25 =	simm.s32 $0x1B8E;
	s24 =	sld [smem:$0x3FFE];
	[sflag:s23] =	ssyncadd.s32 $0xFFFFFFFF  }
0xa5: {  	s26 =	simm.s32 $execute0_lowered;
	[smem:$0x3FD2] =	sst s25  }
0xa6: {  	s4 =	sshll.u32 s26, $0x1;
	_ =	strace $0x8000004C;
	[dreg:$0x1] =	wrdreg $0xFFFFFFFF  }
0xa7: {  	s28 =	simm.s32 $_size_execute0_lowered;
	s2 =	sadd.s32 s2, s4;
	[dreg:$0x0] =	wrdreg $0x0  }
0xa8: {  	s4 =	sshll.u32 s28, $0x1;
	[dreg:$0x2] =	wrdreg s2  }
0xa9: {  	[dreg:$0x3] =	wrdreg s4  }
0xaa: {  	[dreg:$0x4] =	wrdreg $0xC0  }
0xab: {  	_ =	task [dreg:s6], $0x5FFFF  }
0xac: {  	[dreg:$0x1] =	wrdreg $0xFFFFFFFF  }
0xad: {  	[dreg:$0x0] =	wrdreg $0x60  }
0xae: {  	[dreg:$0x2] =	wrdreg s24  }
0xaf: {  	[dreg:$0x3] =	wrdreg $0xA8000  }
0xb0: {  	[dreg:$0x4] =	wrdreg $0x9  }
0xb1: {  	_ =	task.clear_ibuf [dreg:s6], $0x5FFFF;
	_ =	strace $0x9000004C  }
0xb2: {  	s29 =	simm.s32 $0x9;
	_ =	strace $0x8000004E  }
0xb3: {  	_ =	swait.ge [sflag:s29], $0x1  }
0xb4: {  	[sflag:s29] =	ssyncadd.s32 $0xFFFFFFFF  }
0xb5: {  	_ =	strace $0x9000004E  }
0xb6: {  	_ =	sfence  }
0xb7: {  	s30 =	sld [smem:$0x0];
	_ =	sdelay $0x2  }
0xb8: {  	s31 =	sshll.u32 s1, $0xD;
	s1 =	sshrl.u32 s1, $0x2  }
0xb9: {  	s3 =	sand.u32 $0x4000, s31;
	s1 =	sadd.s32 s1, s30  }
0xba: {  	s0 =	sor.u32 s3, s0;
	s1 =	sshll.u32 s1, $0x11  }
0xbb: {  	s0 =	sor.u32 s1, s0  }
0xbc: {  	s0 =	sadd.s32 $0x8F2B, s0  }
0xbd: {  	[sflag:s0] =	ssyncadd.remote.s32 $0x1  }
0xbe: {  	_ =	sfence.sel $0xFFFF  }
0xbf: {  	[dreg:$0x0] =	wrdreg $0xFFFFFFFF;
	(pc) =	sbr.abs _section_cstart, $3  }
0xc0: {  	[dreg:$0x1] =	wrdreg $0xFFFFFFFF  }
0xc1: {  	_ =	task.clear_ibuf [dreg:s6], $0x2FFFF;
	_ =	strace $0x9FFFFFFF  }
0xc2: {  	(tm) =	ssettm $0x7FFFFFFF  }
0xc3: {  	_ =	shalt  }
tec
execute0_lowered:
.L_overlay_start_1:
0x0: {  	(tag) =	ssettag $0x1  }
0x1: {  	s0 =	rddreg [dreg:$0x0]  }
0x2: {  	s1 =	rddreg [dreg:$0x1];
	s17 =	simm.s32 $0x0;
	s2 =	srdreg.scid  }
0x3: {  	s9 =	stileid.u32;
	s18 =	simm.s32 $0x9;
	s19 =	simm.s32 $0x1400  }
0x4: {  	s20 =	simm.s32 $0x40;
	s21 =	simm.s32 $0x2800;
	s28 =	simm.s32 $0x2  }
0x5: {  	s30 =	simm.s32 $0x8800;
	s11 =	simm.s32 $0x4;
	s14 =	simm.s32 $0x6  }
0x6: {  	s13 =	simm.s32 $0x280;
	s15 =	simm.s32 $0x1580;
	s16 =	simm.s32 $0x7  }
0x7: {  	[smem:$0x7FF] =	sst s17;
	s4 =	sadd.s32 $0x17000, s0;
	s5 =	sadd.s32 $0x3F000, s0  }
0x8: {  	s6 =	sadd.s32 $0xD000, s0;
	s7 =	sadd.s32 $0x2600, s0;
	s3 =	smul.u32 $0x50000, s9  }
0x9: {  	s2 =	sand.u32 $0x1, s2;
	s8 =	sadd.s32 $0x67000, s0;
	s10 =	smul.u32 $0x2800, s9  }
0xa: {  	s0 =	sadd.s32 $0x8F000, s0;
	s12 =	smul.u32 $0xA0, s9;
	s26 =	sshll.u32 s9, $0x6  }
0xb: {  	s9 =	simm.s32 $0x1500;
	_ =	strace $0x8000004D;
	[dreg:$0x4] =	wrdreg s8  }
0xc: {  	[dreg:$0x5] =	wrdreg s0;
	s22 =	ssub.s32 $0x2, s2;
	p0 =	seq.s32 s2, $0x1  }
0xd: {  	[dreg:$0x8] =	wrdreg s26;
	s31 =	sor.u32 $0x1C09, s26;
	s26 =	simm.s32 $0x6800  }
0xe: {  	s8 =	simm.s32 $0x200;
	s23 =	sshrl.u32 s22, $0x1;
	s3 =	sshrl.u32 s3, $0x2  }
0xf: {  	s25 =	sadd.s32 s4, s10;
	[dreg:$0x6] =	wrdreg s10;
	s29 =	sadd.s32 s5, s10  }
.Ltmp0:
0x10: {  	[dreg:$0xb] =	wrdreg s31;
	s10 =	simm.s32 $0x8;
	(pc) =	sbr.rel .LBB2_1-.Ltmp0, $4  }
0x11: {  	s0 =	ssub.s32 s22, s23;
	s24 =	sadd.s32 s3, s1;
	[dreg:$0x7] =	wrdreg s25  }
0x12: {  	[dreg:$0x9] =	wrdreg s29;
	s23 =	simm.s32 $0x4800;
	s0 =	smax.u32 s0, $0x1  }
0x13: {  	s3 =	simm.s32 $0x5;
	s22 =	sshrl.u32 s24, $0x3;
	[dreg:$0xa] =	wrdreg s0  }
0x14: {  	s24 =	simm.s32 $0x1;
	s0 =	simm.s32 $0x3;
	[dreg:$0xc] =	wrdreg s22  }
.LBB2_13:
0x15: {  	s2 =	rddreg [dreg:$0x5]  }
0x16: {  	s25 =	rddreg [dreg:$0xb]  }
0x17: {  	s17 =	rddreg [dreg:$0x3]  }
.LBB2_14:
0x18: {  	s22 =	rddreg [dreg:$0x6];
	[bflag:$0x0] =	sbarrier.arrive $0xFFFF  }
0x19: {  	s2 =	sadd.s32 s2, s22;
	s22 =	rddreg [dreg:$0xc]  }
0x1a: {  	[hbm:s2], [sflag:s25] =	dma.local [spmem:s22], $0x2800  }
0x1b: {  	_ =	swait.ge [sflag:s18], $0x2800  }
0x1c: {  	s17 =	sadd.s32 $0x1, s17;
	s31 =	rddreg [dreg:$0xa]  }
0x1d: {  	p1 =	sne.s32 s17, s31  }
.Ltmp1:
0x1e: {  	_ = 	snop;
	(pc) =	sbr.rel @!p1 .LBB2_15-.Ltmp1, $3  }
0x1f: {  	_ =	sdelay $0x1  }
0x20: {  	[sflag:s18] =	ssyncset.done $0x0  }
0x21: {  	[sflag:s18] =	ssyncadd.s32 $0xFFFFD800  }
.LBB2_1:
.Ltmp2:
0x22: {  	(pc) =	sbr.rel @!p0 .LBB2_2-.Ltmp2, $2  }
0x23: {  	_ =	sdelay $0x2  }
0x24: {  	[dreg:$0x3] =	wrdreg s17  }
0x25: {  	s2 =	rddreg [dreg:$0x9]  }
0x26: {  	s17 =	rddreg [dreg:$0xb]  }
0x27: {  	[spmem:s22], [sflag:s17] =	dma.local [hbm:s2], $0x2800  }
.Ltmp3:
0x28: {  	_ =	swait.ge [sflag:s18], $0x2800;
	(pc) =	sbr.rel .LBB2_9-.Ltmp3, $4  }
0x29: {  	[sflag:s18] =	ssyncset.done $0x0  }
0x2a: {  	[sflag:s18] =	ssyncadd.s32 $0xFFFFD800  }
0x2b: {  	[bflag:$0x0] =	sbarrier.arrive $0xFFFF  }
0x2c: {  	s17 =	simm.s32 $0x0;
	s2 =	simm.s32 $0x0  }
.LBB2_12:
0x2d: {  	[spmem:s1] =	stream.indirect.scatter.add.f32 [tilespmem:s26], [sflag:$0x7], $0x80, s29, s20, $0xb8;
	[tilespmem:$0x1E800] =	vst v63  }
0x2e: {  	_ =	swait.ge [sflag:s11], $0x2000  }
0x2f: {  	[sflag:s11] =	ssyncset.done $0x0  }
0x30: {  	[sflag:s11] =	ssyncadd.s32 $0xFFFFE000  }
0x31: {  	_ =	swait.ge [sflag:s14], $0x2000  }
0x32: {  	[sflag:s14] =	ssyncset.done $0x0  }
0x33: {  	s22 =	sadd.s32 $0x1780, s25;
	s2 =	sadd.s32 $0x1, s2;
	[sflag:s14] =	ssyncadd.s32 $0xFFFFE000  }
0x34: {  	[spmem:s1] =	stream.indirect.scatter.add.f32 [tilespmem:s30], [sflag:$0x8], $0x80, s22, s20, $0xb8;
	[tilespmem:$0x1E800] =	vst v63  }
0x35: {  	p1 =	sne.s32 s2, $0x4;
	_ =	swait.ge [sflag:s16], $0x2000  }
.Ltmp4:
0x36: {  	[sflag:s16] =	ssyncset.done $0x0;
	(pc) =	sbr.rel @!p1 .LBB2_13-.Ltmp4, $4  }
0x37: {  	[sflag:s16] =	ssyncadd.s32 $0xFFFFE000  }
0x38: {  	_ =	swait.ge [sflag:s10], $0x2000  }
0x39: {  	[sflag:s10] =	ssyncset.done $0x0  }
0x3a: {  	[sflag:s10] =	ssyncadd.s32 $0xFFFFE000  }
.LBB2_9:
0x3b: {  	s22 =	smul.u32 $0x28, s2;
	_ =	sdelay $0x1  }
0x3c: {  	s22 =	sadd.s32 s12, s22  }
0x3d: {  	s22 =	sshll.u32 s22, $0x4  }
0x3e: {  	s25 =	sadd.s32 s6, s22  }
0x3f: {  	[tilespmem:s17], [sflag:$0x9] =	stream.linear.gather [hbm4b:s25+s17], $0x1400, $0x38;
	[tilespmem:$0x1E800] =	vst v63  }
0x40: {  	_ =	swait.ge [sflag:s18], $0x1400  }
0x41: {  	[sflag:s18] =	ssyncset.done $0x0  }
0x42: {  	s22 =	sadd.s32 s7, s22;
	[sflag:s18] =	ssyncadd.s32 $0xFFFFEC00  }
0x43: {  	[tilespmem:s19], [sflag:$0x9] =	stream.linear.gather [hbm4b:s22+s17], $0x1400, $0x38;
	[tilespmem:$0x1E800] =	vst v63  }
0x44: {  	_ =	swait.ge [sflag:s18], $0x1400  }
0x45: {  	[sflag:s18] =	ssyncset.done $0x0  }
0x46: {  	[sflag:s18] =	ssyncadd.s32 $0xFFFFEC00  }
0x47: {  	[tilespmem:s21], [sflag:$0x1] =	stream.indirect.gather [hbm4b:s5+s20], $0x80, s17, s20, $0xb8;
	[tilespmem:$0x1E800] =	vst v63  }
0x48: {  	s31 =	simm.s32 $0x80  }
0x49: {  	[tilespmem:s23], [sflag:$0x2] =	stream.indirect.gather [hbm4b:s5+s20], $0x80, s31, s20, $0xb8;
	[tilespmem:$0x1E800] =	vst v63  }
0x4a: {  	_ =	swait.ge [sflag:s24], $0x2000  }
0x4b: {  	[sflag:s24] =	ssyncset.done $0x0  }
0x4c: {  	s25 =	simm.s32 $0x100;
	[sflag:s24] =	ssyncadd.s32 $0xFFFFE000  }
0x4d: {  	[tilespmem:s26], [sflag:$0x3] =	stream.indirect.gather [hbm4b:s5+s20], $0x80, s25, s20, $0xb8;
	[tilespmem:$0x1E800] =	vst v63  }
0x4e: {  	_ = 	snop  }
0x4f: {  	[spmem:s1] =	stream.indirect.scatter.add.f32 [tilespmem:s21], [sflag:$0x5], $0x80, s19, s20, $0xb8;
	[tilespmem:$0x1E800] =	vst v63  }
0x50: {  	_ =	swait.ge [sflag:s28], $0x2000  }
0x51: {  	[sflag:s28] =	ssyncset.done $0x0  }
0x52: {  	s29 =	simm.s32 $0x180;
	[sflag:s28] =	ssyncadd.s32 $0xFFFFE000  }
0x53: {  	[tilespmem:s30], [sflag:$0x4] =	stream.indirect.gather [hbm4b:s5+s20], $0x80, s29, s20, $0xb8;
	[tilespmem:$0x1E800] =	vst v63  }
0x54: {  	s31 =	simm.s32 $0x1480  }
0x55: {  	[spmem:s1] =	stream.indirect.scatter.add.f32 [tilespmem:s23], [sflag:$0x6], $0x80, s31, s20, $0xb8;
	[tilespmem:$0x1E800] =	vst v63  }
0x56: {  	_ =	swait.ge [sflag:s0], $0x2000  }
0x57: {  	[sflag:s0] =	ssyncset.done $0x0  }
0x58: {  	[sflag:s0] =	ssyncadd.s32 $0xFFFFE000  }
0x59: {  	_ =	swait.ge [sflag:s3], $0x2000  }
0x5a: {  	[sflag:s3] =	ssyncset.done $0x0  }
0x5b: {  	[sflag:s3] =	ssyncadd.s32 $0xFFFFE000  }
0x5c: {  	[tilespmem:s21], [sflag:$0x1] =	stream.indirect.gather [hbm4b:s5+s20], $0x80, s8, s20, $0xb8;
	[tilespmem:$0x1E800] =	vst v63  }
0x5d: {  	_ = 	snop  }
0x5e: {  	[spmem:s1] =	stream.indirect.scatter.add.f32 [tilespmem:s26], [sflag:$0x7], $0x80, s9, s20, $0xb8;
	[tilespmem:$0x1E800] =	vst v63  }
0x5f: {  	_ =	swait.ge [sflag:s11], $0x2000  }
0x60: {  	[sflag:s11] =	ssyncset.done $0x0  }
0x61: {  	[sflag:s11] =	ssyncadd.s32 $0xFFFFE000  }
0x62: {  	_ =	swait.ge [sflag:s14], $0x2000  }
0x63: {  	[sflag:s14] =	ssyncset.done $0x0  }
0x64: {  	[sflag:s14] =	ssyncadd.s32 $0xFFFFE000  }
0x65: {  	[tilespmem:s23], [sflag:$0x2] =	stream.indirect.gather [hbm4b:s5+s20], $0x80, s13, s20, $0xb8;
	[tilespmem:$0x1E800] =	vst v63  }
0x66: {  	s22 =	simm.s32 $0x0  }
0x67: {  	[spmem:s1] =	stream.indirect.scatter.add.f32 [tilespmem:s30], [sflag:$0x8], $0x80, s15, s20, $0xb8;
	[tilespmem:$0x1E800] =	vst v63  }
.LBB2_10:
0x68: {  	_ =	swait.ge [sflag:s24], $0x2000  }
0x69: {  	[sflag:s24] =	ssyncset.done $0x0  }
0x6a: {  	[sflag:s24] =	ssyncadd.s32 $0xFFFFE000  }
0x6b: {  	_ =	swait.ge [sflag:s16], $0x2000  }
0x6c: {  	s25 =	sshra.s32 s22, $0x2;
	[sflag:s16] =	ssyncset.done $0x0  }
0x6d: {  	s29 =	sadd.s32 $0x300, s25;
	[sflag:s16] =	ssyncadd.s32 $0xFFFFE000  }
0x6e: {  	[tilespmem:s26], [sflag:$0x3] =	stream.indirect.gather [hbm4b:s5+s20], $0x80, s29, s20, $0xb8;
	[tilespmem:$0x1E800] =	vst v63  }
0x6f: {  	s29 =	sadd.s32 $0x1600, s25  }
0x70: {  	[spmem:s1] =	stream.indirect.scatter.add.f32 [tilespmem:s21], [sflag:$0x5], $0x80, s29, s20, $0xb8;
	[tilespmem:$0x1E800] =	vst v63  }
0x71: {  	_ =	swait.ge [sflag:s28], $0x2000  }
0x72: {  	[sflag:s28] =	ssyncset.done $0x0  }
0x73: {  	[sflag:s28] =	ssyncadd.s32 $0xFFFFE000  }
0x74: {  	_ =	swait.ge [sflag:s10], $0x2000  }
0x75: {  	[sflag:s10] =	ssyncset.done $0x0  }
0x76: {  	s29 =	sadd.s32 $0x380, s25;
	[sflag:s10] =	ssyncadd.s32 $0xFFFFE000  }
0x77: {  	[tilespmem:s30], [sflag:$0x4] =	stream.indirect.gather [hbm4b:s5+s20], $0x80, s29, s20, $0xb8;
	[tilespmem:$0x1E800] =	vst v63  }
0x78: {  	s29 =	sadd.s32 $0x1680, s25  }
0x79: {  	[spmem:s1] =	stream.indirect.scatter.add.f32 [tilespmem:s23], [sflag:$0x6], $0x80, s29, s20, $0xb8;
	[tilespmem:$0x1E800] =	vst v63  }
0x7a: {  	p1 =	seq.s32 s22, $0x4000;
	_ =	swait.ge [sflag:s0], $0x2000  }
.Ltmp5:
0x7b: {  	[sflag:s0] =	ssyncset.done $0x0;
	(pc) =	sbr.rel @p1 .LBB2_12-.Ltmp5, $4  }
0x7c: {  	[sflag:s0] =	ssyncadd.s32 $0xFFFFE000  }
0x7d: {  	_ =	swait.ge [sflag:s3], $0x2000  }
0x7e: {  	[sflag:s3] =	ssyncset.done $0x0  }
0x7f: {  	s29 =	sadd.s32 $0x1700, s25;
	[sflag:s3] =	ssyncadd.s32 $0xFFFFE000  }
0x80: {  	s31 =	sadd.s32 $0x400, s25  }
0x81: {  	[tilespmem:s21], [sflag:$0x1] =	stream.indirect.gather [hbm4b:s5+s20], $0x80, s31, s20, $0xb8;
	[tilespmem:$0x1E800] =	vst v63  }
0x82: {  	_ = 	snop  }
0x83: {  	[spmem:s1] =	stream.indirect.scatter.add.f32 [tilespmem:s26], [sflag:$0x7], $0x80, s29, s20, $0xb8;
	[tilespmem:$0x1E800] =	vst v63  }
0x84: {  	_ =	swait.ge [sflag:s11], $0x2000  }
0x85: {  	[sflag:s11] =	ssyncset.done $0x0  }
0x86: {  	[sflag:s11] =	ssyncadd.s32 $0xFFFFE000  }
0x87: {  	_ =	swait.ge [sflag:s14], $0x2000  }
.Ltmp6:
0x88: {  	[sflag:s14] =	ssyncset.done $0x0;
	(pc) =	sbr.rel .LBB2_10-.Ltmp6, $4  }
0x89: {  	s31 =	sadd.s32 $0x480, s25;
	[sflag:s14] =	ssyncadd.s32 $0xFFFFE000  }
0x8a: {  	[tilespmem:s23], [sflag:$0x2] =	stream.indirect.gather [hbm4b:s5+s20], $0x80, s31, s20, $0xb8;
	[tilespmem:$0x1E800] =	vst v63  }
0x8b: {  	s22 =	sadd.s32 $0x800, s22;
	s31 =	sadd.s32 $0x1780, s25  }
0x8c: {  	[spmem:s1] =	stream.indirect.scatter.add.f32 [tilespmem:s30], [sflag:$0x8], $0x80, s31, s20, $0xb8;
	[tilespmem:$0x1E800] =	vst v63  }
.LBB2_2:
0x8d: {  	s2 =	rddreg [dreg:$0x8]  }
0x8e: {  	s31 =	rddreg [dreg:$0x7];
	s17 =	sor.u32 $0x1C09, s2  }
0x8f: {  	[dreg:$0xd] =	wrdreg s17  }
0x90: {  	[spmem:s22], [sflag:s17] =	dma.local [hbm:s31], $0x2800  }
.Ltmp7:
0x91: {  	_ =	swait.ge [sflag:s18], $0x2800;
	(pc) =	sbr.rel .LBB2_3-.Ltmp7, $4  }
0x92: {  	[sflag:s18] =	ssyncset.done $0x0  }
0x93: {  	[sflag:s18] =	ssyncadd.s32 $0xFFFFD800  }
0x94: {  	[bflag:$0x0] =	sbarrier.arrive $0xFFFF  }
0x95: {  	s2 =	simm.s32 $0x0;
	s17 =	simm.s32 $0x0  }
.LBB2_6:
0x96: {  	[spmem:s1] =	stream.indirect.scatter.add.f32 [tilespmem:s26], [sflag:$0x7], $0x80, s29, s20, $0xb8;
	[tilespmem:$0x1E800] =	vst v63  }
0x97: {  	_ =	swait.ge [sflag:s11], $0x2000  }
0x98: {  	[sflag:s11] =	ssyncset.done $0x0  }
0x99: {  	[sflag:s11] =	ssyncadd.s32 $0xFFFFE000  }
0x9a: {  	_ =	swait.ge [sflag:s14], $0x2000  }
0x9b: {  	[sflag:s14] =	ssyncset.done $0x0  }
0x9c: {  	s22 =	sadd.s32 $0x1780, s25;
	s2 =	sadd.s32 $0x1, s2;
	[sflag:s14] =	ssyncadd.s32 $0xFFFFE000  }
0x9d: {  	[spmem:s1] =	stream.indirect.scatter.add.f32 [tilespmem:s30], [sflag:$0x8], $0x80, s22, s20, $0xb8;
	[tilespmem:$0x1E800] =	vst v63  }
0x9e: {  	p1 =	seq.s32 s2, $0x4;
	_ =	swait.ge [sflag:s16], $0x2000  }
.Ltmp8:
0x9f: {  	[sflag:s16] =	ssyncset.done $0x0;
	(pc) =	sbr.rel @p1 .LBB2_7-.Ltmp8, $4  }
0xa0: {  	[sflag:s16] =	ssyncadd.s32 $0xFFFFE000  }
0xa1: {  	_ =	swait.ge [sflag:s10], $0x2000  }
0xa2: {  	[sflag:s10] =	ssyncset.done $0x0  }
0xa3: {  	[sflag:s10] =	ssyncadd.s32 $0xFFFFE000  }
.LBB2_3:
0xa4: {  	s22 =	smul.u32 $0x28, s2;
	_ =	sdelay $0x1  }
0xa5: {  	s22 =	sadd.s32 s12, s22  }
0xa6: {  	s22 =	sshll.u32 s22, $0x4  }
0xa7: {  	s25 =	sadd.s32 s6, s22  }
0xa8: {  	[tilespmem:s17], [sflag:$0x9] =	stream.linear.gather [hbm4b:s25+s17], $0x1400, $0x38;
	[tilespmem:$0x1E800] =	vst v63  }
0xa9: {  	_ =	swait.ge [sflag:s18], $0x1400  }
0xaa: {  	[sflag:s18] =	ssyncset.done $0x0  }
0xab: {  	s22 =	sadd.s32 s7, s22;
	[sflag:s18] =	ssyncadd.s32 $0xFFFFEC00  }
0xac: {  	[tilespmem:s19], [sflag:$0x9] =	stream.linear.gather [hbm4b:s22+s17], $0x1400, $0x38;
	[tilespmem:$0x1E800] =	vst v63  }
0xad: {  	_ =	swait.ge [sflag:s18], $0x1400  }
0xae: {  	[sflag:s18] =	ssyncset.done $0x0  }
0xaf: {  	[sflag:s18] =	ssyncadd.s32 $0xFFFFEC00  }
0xb0: {  	[tilespmem:s21], [sflag:$0x1] =	stream.indirect.gather [hbm4b:s4+s20], $0x80, s17, s20, $0xb8;
	[tilespmem:$0x1E800] =	vst v63  }
0xb1: {  	s31 =	simm.s32 $0x80  }
0xb2: {  	[tilespmem:s23], [sflag:$0x2] =	stream.indirect.gather [hbm4b:s4+s20], $0x80, s31, s20, $0xb8;
	[tilespmem:$0x1E800] =	vst v63  }
0xb3: {  	_ =	swait.ge [sflag:s24], $0x2000  }
0xb4: {  	[sflag:s24] =	ssyncset.done $0x0  }
0xb5: {  	s25 =	simm.s32 $0x100;
	[sflag:s24] =	ssyncadd.s32 $0xFFFFE000  }
0xb6: {  	[tilespmem:s26], [sflag:$0x3] =	stream.indirect.gather [hbm4b:s4+s20], $0x80, s25, s20, $0xb8;
	[tilespmem:$0x1E800] =	vst v63  }
0xb7: {  	_ = 	snop  }
0xb8: {  	[spmem:s1] =	stream.indirect.scatter.add.f32 [tilespmem:s21], [sflag:$0x5], $0x80, s19, s20, $0xb8;
	[tilespmem:$0x1E800] =	vst v63  }
0xb9: {  	_ =	swait.ge [sflag:s28], $0x2000  }
0xba: {  	[sflag:s28] =	ssyncset.done $0x0  }
0xbb: {  	s29 =	simm.s32 $0x180;
	[sflag:s28] =	ssyncadd.s32 $0xFFFFE000  }
0xbc: {  	[tilespmem:s30], [sflag:$0x4] =	stream.indirect.gather [hbm4b:s4+s20], $0x80, s29, s20, $0xb8;
	[tilespmem:$0x1E800] =	vst v63  }
0xbd: {  	s31 =	simm.s32 $0x1480  }
0xbe: {  	[spmem:s1] =	stream.indirect.scatter.add.f32 [tilespmem:s23], [sflag:$0x6], $0x80, s31, s20, $0xb8;
	[tilespmem:$0x1E800] =	vst v63  }
0xbf: {  	_ =	swait.ge [sflag:s0], $0x2000  }
0xc0: {  	[sflag:s0] =	ssyncset.done $0x0  }
0xc1: {  	[sflag:s0] =	ssyncadd.s32 $0xFFFFE000  }
0xc2: {  	_ =	swait.ge [sflag:s3], $0x2000  }
0xc3: {  	[sflag:s3] =	ssyncset.done $0x0  }
0xc4: {  	[sflag:s3] =	ssyncadd.s32 $0xFFFFE000  }
0xc5: {  	[tilespmem:s21], [sflag:$0x1] =	stream.indirect.gather [hbm4b:s4+s20], $0x80, s8, s20, $0xb8;
	[tilespmem:$0x1E800] =	vst v63  }
0xc6: {  	_ = 	snop  }
0xc7: {  	[spmem:s1] =	stream.indirect.scatter.add.f32 [tilespmem:s26], [sflag:$0x7], $0x80, s9, s20, $0xb8;
	[tilespmem:$0x1E800] =	vst v63  }
0xc8: {  	_ =	swait.ge [sflag:s11], $0x2000  }
0xc9: {  	[sflag:s11] =	ssyncset.done $0x0  }
0xca: {  	[sflag:s11] =	ssyncadd.s32 $0xFFFFE000  }
0xcb: {  	_ =	swait.ge [sflag:s14], $0x2000  }
0xcc: {  	[sflag:s14] =	ssyncset.done $0x0  }
0xcd: {  	[sflag:s14] =	ssyncadd.s32 $0xFFFFE000  }
0xce: {  	[tilespmem:s23], [sflag:$0x2] =	stream.indirect.gather [hbm4b:s4+s20], $0x80, s13, s20, $0xb8;
	[tilespmem:$0x1E800] =	vst v63  }
0xcf: {  	s22 =	simm.s32 $0x0  }
0xd0: {  	[spmem:s1] =	stream.indirect.scatter.add.f32 [tilespmem:s30], [sflag:$0x8], $0x80, s15, s20, $0xb8;
	[tilespmem:$0x1E800] =	vst v63  }
.LBB2_4:
0xd1: {  	_ =	swait.ge [sflag:s24], $0x2000  }
0xd2: {  	[sflag:s24] =	ssyncset.done $0x0  }
0xd3: {  	[sflag:s24] =	ssyncadd.s32 $0xFFFFE000  }
0xd4: {  	_ =	swait.ge [sflag:s16], $0x2000  }
0xd5: {  	s25 =	sshra.s32 s22, $0x2;
	[sflag:s16] =	ssyncset.done $0x0  }
0xd6: {  	s29 =	sadd.s32 $0x300, s25;
	[sflag:s16] =	ssyncadd.s32 $0xFFFFE000  }
0xd7: {  	[tilespmem:s26], [sflag:$0x3] =	stream.indirect.gather [hbm4b:s4+s20], $0x80, s29, s20, $0xb8;
	[tilespmem:$0x1E800] =	vst v63  }
0xd8: {  	s29 =	sadd.s32 $0x1600, s25  }
0xd9: {  	[spmem:s1] =	stream.indirect.scatter.add.f32 [tilespmem:s21], [sflag:$0x5], $0x80, s29, s20, $0xb8;
	[tilespmem:$0x1E800] =	vst v63  }
0xda: {  	_ =	swait.ge [sflag:s28], $0x2000  }
0xdb: {  	[sflag:s28] =	ssyncset.done $0x0  }
0xdc: {  	[sflag:s28] =	ssyncadd.s32 $0xFFFFE000  }
0xdd: {  	_ =	swait.ge [sflag:s10], $0x2000  }
0xde: {  	[sflag:s10] =	ssyncset.done $0x0  }
0xdf: {  	s29 =	sadd.s32 $0x380, s25;
	[sflag:s10] =	ssyncadd.s32 $0xFFFFE000  }
0xe0: {  	[tilespmem:s30], [sflag:$0x4] =	stream.indirect.gather [hbm4b:s4+s20], $0x80, s29, s20, $0xb8;
	[tilespmem:$0x1E800] =	vst v63  }
0xe1: {  	s29 =	sadd.s32 $0x1680, s25  }
0xe2: {  	[spmem:s1] =	stream.indirect.scatter.add.f32 [tilespmem:s23], [sflag:$0x6], $0x80, s29, s20, $0xb8;
	[tilespmem:$0x1E800] =	vst v63  }
0xe3: {  	p1 =	seq.s32 s22, $0x4000;
	_ =	swait.ge [sflag:s0], $0x2000  }
.Ltmp9:
0xe4: {  	[sflag:s0] =	ssyncset.done $0x0;
	(pc) =	sbr.rel @p1 .LBB2_6-.Ltmp9, $4  }
0xe5: {  	[sflag:s0] =	ssyncadd.s32 $0xFFFFE000  }
0xe6: {  	_ =	swait.ge [sflag:s3], $0x2000  }
0xe7: {  	[sflag:s3] =	ssyncset.done $0x0  }
0xe8: {  	s29 =	sadd.s32 $0x1700, s25;
	[sflag:s3] =	ssyncadd.s32 $0xFFFFE000  }
0xe9: {  	s31 =	sadd.s32 $0x400, s25  }
0xea: {  	[tilespmem:s21], [sflag:$0x1] =	stream.indirect.gather [hbm4b:s4+s20], $0x80, s31, s20, $0xb8;
	[tilespmem:$0x1E800] =	vst v63  }
0xeb: {  	_ = 	snop  }
0xec: {  	[spmem:s1] =	stream.indirect.scatter.add.f32 [tilespmem:s26], [sflag:$0x7], $0x80, s29, s20, $0xb8;
	[tilespmem:$0x1E800] =	vst v63  }
0xed: {  	_ =	swait.ge [sflag:s11], $0x2000  }
0xee: {  	[sflag:s11] =	ssyncset.done $0x0  }
0xef: {  	[sflag:s11] =	ssyncadd.s32 $0xFFFFE000  }
0xf0: {  	_ =	swait.ge [sflag:s14], $0x2000  }
.Ltmp10:
0xf1: {  	[sflag:s14] =	ssyncset.done $0x0;
	(pc) =	sbr.rel .LBB2_4-.Ltmp10, $4  }
0xf2: {  	s31 =	sadd.s32 $0x480, s25;
	[sflag:s14] =	ssyncadd.s32 $0xFFFFE000  }
0xf3: {  	[tilespmem:s23], [sflag:$0x2] =	stream.indirect.gather [hbm4b:s4+s20], $0x80, s31, s20, $0xb8;
	[tilespmem:$0x1E800] =	vst v63  }
0xf4: {  	s22 =	sadd.s32 $0x800, s22;
	s31 =	sadd.s32 $0x1780, s25  }
0xf5: {  	[spmem:s1] =	stream.indirect.scatter.add.f32 [tilespmem:s30], [sflag:$0x8], $0x80, s31, s20, $0xb8;
	[tilespmem:$0x1E800] =	vst v63  }
.LBB2_7:
.Ltmp11:
0xf6: {  	(pc) =	sbr.rel .LBB2_14-.Ltmp11, $4  }
0xf7: {  	_ = 	snop  }
0xf8: {  	s2 =	rddreg [dreg:$0x4]  }
0xf9: {  	s17 =	rddreg [dreg:$0x3]  }
0xfa: {  	s25 =	rddreg [dreg:$0xd]  }
.LBB2_15:
0xfb: {  	_ =	sfence.sel $0x180000  }
0xfc: {  	[bflag:$0x0] =	sbarrier.arrive $0xFFFF  }
0xfd: {  	_ =	strace $0x9000004D  }
0xfe: {  	s0 =	stileid.u32;
	[bflag:$0x2] =	sbarrier.arrive $0xFFFF  }
0xff: {  	p0 =	sne.s32 s0, $0x0;
	s0 =	rddreg [dreg:$0x2]  }
0x100: {  	s0 =	sadd.s32 @!p0 $0x100000, s0  }
0x101: {  	[sflag:s0] =	ssyncadd.tile.s32 @!p0 $0x1;
	_ =	shalt  }
.Lfunc_end2:
_tile_overlayer_lowered:
.L_overlay_start_2:
0x102: {  	(tag) =	ssettag $0x2  }
0x103: {  	s0 =	rddreg [dreg:$0x0];
	s2 =	stileid.u32  }
0x104: {  	s1 =	rddreg [dreg:$0x1];
	p0 =	sne.s32 s2, $0x0  }
0x105: {  	s3 =	rddreg [dreg:$0x2];
	[bflag:$0x3] =	sbarrier.arrive $0xFFFF;
	s2 =	simm.s32 @!p0 $0x1C09  }
0x106: {  	[timem:s3], [sflag:s2] =	dma.local @!p0 [hbm:s0], s1  }
0x107: {  	s0 =	simm.s32 @!p0 $0x9  }
0x108: {  	_ =	swait.ge @!p0 [sflag:s0], s1  }
0x109: {  	s1 =	ssub.s32 @!p0 $0x0, s1;
	[sflag:s0] =	ssyncset.done @!p0 $0x0  }
0x10a: {  	[sflag:s0] =	ssyncadd.s32 @!p0 s1  }
0x10b: {  	[bflag:$0x3] =	sbarrier.arrive $0xFFFF  }
0x10c: {  	_ =	shalt  }

// kernel: kernel.8.cloned.1.call-start
scs
__scs_entry_jumppad:
0x0: {  	(pc) =	sbr.rel $0x88, $3  }
0x1: {  	(tag) =	ssettag $0x0;
	lr =	simm.s32 $0x1  }
0x2: {  	[smem:$0x3F9A] =	sst lr;
	_ =	strace $0xD0000000  }
0x3: {  	_ = 	snop  }
0x4: {  	_ = 	snop  }
0x5: {  	_ = 	snop  }
0x6: {  	_ = 	snop  }
0x7: {  	_ = 	snop  }
__scs_overlays_trampoline_lowered:
0x8: {  	[smem:$0x3FA9] =	sst s0  }
0x9: {  	[smem:$0x3FAA] =	sst s1  }
0xa: {  	[smem:$0x3FAB] =	sst s2  }
0xb: {  	[smem:$0x3FAC] =	sst s3  }
0xc: {  	[smem:$0x3FAD] =	sst s4  }
0xd: {  	[smem:$0x3FAE] =	sst s5  }
0xe: {  	[smem:$0x3FAF] =	sst s6  }
0xf: {  	[smem:$0x3FB0] =	sst s7  }
0x10: {  	[smem:$0x3FB1] =	sst s8  }
0x11: {  	[smem:$0x3FB2] =	sst s9;
	s0 =	simm.s32 @!p0 $0x0  }
0x12: {  	s1 =	sld [smem:$0x3F98];
	s0 =	simm.s32 @p0 $0x1  }
0x13: {  	[smem:$0x3FB3] =	sst s0;
	s0 =	simm.s32 @!p1 $0x0  }
0x14: {  	s2 =	sld [smem:$0x3F97];
	s0 =	simm.s32 @p1 $0x1  }
0x15: {  	[smem:$0x3FB4] =	sst s0;
	s0 =	simm.s32 @!p2 $0x0  }
0x16: {  	s3 =	sld [smem:$0x3FDB];
	s0 =	simm.s32 @p2 $0x1  }
0x17: {  	s4 =	simm.s32 $0x1BF5;
	[smem:$0x3FB6] =	sst s0  }
0x18: {  	s0 =	sld [smem:$0x3F99];
	_ =	swait.ge [sflag:s4], $0x0  }
0x19: {  	s7 =	sld [smem:$0x3F9A]  }
0x1a: {  	s8 =	sadd.s32 $0xFFFFE003, lr  }
0x1b: {  	s9 =	sadd.s32 $0xFFFFFEF7, lr;
	s5 =	simm.s32 $0xFFFFFFFF;
	p2 =	slt.u32 s8, $0xFFFFF086  }
0x1c: {  	p1 =	slt.u32 s9, $0xF7A;
	s5 =	simm.s32 @!p2 $0x0  }
0x1d: {  	s5 =	simm.s32 @p1 $0x1;
	p0 =	seq.s32 s7, s2  }
0x1e: {  	s7 =	smul.u32 @!p0 $0xF7A, s2;
	p2 =	seq.s32 @!p0 s5, $0x0  }
0x1f: {  	s9 =	smul.u32 $0xF7A, s1;
	s8 =	simm.s32 @!p0 $0x1BF5;
	p2 =	por !p2, p0  }
0x20: {  	[sflag:s8] =	ssyncset.s32 @!p0 $0xFFFFF086;
	s6 =	sadd.s32 @!p0 s3, s7;
	s7 =	simm.s32 @!p0 $0x108  }
0x21: {  	s3 =	sadd.s32 s3, s9;
	s6 =	sadd.s32 @!p0 $0x88, s6;
	s7 =	simm.s32 @p2 $0x1082  }
0x22: {  	[simem:s7], [sflag:s8] =	dma.local @!p0 [hbm:s6], $0xF7A  }
0x23: {  	s9 =	sor.u32 $0xD0000000, s2;
	s6 =	simm.s32 $0x108;
	_ =	swait.ge @!p0 [sflag:s8], $0x0  }
0x24: {  	s3 =	sadd.s32 $0x88, s3;
	s6 =	simm.s32 @!p1 $0x1082;
	[sflag:s4] =	ssyncset.s32 $0xFFFFF086  }
0x25: {  	[simem:s6], [sflag:s4] =	dma.local [hbm:s3], $0xF7A  }
0x26: {  	[smem:$0x3F9A] =	sst s1;
	(tag) =	ssettag s2;
	_ =	strace s9  }
0x27: {  	s1 =	sld [smem:$0x3FAA]  }
0x28: {  	s2 =	sld [smem:$0x3FAB]  }
0x29: {  	s4 =	sld [smem:$0x3FAD]  }
0x2a: {  	p0 =	seq.s32 s5, $0x0;
	s5 =	sld [smem:$0x3FAE]  }
0x2b: {  	s6 =	sld [smem:$0x3FAF]  }
0x2c: {  	s7 =	sld [smem:$0x3FB0]  }
0x2d: {  	s3 =	simm.s32 $0x108;
	s8 =	sld [smem:$0x3FB1]  }
0x2e: {  	s3 =	simm.s32 @!p0 $0x1082;
	s9 =	sld [smem:$0x3FB2]  }
0x2f: {  	lr =	sadd.s32 s0, s3;
	s0 =	sld [smem:$0x3FA9]  }
0x30: {  	s3 =	sld [smem:$0x3FAC]  }
0x31: {  	[smem:$0x3FB5] =	sst s10  }
0x32: {  	s10 =	sld [smem:$0x3FB3];
	_ =	sdelay $0x3  }
0x33: {  	p0 =	seq.s32 s10, $0x1;
	s10 =	sld [smem:$0x3FB5];
	_ =	sdelay $0x3  }
0x34: {  	[smem:$0x3FB5] =	sst s10  }
0x35: {  	s10 =	sld [smem:$0x3FB4];
	_ =	sdelay $0x3  }
0x36: {  	p1 =	seq.s32 s10, $0x1;
	s10 =	sld [smem:$0x3FB5];
	_ =	sdelay $0x3  }
0x37: {  	[smem:$0x3FB5] =	sst s10  }
0x38: {  	s10 =	sld [smem:$0x3FB6]  }
0x39: {  	_ = 	snop;
	(pc) =	sbr.ind lr, $3  }
0x3a: {  	_ = 	snop  }
0x3b: {  	_ = 	snop  }
0x3c: {  	p2 =	seq.s32 s10, $0x1;
	s10 =	sld [smem:$0x3FB5]  }
0x3d: {  	_ =	shalt  }
0x3e: {  	_ =	shalt  }
0x3f: {  	_ =	shalt  }
0x40: {  	_ =	shalt  }
0x41: {  	_ =	shalt  }
0x42: {  	_ =	shalt  }
0x43: {  	_ =	shalt  }
0x44: {  	_ =	shalt  }
0x45: {  	_ =	shalt  }
0x46: {  	_ =	shalt  }
0x47: {  	_ =	shalt  }
0x48: {  	_ =	shalt  }
0x49: {  	_ =	shalt  }
0x4a: {  	_ =	shalt  }
0x4b: {  	_ =	shalt  }
0x4c: {  	_ =	shalt  }
0x4d: {  	_ =	shalt  }
0x4e: {  	_ =	shalt  }
0x4f: {  	_ =	shalt  }
0x50: {  	_ =	shalt  }
0x51: {  	_ =	shalt  }
0x52: {  	_ =	shalt  }
0x53: {  	_ =	shalt  }
0x54: {  	_ =	shalt  }
0x55: {  	_ =	shalt  }
0x56: {  	_ =	shalt  }
0x57: {  	_ =	shalt  }
0x58: {  	_ =	shalt  }
0x59: {  	_ =	shalt  }
0x5a: {  	_ =	shalt  }
0x5b: {  	_ =	shalt  }
0x5c: {  	_ =	shalt  }
0x5d: {  	_ =	shalt  }
0x5e: {  	_ =	shalt  }
0x5f: {  	_ =	shalt  }
0x60: {  	_ =	shalt  }
0x61: {  	_ =	shalt  }
0x62: {  	_ =	shalt  }
0x63: {  	_ =	shalt  }
0x64: {  	_ =	shalt  }
0x65: {  	_ =	shalt  }
0x66: {  	_ =	shalt  }
0x67: {  	_ =	shalt  }
0x68: {  	_ =	shalt  }
0x69: {  	_ =	shalt  }
0x6a: {  	_ =	shalt  }
0x6b: {  	_ =	shalt  }
0x6c: {  	_ =	shalt  }
0x6d: {  	_ =	shalt  }
0x6e: {  	_ =	shalt  }
0x6f: {  	_ =	shalt  }
0x70: {  	_ =	shalt  }
0x71: {  	_ =	shalt  }
0x72: {  	_ =	shalt  }
0x73: {  	_ =	shalt  }
0x74: {  	_ =	shalt  }
0x75: {  	_ =	shalt  }
0x76: {  	_ =	shalt  }
0x77: {  	_ =	shalt  }
0x78: {  	_ =	shalt  }
0x79: {  	_ =	shalt  }
0x7a: {  	_ =	shalt  }
0x7b: {  	_ =	shalt  }
0x7c: {  	_ =	shalt  }
0x7d: {  	_ =	shalt  }
0x7e: {  	_ =	shalt  }
0x7f: {  	_ =	shalt  }
0x80: {  	_ =	shalt  }
0x81: {  	_ =	shalt  }
0x82: {  	_ =	shalt  }
0x83: {  	_ =	shalt  }
0x84: {  	_ =	shalt  }
0x85: {  	_ =	shalt  }
0x86: {  	_ =	shalt  }
0x87: {  	_ =	shalt  }
.Lfunc_end0:
.L_simem_size_0:
called_computation_lowered:
.L_overlay_start_0:
0x88: {  	s2 =	sld [smem:$0x3FD9]  }
0x89: {  	s3 =	sld [smem:$0x3FFE];
	_ =	sdelay $0x1  }
0x8a: {  	s1 =	srdreg.scid  }
0x8b: {  	s0 =	sand.u32 $0x1, s1  }
0x8c: {  	s16 =	sshll.u32 s0, $0xA;
	s2 =	sadd.s32 s3, s2  }
0x8d: {  	s2 =	sadd.s32 s2, s16  }
0x8e: {  	[smem:$0x3FC1] =	sst s2  }
0x8f: {  	_ = 	snop  }
0x90: {  	(tm) =	ssettm $0x1  }
0x91: {  	s17 =	sld [smem:$0x3FFB];
	_ =	sdelay $0x3  }
0x92: {  	_ =	strace s17  }
0x93: {  	s2 =	sld [smem:$0x3FFC];
	_ =	sdelay $0x3  }
0x94: {  	_ =	strace s2  }
0x95: {  	s2 =	sld [smem:$0x3FFD];
	_ =	sdelay $0x3  }
0x96: {  	_ =	strace s2  }
0x97: {  	_ =	strace $0x8FFFFFFF  }
0x98: {  	s18 =	sld [smem:$0x3FDB];
	_ =	sdelay $0x1  }
0x99: {  	s19 =	simm.s32 $_scs_section_size  }
0x9a: {  	s4 =	simm.s32 $_size__tile_overlayer_lowered;
	s5 =	simm.s32 $_tile_overlayer_lowered  }
0x9b: {  	s22 =	simm.s32 $0x1BFF;
	s21 =	sshll.u32 s5, $0x1;
	s2 =	sadd.s32 s19, s18  }
0x9c: {  	s6 =	simm.s32 $0x0;
	s20 =	sshll.u32 s4, $0x1;
	s4 =	sadd.s32 s21, s2  }
0x9d: {  	[timem:s6], [sflag:s22] =	dma.local [hbm:s4], s20  }
0x9e: {  	_ =	swait.ge [sflag:s22], s20  }
0x9f: {  	s3 =	ssub.s32 $0x0, s20;
	[sflag:s22] =	ssyncset.done $0x0  }
0xa0: {  	[sflag:s22] =	ssyncadd.s32 s3;
	_ =	sdelay $0x1  }
0xa1: {  	s23 =	simm.s32 $0x1B8B  }
0xa2: {  	_ =	swait.ge [sflag:s23], $0x1  }
0xa3: {  	[sflag:s23] =	ssyncset.done $0x0  }
0xa4: {  	s25 =	simm.s32 $0x1B8E;
	s24 =	sld [smem:$0x3FFE];
	[sflag:s23] =	ssyncadd.s32 $0xFFFFFFFF  }
0xa5: {  	s26 =	simm.s32 $execute0_lowered;
	[smem:$0x3FD2] =	sst s25  }
0xa6: {  	s4 =	sshll.u32 s26, $0x1;
	_ =	strace $0x80000046;
	[dreg:$0x1] =	wrdreg $0xFFFFFFFF  }
0xa7: {  	s28 =	simm.s32 $_size_execute0_lowered;
	s2 =	sadd.s32 s2, s4;
	[dreg:$0x0] =	wrdreg $0x0  }
0xa8: {  	s4 =	sshll.u32 s28, $0x1;
	[dreg:$0x2] =	wrdreg s2  }
0xa9: {  	[dreg:$0x3] =	wrdreg s4  }
0xaa: {  	[dreg:$0x4] =	wrdreg $0xC0  }
0xab: {  	_ =	task [dreg:s6], $0x5FFFF  }
0xac: {  	[dreg:$0x1] =	wrdreg $0xFFFFFFFF  }
0xad: {  	[dreg:$0x0] =	wrdreg $0x60  }
0xae: {  	[dreg:$0x2] =	wrdreg s24  }
0xaf: {  	[dreg:$0x3] =	wrdreg $0x2B000  }
0xb0: {  	[dreg:$0x4] =	wrdreg $0x9  }
0xb1: {  	_ =	task.clear_ibuf [dreg:s6], $0x5FFFF;
	_ =	strace $0x90000046  }
0xb2: {  	s29 =	simm.s32 $0x9;
	_ =	strace $0x80000048  }
0xb3: {  	_ =	swait.ge [sflag:s29], $0x1  }
0xb4: {  	[sflag:s29] =	ssyncadd.s32 $0xFFFFFFFF  }
0xb5: {  	_ =	strace $0x90000048  }
0xb6: {  	_ =	sfence  }
0xb7: {  	s30 =	sld [smem:$0x0];
	_ =	sdelay $0x2  }
0xb8: {  	s31 =	sshll.u32 s1, $0xD;
	s1 =	sshrl.u32 s1, $0x2  }
0xb9: {  	s3 =	sand.u32 $0x4000, s31;
	s1 =	sadd.s32 s1, s30  }
0xba: {  	s0 =	sor.u32 s3, s0;
	s1 =	sshll.u32 s1, $0x11  }
0xbb: {  	s0 =	sor.u32 s1, s0  }
0xbc: {  	s0 =	sadd.s32 $0x8F2B, s0  }
0xbd: {  	[sflag:s0] =	ssyncadd.remote.s32 $0x1  }
0xbe: {  	_ =	sfence.sel $0xFFFF  }
0xbf: {  	[dreg:$0x0] =	wrdreg $0xFFFFFFFF;
	(pc) =	sbr.abs _section_cstart, $3  }
0xc0: {  	[dreg:$0x1] =	wrdreg $0xFFFFFFFF  }
0xc1: {  	_ =	task.clear_ibuf [dreg:s6], $0x2FFFF;
	_ =	strace $0x9FFFFFFF  }
0xc2: {  	(tm) =	ssettm $0x7FFFFFFF  }
0xc3: {  	_ =	shalt  }
tec
execute0_lowered:
.L_overlay_start_1:
0x0: {  	(tag) =	ssettag $0x1  }
0x1: {  	s4 =	rddreg [dreg:$0x0]  }
0x2: {  	s1 =	rddreg [dreg:$0x1]  }
0x3: {  	s2 =	srdreg.scid;
	s0 =	rddreg [dreg:$0x2];
	s3 =	simm.s32 $0x0  }
0x4: {  	s10 =	simm.s32 $0x40;
	s11 =	simm.s32 $0x2800;
	s12 =	simm.s32 $0x1  }
0x5: {  	s15 =	simm.s32 $0x20;
	s16 =	simm.s32 $0x10;
	s17 =	simm.s32 $0x0  }
0x6: {  	s5 =	sand.u32 $0x1, s2;
	s2 =	stileid.u32;
	[smem:$0x7FF] =	sst s3  }
0x7: {  	s6 =	sshll.u32 s5, $0x4;
	s7 =	smul.u32 $0x500, s2;
	_ =	strace $0x80000047  }
0x8: {  	s8 =	sshll.u32 s5, $0x7;
	s5 =	ssub.s32 $0x2, s5;
	s30 =	smul.u32 $0xA00, s2  }
0x9: {  	s13 =	sshll.u32 s2, $0x6;
	s6 =	sor.u32 s2, s6;
	s9 =	sshrl.u32 s5, $0x1  }
0xa: {  	s13 =	sor.u32 $0x1C02, s13;
	s6 =	smul.u32 $0x500, s6;
	s7 =	sor.u32 s8, s7  }
0xb: {  	s9 =	ssub.s32 s5, s9;
	s31 =	sshrl.u32 s30, $0x2;
	s7 =	sshrl.u32 s7, $0x3  }
0xc: {  	s8 =	simm.s32 $0x2880;
	s6 =	sadd.s32 s6, s4;
	s7 =	sadd.s32 s7, s4  }
0xd: {  	s4 =	sadd.s32 s31, s1;
	s5 =	sadd.s32 $0x2600, s6;
	s6 =	sadd.s32 $0xC600, s7  }
0xe: {  	v0 =	vimm.f32 $0.0e+00;
	v1 =	vimm.f32 $1.000000000e+00;
	s7 =	smax.u32 s9, $0x1;
	s9 =	simm.s32 $0x2;
	s14 =	sshrl.u32 s4, $0x3  }
.LBB2_1:
0xf: {  	[tilespmem:$0x2880] =	vst v0  }
0x10: {  	[tilespmem:$0x2890] =	vst v0  }
0x11: {  	[tilespmem:$0x28A0] =	vst v0  }
0x12: {  	[tilespmem:$0x28B0] =	vst v0  }
0x13: {  	[tilespmem:$0x28C0] =	vst v0  }
0x14: {  	[tilespmem:$0x28D0] =	vst v0  }
0x15: {  	[tilespmem:$0x28E0] =	vst v0  }
0x16: {  	[tilespmem:$0x28F0] =	vst v0  }
0x17: {  	[tilespmem:$0x2900] =	vst v0  }
0x18: {  	[tilespmem:$0x2910] =	vst v0  }
0x19: {  	[tilespmem:$0x2920] =	vst v0  }
0x1a: {  	[tilespmem:$0x2930] =	vst v0  }
0x1b: {  	[tilespmem:$0x2940] =	vst v0  }
0x1c: {  	[tilespmem:$0x2950] =	vst v0  }
0x1d: {  	[tilespmem:$0x2960] =	vst v0  }
0x1e: {  	[tilespmem:$0x2970] =	vst v0  }
0x1f: {  	[tilespmem:$0x2980] =	vst v0  }
0x20: {  	[tilespmem:$0x2990] =	vst v0  }
0x21: {  	[tilespmem:$0x29A0] =	vst v0  }
0x22: {  	[tilespmem:$0x29B0] =	vst v0  }
0x23: {  	[tilespmem:$0x29C0] =	vst v0  }
0x24: {  	[tilespmem:$0x29D0] =	vst v0  }
0x25: {  	[tilespmem:$0x29E0] =	vst v0  }
0x26: {  	[tilespmem:$0x29F0] =	vst v0  }
0x27: {  	[tilespmem:$0x2A00] =	vst v0  }
0x28: {  	[tilespmem:$0x2A10] =	vst v0  }
0x29: {  	[tilespmem:$0x2A20] =	vst v0  }
0x2a: {  	[tilespmem:$0x2A30] =	vst v0  }
0x2b: {  	[tilespmem:$0x2A40] =	vst v0  }
0x2c: {  	[tilespmem:$0x2A50] =	vst v0  }
0x2d: {  	[tilespmem:$0x2A60] =	vst v0  }
0x2e: {  	[tilespmem:$0x2A70] =	vst v0  }
0x2f: {  	[tilespmem:$0x2A80] =	vst v0  }
0x30: {  	[tilespmem:$0x2A90] =	vst v0  }
0x31: {  	[tilespmem:$0x2AA0] =	vst v0  }
0x32: {  	[tilespmem:$0x2AB0] =	vst v0  }
0x33: {  	[tilespmem:$0x2AC0] =	vst v0  }
0x34: {  	[tilespmem:$0x2AD0] =	vst v0  }
0x35: {  	[tilespmem:$0x2AE0] =	vst v0  }
0x36: {  	[tilespmem:$0x2AF0] =	vst v0  }
0x37: {  	[tilespmem:$0x2800] =	vst v1  }
0x38: {  	[tilespmem:$0x2810] =	vst v1  }
0x39: {  	[tilespmem:$0x2820] =	vst v1  }
0x3a: {  	[tilespmem:$0x2830] =	vst v1  }
0x3b: {  	[spmem:s4] =	stream.linear.scatter [tilespmem:s8], [sflag:$0x2], $0x280, $0x38;
	[tilespmem:$0x2D80] =	vst v63  }
0x3c: {  	_ =	swait.ge [sflag:s9], $0x280  }
0x3d: {  	[sflag:s9] =	ssyncset.done $0x0  }
0x3e: {  	[sflag:s9] =	ssyncadd.s32 $0xFFFFFD80  }
0x3f: {  	[tilespmem:s3], [sflag:$0x2] =	stream.linear.gather [hbm4b:s5+s3], $0x2800, $0x38;
	[tilespmem:$0x2D80] =	vst v63  }
0x40: {  	_ =	swait.ge [sflag:s9], $0x2800  }
0x41: {  	[sflag:s9] =	ssyncset.done $0x0  }
0x42: {  	[sflag:s9] =	ssyncadd.s32 $0xFFFFD800  }
0x43: {  	s18 =	simm.s32 $0x0;
	[bflag:$0x0] =	sbarrier.arrive $0xFFFF  }
.LBB2_2:
0x44: {  	p0 =	sne.s32 s18, $0x9E00  }
.Ltmp0:
0x45: {  	_ = 	snop;
	(pc) =	sbr.rel @p0 .LBB2_2-.Ltmp0, $3  }
0x46: {  	_ =	sdelay $0x1  }
0x47: {  	s19 =	sshra.s32 s18, $0x2;
	s18 =	sadd.s32 $0x200, s18  }
0x48: {  	[spmem:s1] =	stream.indirect.scatter.add.f32 [tilespmem:s11], [sflag:$0x1], $0x1, s19, s10, $0xb8;
	[tilespmem:$0x2D80] =	vst v63  }
0x49: {  	_ =	swait.ge [sflag:s12], $0x40  }
0x4a: {  	s18 =	simm.s32 $0x4F;
	[sflag:s12] =	ssyncset.done $0x0  }
.LBB2_4:
0x4b: {  	p0 =	sne.s32 s18, $0x1;
	s18 =	sadd.s32 $0xFFFFFFFF, s18;
	[sflag:s12] =	ssyncadd.s32 $0xFFFFFFC0  }
.Ltmp1:
0x4c: {  	(pc) =	sbr.rel @p0 .LBB2_4-.Ltmp1, $3  }
0x4d: {  	_ =	sdelay $0x1  }
0x4e: {  	_ =	swait.ge [sflag:s12], $0x40  }
0x4f: {  	[sflag:s12] =	ssyncset.done $0x0  }
0x50: {  	s17 =	sadd.s32 $0x1, s17  }
0x51: {  	[sflag:s12] =	ssyncadd.s32 $0xFFFFFFC0;
	p0 =	sne.s32 s17, s7  }
.Ltmp2:
0x52: {  	[bflag:$0x0] =	sbarrier.arrive $0xFFFF;
	(pc) =	sbr.rel @p0 .LBB2_1-.Ltmp2, $4  }
0x53: {  	[hbm:s6@s15], [sflag:s13] =	dma.strided [spmem:s14@s16], $0x50, s12, $0x10   }
0x54: {  	_ =	swait.ge [sflag:s9], $0x50  }
0x55: {  	[sflag:s9] =	ssyncset.done $0x0  }
0x56: {  	[sflag:s9] =	ssyncadd.s32 $0xFFFFFFB0  }
0x57: {  	_ =	sfence.sel $0x180000  }
0x58: {  	[bflag:$0x0] =	sbarrier.arrive $0xFFFF  }
0x59: {  	p0 =	sne.s32 s2, $0x0;
	_ =	strace $0x90000047  }
0x5a: {  	s0 =	sadd.s32 @!p0 $0x100000, s0;
	[bflag:$0x2] =	sbarrier.arrive $0xFFFF  }
0x5b: {  	[sflag:s0] =	ssyncadd.tile.s32 @!p0 $0x1;
	_ =	shalt  }
.Lfunc_end2:
_tile_overlayer_lowered:
.L_overlay_start_2:
0x5c: {  	(tag) =	ssettag $0x2  }
0x5d: {  	s0 =	rddreg [dreg:$0x0];
	s2 =	stileid.u32  }
0x5e: {  	s1 =	rddreg [dreg:$0x1];
	p0 =	sne.s32 s2, $0x0  }
0x5f: {  	s3 =	rddreg [dreg:$0x2];
	[bflag:$0x3] =	sbarrier.arrive $0xFFFF;
	s2 =	simm.s32 @!p0 $0x1C02  }
0x60: {  	[timem:s3], [sflag:s2] =	dma.local @!p0 [hbm:s0], s1  }
0x61: {  	s0 =	simm.s32 @!p0 $0x2  }
0x62: {  	_ =	swait.ge @!p0 [sflag:s0], s1  }
0x63: {  	s1 =	ssub.s32 @!p0 $0x0, s1;
	[sflag:s0] =	ssyncset.done @!p0 $0x0  }
0x64: {  	[sflag:s0] =	ssyncadd.s32 @!p0 s1  }
0x65: {  	[bflag:$0x3] =	sbarrier.arrive $0xFFFF  }
0x66: {  	_ =	shalt  }

</sc_bundles>
